<compile_context>
chip_gen: v7x
topology: tpu7x:2x2x1
jax: 0.10.2.dev20260603
libtpu: 0.0.44.dev20260713+nightly
codegen_flags: <defaults>
</compile_context>

<pallas_src>
import functools

import jax
import jax.numpy as jnp
from jax import lax
from jax.experimental import pallas as pl
from jax.experimental.pallas import tpu as pltpu
from jax.experimental.pallas import tpu_sc as plsc

N = 10000
E = 320000
D = 128
G = 16
NC = 2
NS = 16
NW = NC * NS
EPW = E // NW
K = 40
PIPE = 5
CH = EPW // K
RPT = N // NS
BLK = 1000
NB = N // BLK
ZR = 25

_MESH = plsc.VectorSubcoreMesh(
    core_axis_name="c", subcore_axis_name="s", num_cores=NC, num_subcores=NS
)


@functools.partial(
    pl.kernel,
    out_type=jax.ShapeDtypeStruct((NB, NW, BLK), jnp.float32),
    mesh=_MESH,
    scratch_types=[
        pltpu.VMEM((EPW,), jnp.int32),
        pltpu.VMEM((EPW,), jnp.float32),
        pltpu.VMEM((NB, BLK), jnp.float32),
    ],
    compiler_params=pltpu.CompilerParams(
        needs_layout_passes=False, use_tc_tiling_on_sc=False),
)
def _sc_degree(e2_hbm, w_hbm, z_hbm, out_hbm, idx_v, w_v, deg_v):
    c = lax.axis_index("c")
    s = lax.axis_index("s")
    wid = c * NS + s

    pltpu.sync_copy(z_hbm, deg_v)
    pltpu.sync_copy(e2_hbm.at[0, wid], idx_v)
    pltpu.sync_copy(w_hbm.at[wid], w_v)

    def body(i, _):
        for u in range(5):
            idx = idx_v[pl.ds((5 * i + u) * 16, 16)]
            vals = jnp.abs(w_v[pl.ds((5 * i + u) * 16, 16)])
            ib = lax.shift_right_logical(idx * 8389, 23)
            plsc.addupdate_scatter(deg_v, [ib, idx - ib * BLK], vals)
        return _

    lax.fori_loop(0, EPW // 80, body, None)
    for ib in range(NB):
        pltpu.sync_copy(deg_v.at[ib], out_hbm.at[ib, wid])


@functools.partial(
    pl.kernel,
    out_type=jax.ShapeDtypeStruct((NC, N, D), jnp.float32),
    mesh=_MESH,
    scratch_types=[
        pltpu.VMEM((CH, K), jnp.int32),
        pltpu.VMEM((CH, K), jnp.int32),
        [pltpu.VMEM((K, D), jnp.float32) for _ in range(PIPE)],
        pltpu.VMEM((ZR, D), jnp.float32),
        pltpu.VMEM_SHARED((N, D), jnp.float32),
        [pltpu.SemaphoreType.DMA for _ in range(PIPE)],
    ],
    compiler_params=pltpu.CompilerParams(
        needs_layout_passes=False, use_tc_tiling_on_sc=False),
)
def _sc_propagate(g_hbm, e4_hbm, out_hbm,
                  idxr_v, idxc_v, rows, zrow_v, acc_sh, sems):
    c = lax.axis_index("c")
    s = lax.axis_index("s")

    zeros16 = jnp.zeros((16,), jnp.float32)

    def zero_body(i, _):
        for k in range(D // 16):
            zrow_v[i, pl.ds(k * 16, 16)] = zeros16
        return _

    lax.fori_loop(0, ZR, zero_body, None)

    pltpu.sync_copy(e4_hbm.at[0, c, s], idxr_v)
    pltpu.sync_copy(e4_hbm.at[1, c, s], idxc_v)

    def zfill(r, _):
        pltpu.sync_copy(zrow_v, acc_sh.at[pl.ds(s * RPT + r * ZR, ZR), :])
        return _

    lax.fori_loop(0, RPT // ZR, zfill, None)
    for u in range(PIPE):
        pltpu.async_copy(g_hbm.at[idxr_v.at[u]], rows[u], sems[u])
    plsc.subcore_barrier()

    def body(t, _):
        for u in range(PIPE):
            j = PIPE * t + u
            pltpu.make_async_copy(g_hbm.at[idxr_v.at[j]], rows[u],
                                  sems[u]).wait()
            pltpu.sync_copy(rows[u], acc_sh.at[idxc_v.at[j]], add=True)
            pltpu.async_copy(g_hbm.at[idxr_v.at[j + PIPE]], rows[u], sems[u])
        return _

    lax.fori_loop(0, CH // PIPE - 1, body, None)
    for u in range(PIPE):
        j = CH - PIPE + u
        pltpu.make_async_copy(g_hbm.at[idxr_v.at[j]], rows[u], sems[u]).wait()
        pltpu.sync_copy(rows[u], acc_sh.at[idxc_v.at[j]], add=True)
    plsc.subcore_barrier()
    pltpu.sync_copy(acc_sh.at[pl.ds(s * RPT, RPT), :],
                    out_hbm.at[c, pl.ds(s * RPT, RPT), :])


def _dinv_block(deg_ref):
    deg = jnp.sum(deg_ref[0], axis=0)
    return jnp.where(deg > 0, lax.rsqrt(jnp.where(deg > 0, deg, 1.0)), 0.0)


def _tc_lin1_body(x_ref, w_ref, deg_ref, g_ref):
    h = lax.dot_general(x_ref[...], w_ref[...], (((1,), (1,)), ((), ())),
                        preferred_element_type=jnp.float32)
    g_ref[...] = h * _dinv_block(deg_ref)[:, None]


def _tc_lin1(x, w1, deg32):
    return pl.pallas_call(
        _tc_lin1_body,
        grid=(N // BLK,),
        in_specs=[
            pl.BlockSpec((BLK, D), lambda i: (i, 0)),
            pl.BlockSpec((D, D), lambda i: (0, 0)),
            pl.BlockSpec((1, NW, BLK), lambda i: (i, 0, 0)),
        ],
        out_specs=pl.BlockSpec((BLK, D), lambda i: (i, 0)),
        out_shape=jax.ShapeDtypeStruct((N, D), jnp.float32),
    )(x, w1, deg32)


def _tc_mid_body(p_ref, deg_ref, b1_ref, w2_ref, g_ref):
    dinv = _dinv_block(deg_ref)[:, None]
    t = dinv * (p_ref[0] + p_ref[1]) + b1_ref[...]
    t = jnp.where(t >= 0, t, 0.01 * t)
    h = lax.dot_general(t, w2_ref[...], (((1,), (1,)), ((), ())),
                        preferred_element_type=jnp.float32)
    g_ref[...] = h * dinv


def _tc_mid(p, deg32, b1, w2):
    return pl.pallas_call(
        _tc_mid_body,
        grid=(N // BLK,),
        in_specs=[
            pl.BlockSpec((NC, BLK, D), lambda i: (0, i, 0)),
            pl.BlockSpec((1, NW, BLK), lambda i: (i, 0, 0)),
            pl.BlockSpec((1, D), lambda i: (0, 0)),
            pl.BlockSpec((D, D), lambda i: (0, 0)),
        ],
        out_specs=pl.BlockSpec((BLK, D), lambda i: (i, 0)),
        out_shape=jax.ShapeDtypeStruct((N, D), jnp.float32),
    )(p, deg32, b1, w2)


def _tc_final_body(q_ref, deg_ref, b2_ref, bat_ref, wm_ref, bm_ref,
                   out_ref, sums_ref, cnt_ref):
    i = pl.program_id(0)

    @pl.when(i == 0)
    def _():
        sums_ref[...] = jnp.zeros_like(sums_ref)
        cnt_ref[...] = jnp.zeros_like(cnt_ref)

    t = _dinv_block(deg_ref)[:, None] * (q_ref[0] + q_ref[1]) + b2_ref[...]
    h = jnp.where(t >= 0, t, 0.01 * t)
    onehot = (lax.broadcasted_iota(jnp.int32, (BLK, G), 1)
              == bat_ref[...]).astype(jnp.float32)
    sums_ref[...] += lax.dot_general(onehot, h, (((0,), (0,)), ((), ())),
                                     preferred_element_type=jnp.float32)
    cnt_ref[...] += jnp.sum(onehot, axis=0)[:, None]

    @pl.when(i == N // BLK - 1)
    def _():
        pooled = sums_ref[...] / jnp.maximum(cnt_ref[...], 1.0)
        out_ref[...] = lax.dot_general(
            pooled, wm_ref[...], (((1,), (1,)), ((), ())),
            preferred_element_type=jnp.float32) + bm_ref[...]


def _tc_final(q, deg32, b2, bat2d, wm, bm):
    return pl.pallas_call(
        _tc_final_body,
        grid=(N // BLK,),
        in_specs=[
            pl.BlockSpec((NC, BLK, D), lambda i: (0, i, 0)),
            pl.BlockSpec((1, NW, BLK), lambda i: (i, 0, 0)),
            pl.BlockSpec((1, D), lambda i: (0, 0)),
            pl.BlockSpec((BLK, 1), lambda i: (i, 0)),
            pl.BlockSpec((2, D), lambda i: (0, 0)),
            pl.BlockSpec((1, 2), lambda i: (0, 0)),
        ],
        out_specs=pl.BlockSpec((G, 2), lambda i: (0, 0)),
        out_shape=jax.ShapeDtypeStruct((G, 2), jnp.float32),
        scratch_shapes=[
            pltpu.VMEM((G, D), jnp.float32),
            pltpu.VMEM((G, 1), jnp.float32),
        ],
    )(q, deg32, b2, bat2d, wm, bm)


def kernel(x, edge_index, edge_weights, batch, W1, b1, W2, b2, Wm, bm):
    ei = edge_index.astype(jnp.int32)
    e2 = ei.reshape(2, NW, EPW)
    e4 = ei.reshape(2, NC, NS, CH, K)
    w2 = edge_weights.reshape(NW, EPW)

    deg32 = _sc_degree(e2, w2, jnp.zeros((NB, BLK), jnp.float32))
    g0 = _tc_lin1(x, W1, deg32)
    p = _sc_propagate(g0, e4)
    g1 = _tc_mid(p, deg32, b1.reshape(1, D), W2)
    q = _sc_propagate(g1, e4)
    return _tc_final(q, deg32, b2.reshape(1, D),
                     batch.astype(jnp.int32).reshape(N, 1), Wm,
                     bm.reshape(1, 2))

# --- scband reference (transcript-rebuilt; emitter-appended) ---
"""Pipeline reference for scband-signed-gcn-11227044512441 (READ-ONLY COPY).

The authoritative reference and input builder live on the scoring server;
editing this copy changes nothing except your own understanding.
"""

import jax, jax.numpy as jnp
import numpy as np

N_NODES = 10000
N_EDGES = 320000
D_IN = 128
D_HID = 128
D_OUT = 128
N_GRAPHS = 16


def setup_inputs(seed: int = 0) -> dict:
    key = jax.random.key(seed)
    ks = jax.random.split(key, 10)
    x = jax.random.normal(ks[0], (N_NODES, D_IN), dtype=jnp.float32)
    edge_index = jax.random.randint(ks[1], (2, N_EDGES), 0, N_NODES, dtype=jnp.int64)
    edge_weights = jax.random.normal(ks[2], (N_EDGES,), dtype=jnp.float32)
    batch = jnp.sort(jax.random.randint(ks[3], (N_NODES,), 0, N_GRAPHS, dtype=jnp.int64))
    s1 = 1.0 / np.sqrt(D_IN)
    s2 = 1.0 / np.sqrt(D_HID)
    s3 = 1.0 / np.sqrt(D_OUT)
    W1 = jax.random.uniform(ks[4], (D_HID, D_IN), dtype=jnp.float32, minval=-s1, maxval=s1)
    b1 = jnp.zeros((D_HID,), dtype=jnp.float32)
    W2 = jax.random.uniform(ks[5], (D_OUT, D_HID), dtype=jnp.float32, minval=-s2, maxval=s2)
    b2 = jnp.zeros((D_OUT,), dtype=jnp.float32)
    Wm = jax.random.uniform(ks[6], (2, D_OUT), dtype=jnp.float32, minval=-s3, maxval=s3)
    bm = jax.random.uniform(ks[7], (2,), dtype=jnp.float32, minval=-s3, maxval=s3)
    return {"x": x, "edge_index": edge_index, "edge_weights": edge_weights,
            "batch": batch, "W1": W1, "b1": b1, "W2": W2, "b2": b2,
            "Wm": Wm, "bm": bm}


def _gcn_conv(x, W, b, edge_index, edge_weight):
    # x = self.lin(x)
    x = x @ W.T
    row = edge_index[0]
    col = edge_index[1]
    # deg = scatter(edge_weight.abs(), edge_index[0], reduce='sum')
    deg = jax.ops.segment_sum(jnp.abs(edge_weight), row, num_segments=N_NODES)
    # deg_inv_sqrt with inf -> 0
    safe = jnp.where(deg > 0, deg, 1.0)
    deg_inv_sqrt = jnp.where(deg > 0, safe ** -0.5, 0.0)
    norm = deg_inv_sqrt[row] * deg_inv_sqrt[col]
    # message: norm * x_j, aggregate (add) at target nodes
    msg = norm[:, None] * x[row]
    out = jax.ops.segment_sum(msg, col, num_segments=N_NODES)
    return out + b


def reference(x, edge_index, edge_weights, batch, W1, b1, W2, b2, Wm, bm):
    h = _gcn_conv(x, W1, b1, edge_index, edge_weights)
    h = jax.nn.leaky_relu(h, negative_slope=0.01)
    h = _gcn_conv(h, W2, b2, edge_index, edge_weights)
    h = jax.nn.leaky_relu(h, negative_slope=0.01)
    # global_mean_pool over batch ids
    sums = jax.ops.segment_sum(h, batch, num_segments=N_GRAPHS)
    counts = jax.ops.segment_sum(jnp.ones((h.shape[0],), dtype=h.dtype), batch,
                                 num_segments=N_GRAPHS)
    pooled = sums / jnp.maximum(counts, 1.0)[:, None]
    return pooled @ Wm.T + bm

if __name__ == "__main__":
    import jax
    _d = setup_inputs()
    print(jax.jit(kernel)(*tuple(_d.values())))

</pallas_src>

<mosaic_0001>
#map = affine_map<(d0, d1) -> (0, 0)>
#map1 = affine_map<(d0, d1) -> (0, 0, 0, 0, 0)>
#map2 = affine_map<(d0, d1) -> (0, 0, 0)>
module attributes {stable_mosaic.version = 14 : i64} {
  func.func @_sc_propagate(%arg0: i32, %arg1: i32, %arg2: memref<10000x128xf32, #tpu.memory_space<hbm>>, %arg3: memref<2x2x16x250x40xi32, #tpu.memory_space<hbm>>, %arg4: memref<2x10000x128xf32, #tpu.memory_space<hbm>>, %arg5: memref<250x40xi32, #tpu.memory_space<vmem>>, %arg6: memref<250x40xi32, #tpu.memory_space<vmem>>, %arg7: memref<40x128xf32, #tpu.memory_space<vmem>>, %arg8: memref<40x128xf32, #tpu.memory_space<vmem>>, %arg9: memref<40x128xf32, #tpu.memory_space<vmem>>, %arg10: memref<40x128xf32, #tpu.memory_space<vmem>>, %arg11: memref<40x128xf32, #tpu.memory_space<vmem>>, %arg12: memref<25x128xf32, #tpu.memory_space<vmem>>, %arg13: memref<10000x128xf32, #tpu.memory_space<vmem_shared>>, %arg14: memref<!tpu.dma_semaphore, #tpu.memory_space<semaphore_mem>>, %arg15: memref<!tpu.dma_semaphore, #tpu.memory_space<semaphore_mem>>, %arg16: memref<!tpu.dma_semaphore, #tpu.memory_space<semaphore_mem>>, %arg17: memref<!tpu.dma_semaphore, #tpu.memory_space<semaphore_mem>>, %arg18: memref<!tpu.dma_semaphore, #tpu.memory_space<semaphore_mem>>) attributes {dimension_semantics = [#tpu.dimension_semantics<core_parallel>, #tpu.dimension_semantics<subcore_parallel>], iteration_bounds = array<i64: 2, 16>, scalar_prefetch = 0 : i64, scratch_operands = 14 : i64, tpu.core_type = #tpu.core_type<sc_vector_subcore>, window_params = [{transform_indices = #map}, {transform_indices = #map1}, {transform_indices = #map2}]} {
    %broadcast_in_dim3A = arith.constant 0.000000e+00 : f32
    %broadcast_in_dim3A_0 = vector.broadcast %broadcast_in_dim3A : f32 to vector<16xf32>
    %scan3A = arith.constant 0 : i32
    %scan3A_1 = arith.constant 25 : i32
    %scan3A_2 = arith.addi %scan3A, %scan3A_1 : i32
    %scan3A_3 = arith.constant 1 : i32
    scf.for %scan3A_93 = %scan3A to %scan3A_2 step %scan3A_3  : i32 {
      %swap3A = arith.index_cast %scan3A_93 : i32 to index
      %swap3A_94 = arith.constant 0 : index
      %swap3A_95 = tpu.vector_load %arg12[%swap3A, %swap3A_94] {strides = array<i32>} : memref<25x128xf32, #tpu.memory_space<vmem>>, vector<16xf32>,
      tpu.vector_store %arg12[%swap3A, %swap3A_94], %broadcast_in_dim3A_0 {strides = array<i32>} : memref<25x128xf32, #tpu.memory_space<vmem>>, vector<16xf32>,
      %swap3A_96 = arith.index_cast %scan3A_93 : i32 to index
      %swap3A_97 = arith.constant 16 : index
      %swap3A_98 = tpu.vector_load %arg12[%swap3A_96, %swap3A_97] {strides = array<i32>} : memref<25x128xf32, #tpu.memory_space<vmem>>, vector<16xf32>,
      tpu.vector_store %arg12[%swap3A_96, %swap3A_97], %broadcast_in_dim3A_0 {strides = array<i32>} : memref<25x128xf32, #tpu.memory_space<vmem>>, vector<16xf32>,
      %swap3A_99 = arith.index_cast %scan3A_93 : i32 to index
      %swap3A_100 = arith.constant 32 : index
      %swap3A_101 = tpu.vector_load %arg12[%swap3A_99, %swap3A_100] {strides = array<i32>} : memref<25x128xf32, #tpu.memory_space<vmem>>, vector<16xf32>,
      tpu.vector_store %arg12[%swap3A_99, %swap3A_100], %broadcast_in_dim3A_0 {strides = array<i32>} : memref<25x128xf32, #tpu.memory_space<vmem>>, vector<16xf32>,
      %swap3A_102 = arith.index_cast %scan3A_93 : i32 to index
      %swap3A_103 = arith.constant 48 : index
      %swap3A_104 = tpu.vector_load %arg12[%swap3A_102, %swap3A_103] {strides = array<i32>} : memref<25x128xf32, #tpu.memory_space<vmem>>, vector<16xf32>,
      tpu.vector_store %arg12[%swap3A_102, %swap3A_103], %broadcast_in_dim3A_0 {strides = array<i32>} : memref<25x128xf32, #tpu.memory_space<vmem>>, vector<16xf32>,
      %swap3A_105 = arith.index_cast %scan3A_93 : i32 to index
      %swap3A_106 = arith.constant 64 : index
      %swap3A_107 = tpu.vector_load %arg12[%swap3A_105, %swap3A_106] {strides = array<i32>} : memref<25x128xf32, #tpu.memory_space<vmem>>, vector<16xf32>,
      tpu.vector_store %arg12[%swap3A_105, %swap3A_106], %broadcast_in_dim3A_0 {strides = array<i32>} : memref<25x128xf32, #tpu.memory_space<vmem>>, vector<16xf32>,
      %swap3A_108 = arith.index_cast %scan3A_93 : i32 to index
      %swap3A_109 = arith.constant 80 : index
      %swap3A_110 = tpu.vector_load %arg12[%swap3A_108, %swap3A_109] {strides = array<i32>} : memref<25x128xf32, #tpu.memory_space<vmem>>, vector<16xf32>,
      tpu.vector_store %arg12[%swap3A_108, %swap3A_109], %broadcast_in_dim3A_0 {strides = array<i32>} : memref<25x128xf32, #tpu.memory_space<vmem>>, vector<16xf32>,
      %swap3A_111 = arith.index_cast %scan3A_93 : i32 to index
      %swap3A_112 = arith.constant 96 : index
      %swap3A_113 = tpu.vector_load %arg12[%swap3A_111, %swap3A_112] {strides = array<i32>} : memref<25x128xf32, #tpu.memory_space<vmem>>, vector<16xf32>,
      tpu.vector_store %arg12[%swap3A_111, %swap3A_112], %broadcast_in_dim3A_0 {strides = array<i32>} : memref<25x128xf32, #tpu.memory_space<vmem>>, vector<16xf32>,
      %swap3A_114 = arith.index_cast %scan3A_93 : i32 to index
      %swap3A_115 = arith.constant 112 : index
      %swap3A_116 = tpu.vector_load %arg12[%swap3A_114, %swap3A_115] {strides = array<i32>} : memref<25x128xf32, #tpu.memory_space<vmem>>, vector<16xf32>,
      tpu.vector_store %arg12[%swap3A_114, %swap3A_115], %broadcast_in_dim3A_0 {strides = array<i32>} : memref<25x128xf32, #tpu.memory_space<vmem>>, vector<16xf32>,
    }
    %scan3A_4 = arith.constant 25 : i32
    %run_scoped3A = arith.constant 0 : i32
    "tpu.region"() ({
      %run_scoped3A_93 = tpu.sem_alloc : memref<!tpu.dma_semaphore, #tpu.memory_space<semaphore_mem>>
      %dma_start3A_94 = arith.constant 0 : i32
      %dma_start3A_95 = arith.constant 0 : i32
      %dma_start3A_96 = tpu.memref_slice %arg3[%run_scoped3A, %arg0, %arg1, %dma_start3A_94, %dma_start3A_95] : memref<2x2x16x250x40xi32, #tpu.memory_space<hbm>> -> memref<1x1x1x250x40xi32, #tpu.memory_space<hbm>>
      %dma_start3A_97 = tpu.memref_squeeze %dma_start3A_96 : memref<1x1x1x250x40xi32, #tpu.memory_space<hbm>> -> memref<250x40xi32, #tpu.memory_space<hbm>>
      %dma_start3A_98 = arith.constant 0 : i32
      %dma_start3A_99 = arith.constant 0 : i32
      %dma_start3A_100 = tpu.memref_slice %arg3[%run_scoped3A, %arg0, %arg1, %dma_start3A_98, %dma_start3A_99] : memref<2x2x16x250x40xi32, #tpu.memory_space<hbm>> -> memref<1x1x1x250x40xi32, #tpu.memory_space<hbm>>
      %dma_start3A_101 = tpu.memref_squeeze %dma_start3A_100 : memref<1x1x1x250x40xi32, #tpu.memory_space<hbm>> -> memref<250x40xi32, #tpu.memory_space<hbm>>
      tpu.enqueue_dma source(%dma_start3A_101 : memref<250x40xi32, #tpu.memory_space<hbm>>) target(%arg5 : memref<250x40xi32, #tpu.memory_space<vmem>>) target_semaphore(%run_scoped3A_93 : memref<!tpu.dma_semaphore, #tpu.memory_space<semaphore_mem>>)
      %dma_wait3A_102 = arith.constant 0 : i32
      %dma_wait3A_103 = arith.constant 0 : i32
      %dma_wait3A_104 = tpu.memref_slice %arg3[%run_scoped3A, %arg0, %arg1, %dma_wait3A_102, %dma_wait3A_103] : memref<2x2x16x250x40xi32, #tpu.memory_space<hbm>> -> memref<1x1x1x250x40xi32, #tpu.memory_space<hbm>>
      %dma_wait3A_105 = tpu.memref_squeeze %dma_wait3A_104 : memref<1x1x1x250x40xi32, #tpu.memory_space<hbm>> -> memref<250x40xi32, #tpu.memory_space<hbm>>
      %dma_wait3A_106 = arith.constant 0 : i32
      %dma_wait3A_107 = arith.constant 0 : i32
      %dma_wait3A_108 = tpu.memref_slice %arg3[%run_scoped3A, %arg0, %arg1, %dma_wait3A_106, %dma_wait3A_107] : memref<2x2x16x250x40xi32, #tpu.memory_space<hbm>> -> memref<1x1x1x250x40xi32, #tpu.memory_space<hbm>>
      %dma_wait3A_109 = tpu.memref_squeeze %dma_wait3A_108 : memref<1x1x1x250x40xi32, #tpu.memory_space<hbm>> -> memref<250x40xi32, #tpu.memory_space<hbm>>
      tpu.wait_dma2 semaphore(%run_scoped3A_93 : memref<!tpu.dma_semaphore, #tpu.memory_space<semaphore_mem>>) src(%dma_wait3A_109 : memref<250x40xi32, #tpu.memory_space<hbm>>) dst(%arg5 : memref<250x40xi32, #tpu.memory_space<vmem>>)
      tpu.yield
    }) : () -> ()
    %run_scoped3A_5 = arith.constant 1 : i32
    "tpu.region"() ({
      %run_scoped3A_93 = tpu.sem_alloc : memref<!tpu.dma_semaphore, #tpu.memory_space<semaphore_mem>>
      %dma_start3A_94 = arith.constant 0 : i32
      %dma_start3A_95 = arith.constant 0 : i32
      %dma_start3A_96 = tpu.memref_slice %arg3[%run_scoped3A_5, %arg0, %arg1, %dma_start3A_94, %dma_start3A_95] : memref<2x2x16x250x40xi32, #tpu.memory_space<hbm>> -> memref<1x1x1x250x40xi32, #tpu.memory_space<hbm>>
      %dma_start3A_97 = tpu.memref_squeeze %dma_start3A_96 : memref<1x1x1x250x40xi32, #tpu.memory_space<hbm>> -> memref<250x40xi32, #tpu.memory_space<hbm>>
      %dma_start3A_98 = arith.constant 0 : i32
      %dma_start3A_99 = arith.constant 0 : i32
      %dma_start3A_100 = tpu.memref_slice %arg3[%run_scoped3A_5, %arg0, %arg1, %dma_start3A_98, %dma_start3A_99] : memref<2x2x16x250x40xi32, #tpu.memory_space<hbm>> -> memref<1x1x1x250x40xi32, #tpu.memory_space<hbm>>
      %dma_start3A_101 = tpu.memref_squeeze %dma_start3A_100 : memref<1x1x1x250x40xi32, #tpu.memory_space<hbm>> -> memref<250x40xi32, #tpu.memory_space<hbm>>
      tpu.enqueue_dma source(%dma_start3A_101 : memref<250x40xi32, #tpu.memory_space<hbm>>) target(%arg6 : memref<250x40xi32, #tpu.memory_space<vmem>>) target_semaphore(%run_scoped3A_93 : memref<!tpu.dma_semaphore, #tpu.memory_space<semaphore_mem>>)
      %dma_wait3A_102 = arith.constant 0 : i32
      %dma_wait3A_103 = arith.constant 0 : i32
      %dma_wait3A_104 = tpu.memref_slice %arg3[%run_scoped3A_5, %arg0, %arg1, %dma_wait3A_102, %dma_wait3A_103] : memref<2x2x16x250x40xi32, #tpu.memory_space<hbm>> -> memref<1x1x1x250x40xi32, #tpu.memory_space<hbm>>
      %dma_wait3A_105 = tpu.memref_squeeze %dma_wait3A_104 : memref<1x1x1x250x40xi32, #tpu.memory_space<hbm>> -> memref<250x40xi32, #tpu.memory_space<hbm>>
      %dma_wait3A_106 = arith.constant 0 : i32
      %dma_wait3A_107 = arith.constant 0 : i32
      %dma_wait3A_108 = tpu.memref_slice %arg3[%run_scoped3A_5, %arg0, %arg1, %dma_wait3A_106, %dma_wait3A_107] : memref<2x2x16x250x40xi32, #tpu.memory_space<hbm>> -> memref<1x1x1x250x40xi32, #tpu.memory_space<hbm>>
      %dma_wait3A_109 = tpu.memref_squeeze %dma_wait3A_108 : memref<1x1x1x250x40xi32, #tpu.memory_space<hbm>> -> memref<250x40xi32, #tpu.memory_space<hbm>>
      tpu.wait_dma2 semaphore(%run_scoped3A_93 : memref<!tpu.dma_semaphore, #tpu.memory_space<semaphore_mem>>) src(%dma_wait3A_109 : memref<250x40xi32, #tpu.memory_space<hbm>>) dst(%arg6 : memref<250x40xi32, #tpu.memory_space<vmem>>)
      tpu.yield
    }) : () -> ()
    %scan3A_6 = arith.constant 0 : i32
    %scan3A_7 = arith.constant 25 : i32
    %scan3A_8 = arith.addi %scan3A_6, %scan3A_7 : i32
    %scan3A_9 = arith.constant 1 : i32
    scf.for %scan3A_93 = %scan3A_6 to %scan3A_8 step %scan3A_9  : i32 {
      %mul3A_94 = arith.constant 625 : i32
      %mul3A_95 = arith.muli %arg1, %mul3A_94 : i32
      %mul3A_96 = arith.constant 25 : i32
      %mul3A_97 = arith.muli %scan3A_93, %mul3A_96 : i32
      %add3A = arith.addi %mul3A_95, %mul3A_97 : i32
      "tpu.region"() ({
        %run_scoped3A_98 = tpu.sem_alloc : memref<!tpu.dma_semaphore, #tpu.memory_space<semaphore_mem>>
        %dma_start3A_99 = arith.constant 0 : i32
        %dma_start3A_100 = tpu.memref_slice %arg13[%add3A, %dma_start3A_99] : memref<10000x128xf32, #tpu.memory_space<vmem_shared>> -> memref<25x128xf32, #tpu.memory_space<vmem_shared>>
        %dma_start3A_101 = arith.constant 0 : i32
        %dma_start3A_102 = tpu.memref_slice %arg13[%add3A, %dma_start3A_101] : memref<10000x128xf32, #tpu.memory_space<vmem_shared>> -> memref<25x128xf32, #tpu.memory_space<vmem_shared>>
        tpu.enqueue_dma source(%arg12 : memref<25x128xf32, #tpu.memory_space<vmem>>) target(%dma_start3A_102 : memref<25x128xf32, #tpu.memory_space<vmem_shared>>) target_semaphore(%run_scoped3A_98 : memref<!tpu.dma_semaphore, #tpu.memory_space<semaphore_mem>>)
        %dma_wait3A_103 = arith.constant 0 : i32
        %dma_wait3A_104 = tpu.memref_slice %arg13[%add3A, %dma_wait3A_103] : memref<10000x128xf32, #tpu.memory_space<vmem_shared>> -> memref<25x128xf32, #tpu.memory_space<vmem_shared>>
        %dma_wait3A_105 = arith.constant 0 : i32
        %dma_wait3A_106 = tpu.memref_slice %arg13[%add3A, %dma_wait3A_105] : memref<10000x128xf32, #tpu.memory_space<vmem_shared>> -> memref<25x128xf32, #tpu.memory_space<vmem_shared>>
        tpu.wait_dma2 semaphore(%run_scoped3A_98 : memref<!tpu.dma_semaphore, #tpu.memory_space<semaphore_mem>>) src(%arg12 : memref<25x128xf32, #tpu.memory_space<vmem>>) dst(%dma_wait3A_106 : memref<25x128xf32, #tpu.memory_space<vmem_shared>>)
        tpu.yield
      }) : () -> ()
    }
    %scan3A_10 = arith.constant 25 : i32
    %dma_start3A = arith.constant 0 : i32
    %dma_start3A_11 = arith.constant 0 : i32
    %dma_start3A_12 = tpu.memref_slice %arg5[%dma_start3A, %dma_start3A_11] : memref<250x40xi32, #tpu.memory_space<vmem>> -> memref<1x40xi32, #tpu.memory_space<vmem>>
    %dma_start3A_13 = tpu.memref_squeeze %dma_start3A_12 : memref<1x40xi32, #tpu.memory_space<vmem>> -> memref<40xi32, #tpu.memory_space<vmem>>
    %dma_start3A_14 = arith.constant 0 : i32
    %dma_start3A_15 = arith.constant 0 : i32
    %dma_start3A_16 = tpu.memref_slice %arg2[%dma_start3A_14, %dma_start3A_15] : memref<10000x128xf32, #tpu.memory_space<hbm>> -> memref<10000x128xf32, #tpu.memory_space<hbm>>
    tpu.enqueue_indirect_dma source(%dma_start3A_16 : memref<10000x128xf32, #tpu.memory_space<hbm>>) target(%arg7 : memref<40x128xf32, #tpu.memory_space<vmem>>) offsets(%dma_start3A_13 : memref<40xi32, #tpu.memory_space<vmem>>) semaphore(%arg14 : memref<!tpu.dma_semaphore, #tpu.memory_space<semaphore_mem>>)
    %dma_start3A_17 = arith.constant 1 : i32
    %dma_start3A_18 = arith.constant 0 : i32
    %dma_start3A_19 = tpu.memref_slice %arg5[%dma_start3A_17, %dma_start3A_18] : memref<250x40xi32, #tpu.memory_space<vmem>> -> memref<1x40xi32, #tpu.memory_space<vmem>>
    %dma_start3A_20 = tpu.memref_squeeze %dma_start3A_19 : memref<1x40xi32, #tpu.memory_space<vmem>> -> memref<40xi32, #tpu.memory_space<vmem>>
    %dma_start3A_21 = arith.constant 0 : i32
    %dma_start3A_22 = arith.constant 0 : i32
    %dma_start3A_23 = tpu.memref_slice %arg2[%dma_start3A_21, %dma_start3A_22] : memref<10000x128xf32, #tpu.memory_space<hbm>> -> memref<10000x128xf32, #tpu.memory_space<hbm>>
    tpu.enqueue_indirect_dma source(%dma_start3A_23 : memref<10000x128xf32, #tpu.memory_space<hbm>>) target(%arg8 : memref<40x128xf32, #tpu.memory_space<vmem>>) offsets(%dma_start3A_20 : memref<40xi32, #tpu.memory_space<vmem>>) semaphore(%arg15 : memref<!tpu.dma_semaphore, #tpu.memory_space<semaphore_mem>>)
    %dma_start3A_24 = arith.constant 2 : i32
    %dma_start3A_25 = arith.constant 0 : i32
    %dma_start3A_26 = tpu.memref_slice %arg5[%dma_start3A_24, %dma_start3A_25] : memref<250x40xi32, #tpu.memory_space<vmem>> -> memref<1x40xi32, #tpu.memory_space<vmem>>
    %dma_start3A_27 = tpu.memref_squeeze %dma_start3A_26 : memref<1x40xi32, #tpu.memory_space<vmem>> -> memref<40xi32, #tpu.memory_space<vmem>>
    %dma_start3A_28 = arith.constant 0 : i32
    %dma_start3A_29 = arith.constant 0 : i32
    %dma_start3A_30 = tpu.memref_slice %arg2[%dma_start3A_28, %dma_start3A_29] : memref<10000x128xf32, #tpu.memory_space<hbm>> -> memref<10000x128xf32, #tpu.memory_space<hbm>>
    tpu.enqueue_indirect_dma source(%dma_start3A_30 : memref<10000x128xf32, #tpu.memory_space<hbm>>) target(%arg9 : memref<40x128xf32, #tpu.memory_space<vmem>>) offsets(%dma_start3A_27 : memref<40xi32, #tpu.memory_space<vmem>>) semaphore(%arg16 : memref<!tpu.dma_semaphore, #tpu.memory_space<semaphore_mem>>)
    %dma_start3A_31 = arith.constant 3 : i32
    %dma_start3A_32 = arith.constant 0 : i32
    %dma_start3A_33 = tpu.memref_slice %arg5[%dma_start3A_31, %dma_start3A_32] : memref<250x40xi32, #tpu.memory_space<vmem>> -> memref<1x40xi32, #tpu.memory_space<vmem>>
    %dma_start3A_34 = tpu.memref_squeeze %dma_start3A_33 : memref<1x40xi32, #tpu.memory_space<vmem>> -> memref<40xi32, #tpu.memory_space<vmem>>
    %dma_start3A_35 = arith.constant 0 : i32
    %dma_start3A_36 = arith.constant 0 : i32
    %dma_start3A_37 = tpu.memref_slice %arg2[%dma_start3A_35, %dma_start3A_36] : memref<10000x128xf32, #tpu.memory_space<hbm>> -> memref<10000x128xf32, #tpu.memory_space<hbm>>
    tpu.enqueue_indirect_dma source(%dma_start3A_37 : memref<10000x128xf32, #tpu.memory_space<hbm>>) target(%arg10 : memref<40x128xf32, #tpu.memory_space<vmem>>) offsets(%dma_start3A_34 : memref<40xi32, #tpu.memory_space<vmem>>) semaphore(%arg17 : memref<!tpu.dma_semaphore, #tpu.memory_space<semaphore_mem>>)
    %dma_start3A_38 = arith.constant 4 : i32
    %dma_start3A_39 = arith.constant 0 : i32
    %dma_start3A_40 = tpu.memref_slice %arg5[%dma_start3A_38, %dma_start3A_39] : memref<250x40xi32, #tpu.memory_space<vmem>> -> memref<1x40xi32, #tpu.memory_space<vmem>>
    %dma_start3A_41 = tpu.memref_squeeze %dma_start3A_40 : memref<1x40xi32, #tpu.memory_space<vmem>> -> memref<40xi32, #tpu.memory_space<vmem>>
    %dma_start3A_42 = arith.constant 0 : i32
    %dma_start3A_43 = arith.constant 0 : i32
    %dma_start3A_44 = tpu.memref_slice %arg2[%dma_start3A_42, %dma_start3A_43] : memref<10000x128xf32, #tpu.memory_space<hbm>> -> memref<10000x128xf32, #tpu.memory_space<hbm>>
    tpu.enqueue_indirect_dma source(%dma_start3A_44 : memref<10000x128xf32, #tpu.memory_space<hbm>>) target(%arg11 : memref<40x128xf32, #tpu.memory_space<vmem>>) offsets(%dma_start3A_41 : memref<40xi32, #tpu.memory_space<vmem>>) semaphore(%arg18 : memref<!tpu.dma_semaphore, #tpu.memory_space<semaphore_mem>>)
    %barrier3A = arith.constant 0 : index
    tpu.barrier barrier_id(%barrier3A)
    %scan3A_45 = arith.constant 0 : i32
    %scan3A_46 = arith.constant 49 : i32
    %scan3A_47 = arith.addi %scan3A_45, %scan3A_46 : i32
    %scan3A_48 = arith.constant 1 : i32
    scf.for %scan3A_93 = %scan3A_45 to %scan3A_47 step %scan3A_48  : i32 {
      %mul3A_94 = arith.constant 5 : i32
      %mul3A_95 = arith.muli %mul3A_94, %scan3A_93 : i32
      %add3A = arith.constant 0 : i32
      %add3A_96 = arith.addi %mul3A_95, %add3A : i32
      %dma_wait3A_97 = arith.constant 0 : i32
      %dma_wait3A_98 = tpu.memref_slice %arg5[%add3A_96, %dma_wait3A_97] : memref<250x40xi32, #tpu.memory_space<vmem>> -> memref<1x40xi32, #tpu.memory_space<vmem>>
      %dma_wait3A_99 = tpu.memref_squeeze %dma_wait3A_98 : memref<1x40xi32, #tpu.memory_space<vmem>> -> memref<40xi32, #tpu.memory_space<vmem>>
      %dma_wait3A_100 = arith.constant 0 : i32
      %dma_wait3A_101 = arith.constant 0 : i32
      %dma_wait3A_102 = tpu.memref_slice %arg2[%dma_wait3A_100, %dma_wait3A_101] : memref<10000x128xf32, #tpu.memory_space<hbm>> -> memref<10000x128xf32, #tpu.memory_space<hbm>>
      tpu.wait_indirect_dma semaphore(%arg14 : memref<!tpu.dma_semaphore, #tpu.memory_space<semaphore_mem>>) src(%dma_wait3A_102 : memref<10000x128xf32, #tpu.memory_space<hbm>>) dst(%arg7 : memref<40x128xf32, #tpu.memory_space<vmem>>)
      "tpu.region"() ({
        %run_scoped3A_183 = tpu.sem_alloc : memref<!tpu.dma_semaphore, #tpu.memory_space<semaphore_mem>>
        %dma_start3A_184 = arith.constant 0 : i32
        %dma_start3A_185 = tpu.memref_slice %arg6[%add3A_96, %dma_start3A_184] : memref<250x40xi32, #tpu.memory_space<vmem>> -> memref<1x40xi32, #tpu.memory_space<vmem>>
        %dma_start3A_186 = tpu.memref_squeeze %dma_start3A_185 : memref<1x40xi32, #tpu.memory_space<vmem>> -> memref<40xi32, #tpu.memory_space<vmem>>
        %dma_start3A_187 = arith.constant 0 : i32
        %dma_start3A_188 = arith.constant 0 : i32
        %dma_start3A_189 = tpu.memref_slice %arg13[%dma_start3A_187, %dma_start3A_188] : memref<10000x128xf32, #tpu.memory_space<vmem_shared>> -> memref<10000x128xf32, #tpu.memory_space<vmem_shared>>
        tpu.enqueue_indirect_dma source(%arg7 : memref<40x128xf32, #tpu.memory_space<vmem>>) target(%dma_start3A_189 : memref<10000x128xf32, #tpu.memory_space<vmem_shared>>) offsets(%dma_start3A_186 : memref<40xi32, #tpu.memory_space<vmem>>) semaphore(%run_scoped3A_183 : memref<!tpu.dma_semaphore, #tpu.memory_space<semaphore_mem>>) {add = true}
        %dma_wait3A_190 = arith.constant 0 : i32
        %dma_wait3A_191 = tpu.memref_slice %arg6[%add3A_96, %dma_wait3A_190] : memref<250x40xi32, #tpu.memory_space<vmem>> -> memref<1x40xi32, #tpu.memory_space<vmem>>
        %dma_wait3A_192 = tpu.memref_squeeze %dma_wait3A_191 : memref<1x40xi32, #tpu.memory_space<vmem>> -> memref<40xi32, #tpu.memory_space<vmem>>
        %dma_wait3A_193 = arith.constant 0 : i32
        %dma_wait3A_194 = arith.constant 0 : i32
        %dma_wait3A_195 = tpu.memref_slice %arg13[%dma_wait3A_193, %dma_wait3A_194] : memref<10000x128xf32, #tpu.memory_space<vmem_shared>> -> memref<10000x128xf32, #tpu.memory_space<vmem_shared>>
        tpu.wait_indirect_dma semaphore(%run_scoped3A_183 : memref<!tpu.dma_semaphore, #tpu.memory_space<semaphore_mem>>) src(%arg7 : memref<40x128xf32, #tpu.memory_space<vmem>>) dst(%dma_wait3A_195 : memref<10000x128xf32, #tpu.memory_space<vmem_shared>>)
        tpu.yield
      }) : () -> ()
      %add3A_103 = arith.constant 5 : i32
      %add3A_104 = arith.addi %add3A_96, %add3A_103 : i32
      %dma_start3A_105 = arith.constant 0 : i32
      %dma_start3A_106 = tpu.memref_slice %arg5[%add3A_104, %dma_start3A_105] : memref<250x40xi32, #tpu.memory_space<vmem>> -> memref<1x40xi32, #tpu.memory_space<vmem>>
      %dma_start3A_107 = tpu.memref_squeeze %dma_start3A_106 : memref<1x40xi32, #tpu.memory_space<vmem>> -> memref<40xi32, #tpu.memory_space<vmem>>
      %dma_start3A_108 = arith.constant 0 : i32
      %dma_start3A_109 = arith.constant 0 : i32
      %dma_start3A_110 = tpu.memref_slice %arg2[%dma_start3A_108, %dma_start3A_109] : memref<10000x128xf32, #tpu.memory_space<hbm>> -> memref<10000x128xf32, #tpu.memory_space<hbm>>
      tpu.enqueue_indirect_dma source(%dma_start3A_110 : memref<10000x128xf32, #tpu.memory_space<hbm>>) target(%arg7 : memref<40x128xf32, #tpu.memory_space<vmem>>) offsets(%dma_start3A_107 : memref<40xi32, #tpu.memory_space<vmem>>) semaphore(%arg14 : memref<!tpu.dma_semaphore, #tpu.memory_space<semaphore_mem>>)
      %mul3A_111 = arith.constant 5 : i32
      %mul3A_112 = arith.muli %mul3A_111, %scan3A_93 : i32
      %add3A_113 = arith.constant 1 : i32
      %add3A_114 = arith.addi %mul3A_112, %add3A_113 : i32
      %dma_wait3A_115 = arith.constant 0 : i32
      %dma_wait3A_116 = tpu.memref_slice %arg5[%add3A_114, %dma_wait3A_115] : memref<250x40xi32, #tpu.memory_space<vmem>> -> memref<1x40xi32, #tpu.memory_space<vmem>>
      %dma_wait3A_117 = tpu.memref_squeeze %dma_wait3A_116 : memref<1x40xi32, #tpu.memory_space<vmem>> -> memref<40xi32, #tpu.memory_space<vmem>>
      %dma_wait3A_118 = arith.constant 0 : i32
      %dma_wait3A_119 = arith.constant 0 : i32
      %dma_wait3A_120 = tpu.memref_slice %arg2[%dma_wait3A_118, %dma_wait3A_119] : memref<10000x128xf32, #tpu.memory_space<hbm>> -> memref<10000x128xf32, #tpu.memory_space<hbm>>
      tpu.wait_indirect_dma semaphore(%arg15 : memref<!tpu.dma_semaphore, #tpu.memory_space<semaphore_mem>>) src(%dma_wait3A_120 : memref<10000x128xf32, #tpu.memory_space<hbm>>) dst(%arg8 : memref<40x128xf32, #tpu.memory_space<vmem>>)
      "tpu.region"() ({
        %run_scoped3A_183 = tpu.sem_alloc : memref<!tpu.dma_semaphore, #tpu.memory_space<semaphore_mem>>
        %dma_start3A_184 = arith.constant 0 : i32
        %dma_start3A_185 = tpu.memref_slice %arg6[%add3A_114, %dma_start3A_184] : memref<250x40xi32, #tpu.memory_space<vmem>> -> memref<1x40xi32, #tpu.memory_space<vmem>>
        %dma_start3A_186 = tpu.memref_squeeze %dma_start3A_185 : memref<1x40xi32, #tpu.memory_space<vmem>> -> memref<40xi32, #tpu.memory_space<vmem>>
        %dma_start3A_187 = arith.constant 0 : i32
        %dma_start3A_188 = arith.constant 0 : i32
        %dma_start3A_189 = tpu.memref_slice %arg13[%dma_start3A_187, %dma_start3A_188] : memref<10000x128xf32, #tpu.memory_space<vmem_shared>> -> memref<10000x128xf32, #tpu.memory_space<vmem_shared>>
        tpu.enqueue_indirect_dma source(%arg8 : memref<40x128xf32, #tpu.memory_space<vmem>>) target(%dma_start3A_189 : memref<10000x128xf32, #tpu.memory_space<vmem_shared>>) offsets(%dma_start3A_186 : memref<40xi32, #tpu.memory_space<vmem>>) semaphore(%run_scoped3A_183 : memref<!tpu.dma_semaphore, #tpu.memory_space<semaphore_mem>>) {add = true}
        %dma_wait3A_190 = arith.constant 0 : i32
        %dma_wait3A_191 = tpu.memref_slice %arg6[%add3A_114, %dma_wait3A_190] : memref<250x40xi32, #tpu.memory_space<vmem>> -> memref<1x40xi32, #tpu.memory_space<vmem>>
        %dma_wait3A_192 = tpu.memref_squeeze %dma_wait3A_191 : memref<1x40xi32, #tpu.memory_space<vmem>> -> memref<40xi32, #tpu.memory_space<vmem>>
        %dma_wait3A_193 = arith.constant 0 : i32
        %dma_wait3A_194 = arith.constant 0 : i32
        %dma_wait3A_195 = tpu.memref_slice %arg13[%dma_wait3A_193, %dma_wait3A_194] : memref<10000x128xf32, #tpu.memory_space<vmem_shared>> -> memref<10000x128xf32, #tpu.memory_space<vmem_shared>>
        tpu.wait_indirect_dma semaphore(%run_scoped3A_183 : memref<!tpu.dma_semaphore, #tpu.memory_space<semaphore_mem>>) src(%arg8 : memref<40x128xf32, #tpu.memory_space<vmem>>) dst(%dma_wait3A_195 : memref<10000x128xf32, #tpu.memory_space<vmem_shared>>)
        tpu.yield
      }) : () -> ()
      %add3A_121 = arith.constant 5 : i32
      %add3A_122 = arith.addi %add3A_114, %add3A_121 : i32
      %dma_start3A_123 = arith.constant 0 : i32
      %dma_start3A_124 = tpu.memref_slice %arg5[%add3A_122, %dma_start3A_123] : memref<250x40xi32, #tpu.memory_space<vmem>> -> memref<1x40xi32, #tpu.memory_space<vmem>>
      %dma_start3A_125 = tpu.memref_squeeze %dma_start3A_124 : memref<1x40xi32, #tpu.memory_space<vmem>> -> memref<40xi32, #tpu.memory_space<vmem>>
      %dma_start3A_126 = arith.constant 0 : i32
      %dma_start3A_127 = arith.constant 0 : i32
      %dma_start3A_128 = tpu.memref_slice %arg2[%dma_start3A_126, %dma_start3A_127] : memref<10000x128xf32, #tpu.memory_space<hbm>> -> memref<10000x128xf32, #tpu.memory_space<hbm>>
      tpu.enqueue_indirect_dma source(%dma_start3A_128 : memref<10000x128xf32, #tpu.memory_space<hbm>>) target(%arg8 : memref<40x128xf32, #tpu.memory_space<vmem>>) offsets(%dma_start3A_125 : memref<40xi32, #tpu.memory_space<vmem>>) semaphore(%arg15 : memref<!tpu.dma_semaphore, #tpu.memory_space<semaphore_mem>>)
      %mul3A_129 = arith.constant 5 : i32
      %mul3A_130 = arith.muli %mul3A_129, %scan3A_93 : i32
      %add3A_131 = arith.constant 2 : i32
      %add3A_132 = arith.addi %mul3A_130, %add3A_131 : i32
      %dma_wait3A_133 = arith.constant 0 : i32
      %dma_wait3A_134 = tpu.memref_slice %arg5[%add3A_132, %dma_wait3A_133] : memref<250x40xi32, #tpu.memory_space<vmem>> -> memref<1x40xi32, #tpu.memory_space<vmem>>
      %dma_wait3A_135 = tpu.memref_squeeze %dma_wait3A_134 : memref<1x40xi32, #tpu.memory_space<vmem>> -> memref<40xi32, #tpu.memory_space<vmem>>
      %dma_wait3A_136 = arith.constant 0 : i32
      %dma_wait3A_137 = arith.constant 0 : i32
      %dma_wait3A_138 = tpu.memref_slice %arg2[%dma_wait3A_136, %dma_wait3A_137] : memref<10000x128xf32, #tpu.memory_space<hbm>> -> memref<10000x128xf32, #tpu.memory_space<hbm>>
      tpu.wait_indirect_dma semaphore(%arg16 : memref<!tpu.dma_semaphore, #tpu.memory_space<semaphore_mem>>) src(%dma_wait3A_138 : memref<10000x128xf32, #tpu.memory_space<hbm>>) dst(%arg9 : memref<40x128xf32, #tpu.memory_space<vmem>>)
      "tpu.region"() ({
        %run_scoped3A_183 = tpu.sem_alloc : memref<!tpu.dma_semaphore, #tpu.memory_space<semaphore_mem>>
        %dma_start3A_184 = arith.constant 0 : i32
        %dma_start3A_185 = tpu.memref_slice %arg6[%add3A_132, %dma_start3A_184] : memref<250x40xi32, #tpu.memory_space<vmem>> -> memref<1x40xi32, #tpu.memory_space<vmem>>
        %dma_start3A_186 = tpu.memref_squeeze %dma_start3A_185 : memref<1x40xi32, #tpu.memory_space<vmem>> -> memref<40xi32, #tpu.memory_space<vmem>>
        %dma_start3A_187 = arith.constant 0 : i32
        %dma_start3A_188 = arith.constant 0 : i32
        %dma_start3A_189 = tpu.memref_slice %arg13[%dma_start3A_187, %dma_start3A_188] : memref<10000x128xf32, #tpu.memory_space<vmem_shared>> -> memref<10000x128xf32, #tpu.memory_space<vmem_shared>>
        tpu.enqueue_indirect_dma source(%arg9 : memref<40x128xf32, #tpu.memory_space<vmem>>) target(%dma_start3A_189 : memref<10000x128xf32, #tpu.memory_space<vmem_shared>>) offsets(%dma_start3A_186 : memref<40xi32, #tpu.memory_space<vmem>>) semaphore(%run_scoped3A_183 : memref<!tpu.dma_semaphore, #tpu.memory_space<semaphore_mem>>) {add = true}
        %dma_wait3A_190 = arith.constant 0 : i32
        %dma_wait3A_191 = tpu.memref_slice %arg6[%add3A_132, %dma_wait3A_190] : memref<250x40xi32, #tpu.memory_space<vmem>> -> memref<1x40xi32, #tpu.memory_space<vmem>>
        %dma_wait3A_192 = tpu.memref_squeeze %dma_wait3A_191 : memref<1x40xi32, #tpu.memory_space<vmem>> -> memref<40xi32, #tpu.memory_space<vmem>>
        %dma_wait3A_193 = arith.constant 0 : i32
        %dma_wait3A_194 = arith.constant 0 : i32
        %dma_wait3A_195 = tpu.memref_slice %arg13[%dma_wait3A_193, %dma_wait3A_194] : memref<10000x128xf32, #tpu.memory_space<vmem_shared>> -> memref<10000x128xf32, #tpu.memory_space<vmem_shared>>
        tpu.wait_indirect_dma semaphore(%run_scoped3A_183 : memref<!tpu.dma_semaphore, #tpu.memory_space<semaphore_mem>>) src(%arg9 : memref<40x128xf32, #tpu.memory_space<vmem>>) dst(%dma_wait3A_195 : memref<10000x128xf32, #tpu.memory_space<vmem_shared>>)
        tpu.yield
      }) : () -> ()
      %add3A_139 = arith.constant 5 : i32
      %add3A_140 = arith.addi %add3A_132, %add3A_139 : i32
      %dma_start3A_141 = arith.constant 0 : i32
      %dma_start3A_142 = tpu.memref_slice %arg5[%add3A_140, %dma_start3A_141] : memref<250x40xi32, #tpu.memory_space<vmem>> -> memref<1x40xi32, #tpu.memory_space<vmem>>
      %dma_start3A_143 = tpu.memref_squeeze %dma_start3A_142 : memref<1x40xi32, #tpu.memory_space<vmem>> -> memref<40xi32, #tpu.memory_space<vmem>>
      %dma_start3A_144 = arith.constant 0 : i32
      %dma_start3A_145 = arith.constant 0 : i32
      %dma_start3A_146 = tpu.memref_slice %arg2[%dma_start3A_144, %dma_start3A_145] : memref<10000x128xf32, #tpu.memory_space<hbm>> -> memref<10000x128xf32, #tpu.memory_space<hbm>>
      tpu.enqueue_indirect_dma source(%dma_start3A_146 : memref<10000x128xf32, #tpu.memory_space<hbm>>) target(%arg9 : memref<40x128xf32, #tpu.memory_space<vmem>>) offsets(%dma_start3A_143 : memref<40xi32, #tpu.memory_space<vmem>>) semaphore(%arg16 : memref<!tpu.dma_semaphore, #tpu.memory_space<semaphore_mem>>)
      %mul3A_147 = arith.constant 5 : i32
      %mul3A_148 = arith.muli %mul3A_147, %scan3A_93 : i32
      %add3A_149 = arith.constant 3 : i32
      %add3A_150 = arith.addi %mul3A_148, %add3A_149 : i32
      %dma_wait3A_151 = arith.constant 0 : i32
      %dma_wait3A_152 = tpu.memref_slice %arg5[%add3A_150, %dma_wait3A_151] : memref<250x40xi32, #tpu.memory_space<vmem>> -> memref<1x40xi32, #tpu.memory_space<vmem>>
      %dma_wait3A_153 = tpu.memref_squeeze %dma_wait3A_152 : memref<1x40xi32, #tpu.memory_space<vmem>> -> memref<40xi32, #tpu.memory_space<vmem>>
      %dma_wait3A_154 = arith.constant 0 : i32
      %dma_wait3A_155 = arith.constant 0 : i32
      %dma_wait3A_156 = tpu.memref_slice %arg2[%dma_wait3A_154, %dma_wait3A_155] : memref<10000x128xf32, #tpu.memory_space<hbm>> -> memref<10000x128xf32, #tpu.memory_space<hbm>>
      tpu.wait_indirect_dma semaphore(%arg17 : memref<!tpu.dma_semaphore, #tpu.memory_space<semaphore_mem>>) src(%dma_wait3A_156 : memref<10000x128xf32, #tpu.memory_space<hbm>>) dst(%arg10 : memref<40x128xf32, #tpu.memory_space<vmem>>)
      "tpu.region"() ({
        %run_scoped3A_183 = tpu.sem_alloc : memref<!tpu.dma_semaphore, #tpu.memory_space<semaphore_mem>>
        %dma_start3A_184 = arith.constant 0 : i32
        %dma_start3A_185 = tpu.memref_slice %arg6[%add3A_150, %dma_start3A_184] : memref<250x40xi32, #tpu.memory_space<vmem>> -> memref<1x40xi32, #tpu.memory_space<vmem>>
        %dma_start3A_186 = tpu.memref_squeeze %dma_start3A_185 : memref<1x40xi32, #tpu.memory_space<vmem>> -> memref<40xi32, #tpu.memory_space<vmem>>
        %dma_start3A_187 = arith.constant 0 : i32
        %dma_start3A_188 = arith.constant 0 : i32
        %dma_start3A_189 = tpu.memref_slice %arg13[%dma_start3A_187, %dma_start3A_188] : memref<10000x128xf32, #tpu.memory_space<vmem_shared>> -> memref<10000x128xf32, #tpu.memory_space<vmem_shared>>
        tpu.enqueue_indirect_dma source(%arg10 : memref<40x128xf32, #tpu.memory_space<vmem>>) target(%dma_start3A_189 : memref<10000x128xf32, #tpu.memory_space<vmem_shared>>) offsets(%dma_start3A_186 : memref<40xi32, #tpu.memory_space<vmem>>) semaphore(%run_scoped3A_183 : memref<!tpu.dma_semaphore, #tpu.memory_space<semaphore_mem>>) {add = true}
        %dma_wait3A_190 = arith.constant 0 : i32
        %dma_wait3A_191 = tpu.memref_slice %arg6[%add3A_150, %dma_wait3A_190] : memref<250x40xi32, #tpu.memory_space<vmem>> -> memref<1x40xi32, #tpu.memory_space<vmem>>
        %dma_wait3A_192 = tpu.memref_squeeze %dma_wait3A_191 : memref<1x40xi32, #tpu.memory_space<vmem>> -> memref<40xi32, #tpu.memory_space<vmem>>
        %dma_wait3A_193 = arith.constant 0 : i32
        %dma_wait3A_194 = arith.constant 0 : i32
        %dma_wait3A_195 = tpu.memref_slice %arg13[%dma_wait3A_193, %dma_wait3A_194] : memref<10000x128xf32, #tpu.memory_space<vmem_shared>> -> memref<10000x128xf32, #tpu.memory_space<vmem_shared>>
        tpu.wait_indirect_dma semaphore(%run_scoped3A_183 : memref<!tpu.dma_semaphore, #tpu.memory_space<semaphore_mem>>) src(%arg10 : memref<40x128xf32, #tpu.memory_space<vmem>>) dst(%dma_wait3A_195 : memref<10000x128xf32, #tpu.memory_space<vmem_shared>>)
        tpu.yield
      }) : () -> ()
      %add3A_157 = arith.constant 5 : i32
      %add3A_158 = arith.addi %add3A_150, %add3A_157 : i32
      %dma_start3A_159 = arith.constant 0 : i32
      %dma_start3A_160 = tpu.memref_slice %arg5[%add3A_158, %dma_start3A_159] : memref<250x40xi32, #tpu.memory_space<vmem>> -> memref<1x40xi32, #tpu.memory_space<vmem>>
      %dma_start3A_161 = tpu.memref_squeeze %dma_start3A_160 : memref<1x40xi32, #tpu.memory_space<vmem>> -> memref<40xi32, #tpu.memory_space<vmem>>
      %dma_start3A_162 = arith.constant 0 : i32
      %dma_start3A_163 = arith.constant 0 : i32
      %dma_start3A_164 = tpu.memref_slice %arg2[%dma_start3A_162, %dma_start3A_163] : memref<10000x128xf32, #tpu.memory_space<hbm>> -> memref<10000x128xf32, #tpu.memory_space<hbm>>
      tpu.enqueue_indirect_dma source(%dma_start3A_164 : memref<10000x128xf32, #tpu.memory_space<hbm>>) target(%arg10 : memref<40x128xf32, #tpu.memory_space<vmem>>) offsets(%dma_start3A_161 : memref<40xi32, #tpu.memory_space<vmem>>) semaphore(%arg17 : memref<!tpu.dma_semaphore, #tpu.memory_space<semaphore_mem>>)
      %mul3A_165 = arith.constant 5 : i32
      %mul3A_166 = arith.muli %mul3A_165, %scan3A_93 : i32
      %add3A_167 = arith.constant 4 : i32
      %add3A_168 = arith.addi %mul3A_166, %add3A_167 : i32
      %dma_wait3A_169 = arith.constant 0 : i32
      %dma_wait3A_170 = tpu.memref_slice %arg5[%add3A_168, %dma_wait3A_169] : memref<250x40xi32, #tpu.memory_space<vmem>> -> memref<1x40xi32, #tpu.memory_space<vmem>>
      %dma_wait3A_171 = tpu.memref_squeeze %dma_wait3A_170 : memref<1x40xi32, #tpu.memory_space<vmem>> -> memref<40xi32, #tpu.memory_space<vmem>>
      %dma_wait3A_172 = arith.constant 0 : i32
      %dma_wait3A_173 = arith.constant 0 : i32
      %dma_wait3A_174 = tpu.memref_slice %arg2[%dma_wait3A_172, %dma_wait3A_173] : memref<10000x128xf32, #tpu.memory_space<hbm>> -> memref<10000x128xf32, #tpu.memory_space<hbm>>
      tpu.wait_indirect_dma semaphore(%arg18 : memref<!tpu.dma_semaphore, #tpu.memory_space<semaphore_mem>>) src(%dma_wait3A_174 : memref<10000x128xf32, #tpu.memory_space<hbm>>) dst(%arg11 : memref<40x128xf32, #tpu.memory_space<vmem>>)
      "tpu.region"() ({
        %run_scoped3A_183 = tpu.sem_alloc : memref<!tpu.dma_semaphore, #tpu.memory_space<semaphore_mem>>
        %dma_start3A_184 = arith.constant 0 : i32
        %dma_start3A_185 = tpu.memref_slice %arg6[%add3A_168, %dma_start3A_184] : memref<250x40xi32, #tpu.memory_space<vmem>> -> memref<1x40xi32, #tpu.memory_space<vmem>>
        %dma_start3A_186 = tpu.memref_squeeze %dma_start3A_185 : memref<1x40xi32, #tpu.memory_space<vmem>> -> memref<40xi32, #tpu.memory_space<vmem>>
        %dma_start3A_187 = arith.constant 0 : i32
        %dma_start3A_188 = arith.constant 0 : i32
        %dma_start3A_189 = tpu.memref_slice %arg13[%dma_start3A_187, %dma_start3A_188] : memref<10000x128xf32, #tpu.memory_space<vmem_shared>> -> memref<10000x128xf32, #tpu.memory_space<vmem_shared>>
        tpu.enqueue_indirect_dma source(%arg11 : memref<40x128xf32, #tpu.memory_space<vmem>>) target(%dma_start3A_189 : memref<10000x128xf32, #tpu.memory_space<vmem_shared>>) offsets(%dma_start3A_186 : memref<40xi32, #tpu.memory_space<vmem>>) semaphore(%run_scoped3A_183 : memref<!tpu.dma_semaphore, #tpu.memory_space<semaphore_mem>>) {add = true}
        %dma_wait3A_190 = arith.constant 0 : i32
        %dma_wait3A_191 = tpu.memref_slice %arg6[%add3A_168, %dma_wait3A_190] : memref<250x40xi32, #tpu.memory_space<vmem>> -> memref<1x40xi32, #tpu.memory_space<vmem>>
        %dma_wait3A_192 = tpu.memref_squeeze %dma_wait3A_191 : memref<1x40xi32, #tpu.memory_space<vmem>> -> memref<40xi32, #tpu.memory_space<vmem>>
        %dma_wait3A_193 = arith.constant 0 : i32
        %dma_wait3A_194 = arith.constant 0 : i32
        %dma_wait3A_195 = tpu.memref_slice %arg13[%dma_wait3A_193, %dma_wait3A_194] : memref<10000x128xf32, #tpu.memory_space<vmem_shared>> -> memref<10000x128xf32, #tpu.memory_space<vmem_shared>>
        tpu.wait_indirect_dma semaphore(%run_scoped3A_183 : memref<!tpu.dma_semaphore, #tpu.memory_space<semaphore_mem>>) src(%arg11 : memref<40x128xf32, #tpu.memory_space<vmem>>) dst(%dma_wait3A_195 : memref<10000x128xf32, #tpu.memory_space<vmem_shared>>)
        tpu.yield
      }) : () -> ()
      %add3A_175 = arith.constant 5 : i32
      %add3A_176 = arith.addi %add3A_168, %add3A_175 : i32
      %dma_start3A_177 = arith.constant 0 : i32
      %dma_start3A_178 = tpu.memref_slice %arg5[%add3A_176, %dma_start3A_177] : memref<250x40xi32, #tpu.memory_space<vmem>> -> memref<1x40xi32, #tpu.memory_space<vmem>>
      %dma_start3A_179 = tpu.memref_squeeze %dma_start3A_178 : memref<1x40xi32, #tpu.memory_space<vmem>> -> memref<40xi32, #tpu.memory_space<vmem>>
      %dma_start3A_180 = arith.constant 0 : i32
      %dma_start3A_181 = arith.constant 0 : i32
      %dma_start3A_182 = tpu.memref_slice %arg2[%dma_start3A_180, %dma_start3A_181] : memref<10000x128xf32, #tpu.memory_space<hbm>> -> memref<10000x128xf32, #tpu.memory_space<hbm>>
      tpu.enqueue_indirect_dma source(%dma_start3A_182 : memref<10000x128xf32, #tpu.memory_space<hbm>>) target(%arg11 : memref<40x128xf32, #tpu.memory_space<vmem>>) offsets(%dma_start3A_179 : memref<40xi32, #tpu.memory_space<vmem>>) semaphore(%arg18 : memref<!tpu.dma_semaphore, #tpu.memory_space<semaphore_mem>>)
    }
    %scan3A_49 = arith.constant 49 : i32
    %dma_wait3A = arith.constant 245 : i32
    %dma_wait3A_50 = arith.constant 0 : i32
    %dma_wait3A_51 = tpu.memref_slice %arg5[%dma_wait3A, %dma_wait3A_50] : memref<250x40xi32, #tpu.memory_space<vmem>> -> memref<1x40xi32, #tpu.memory_space<vmem>>
    %dma_wait3A_52 = tpu.memref_squeeze %dma_wait3A_51 : memref<1x40xi32, #tpu.memory_space<vmem>> -> memref<40xi32, #tpu.memory_space<vmem>>
    %dma_wait3A_53 = arith.constant 0 : i32
    %dma_wait3A_54 = arith.constant 0 : i32
    %dma_wait3A_55 = tpu.memref_slice %arg2[%dma_wait3A_53, %dma_wait3A_54] : memref<10000x128xf32, #tpu.memory_space<hbm>> -> memref<10000x128xf32, #tpu.memory_space<hbm>>
    tpu.wait_indirect_dma semaphore(%arg14 : memref<!tpu.dma_semaphore, #tpu.memory_space<semaphore_mem>>) src(%dma_wait3A_55 : memref<10000x128xf32, #tpu.memory_space<hbm>>) dst(%arg7 : memref<40x128xf32, #tpu.memory_space<vmem>>)
    %run_scoped3A_56 = arith.constant 245 : i32
    "tpu.region"() ({
      %run_scoped3A_93 = tpu.sem_alloc : memref<!tpu.dma_semaphore, #tpu.memory_space<semaphore_mem>>
      %dma_start3A_94 = arith.constant 0 : i32
      %dma_start3A_95 = tpu.memref_slice %arg6[%run_scoped3A_56, %dma_start3A_94] : memref<250x40xi32, #tpu.memory_space<vmem>> -> memref<1x40xi32, #tpu.memory_space<vmem>>
      %dma_start3A_96 = tpu.memref_squeeze %dma_start3A_95 : memref<1x40xi32, #tpu.memory_space<vmem>> -> memref<40xi32, #tpu.memory_space<vmem>>
      %dma_start3A_97 = arith.constant 0 : i32
      %dma_start3A_98 = arith.constant 0 : i32
      %dma_start3A_99 = tpu.memref_slice %arg13[%dma_start3A_97, %dma_start3A_98] : memref<10000x128xf32, #tpu.memory_space<vmem_shared>> -> memref<10000x128xf32, #tpu.memory_space<vmem_shared>>
      tpu.enqueue_indirect_dma source(%arg7 : memref<40x128xf32, #tpu.memory_space<vmem>>) target(%dma_start3A_99 : memref<10000x128xf32, #tpu.memory_space<vmem_shared>>) offsets(%dma_start3A_96 : memref<40xi32, #tpu.memory_space<vmem>>) semaphore(%run_scoped3A_93 : memref<!tpu.dma_semaphore, #tpu.memory_space<semaphore_mem>>) {add = true}
      %dma_wait3A_100 = arith.constant 0 : i32
      %dma_wait3A_101 = tpu.memref_slice %arg6[%run_scoped3A_56, %dma_wait3A_100] : memref<250x40xi32, #tpu.memory_space<vmem>> -> memref<1x40xi32, #tpu.memory_space<vmem>>
      %dma_wait3A_102 = tpu.memref_squeeze %dma_wait3A_101 : memref<1x40xi32, #tpu.memory_space<vmem>> -> memref<40xi32, #tpu.memory_space<vmem>>
      %dma_wait3A_103 = arith.constant 0 : i32
      %dma_wait3A_104 = arith.constant 0 : i32
      %dma_wait3A_105 = tpu.memref_slice %arg13[%dma_wait3A_103, %dma_wait3A_104] : memref<10000x128xf32, #tpu.memory_space<vmem_shared>> -> memref<10000x128xf32, #tpu.memory_space<vmem_shared>>
      tpu.wait_indirect_dma semaphore(%run_scoped3A_93 : memref<!tpu.dma_semaphore, #tpu.memory_space<semaphore_mem>>) src(%arg7 : memref<40x128xf32, #tpu.memory_space<vmem>>) dst(%dma_wait3A_105 : memref<10000x128xf32, #tpu.memory_space<vmem_shared>>)
      tpu.yield
    }) : () -> ()
    %dma_wait3A_57 = arith.constant 246 : i32
    %dma_wait3A_58 = arith.constant 0 : i32
    %dma_wait3A_59 = tpu.memref_slice %arg5[%dma_wait3A_57, %dma_wait3A_58] : memref<250x40xi32, #tpu.memory_space<vmem>> -> memref<1x40xi32, #tpu.memory_space<vmem>>
    %dma_wait3A_60 = tpu.memref_squeeze %dma_wait3A_59 : memref<1x40xi32, #tpu.memory_space<vmem>> -> memref<40xi32, #tpu.memory_space<vmem>>
    %dma_wait3A_61 = arith.constant 0 : i32
    %dma_wait3A_62 = arith.constant 0 : i32
    %dma_wait3A_63 = tpu.memref_slice %arg2[%dma_wait3A_61, %dma_wait3A_62] : memref<10000x128xf32, #tpu.memory_space<hbm>> -> memref<10000x128xf32, #tpu.memory_space<hbm>>
    tpu.wait_indirect_dma semaphore(%arg15 : memref<!tpu.dma_semaphore, #tpu.memory_space<semaphore_mem>>) src(%dma_wait3A_63 : memref<10000x128xf32, #tpu.memory_space<hbm>>) dst(%arg8 : memref<40x128xf32, #tpu.memory_space<vmem>>)
    %run_scoped3A_64 = arith.constant 246 : i32
    "tpu.region"() ({
      %run_scoped3A_93 = tpu.sem_alloc : memref<!tpu.dma_semaphore, #tpu.memory_space<semaphore_mem>>
      %dma_start3A_94 = arith.constant 0 : i32
      %dma_start3A_95 = tpu.memref_slice %arg6[%run_scoped3A_64, %dma_start3A_94] : memref<250x40xi32, #tpu.memory_space<vmem>> -> memref<1x40xi32, #tpu.memory_space<vmem>>
      %dma_start3A_96 = tpu.memref_squeeze %dma_start3A_95 : memref<1x40xi32, #tpu.memory_space<vmem>> -> memref<40xi32, #tpu.memory_space<vmem>>
      %dma_start3A_97 = arith.constant 0 : i32
      %dma_start3A_98 = arith.constant 0 : i32
      %dma_start3A_99 = tpu.memref_slice %arg13[%dma_start3A_97, %dma_start3A_98] : memref<10000x128xf32, #tpu.memory_space<vmem_shared>> -> memref<10000x128xf32, #tpu.memory_space<vmem_shared>>
      tpu.enqueue_indirect_dma source(%arg8 : memref<40x128xf32, #tpu.memory_space<vmem>>) target(%dma_start3A_99 : memref<10000x128xf32, #tpu.memory_space<vmem_shared>>) offsets(%dma_start3A_96 : memref<40xi32, #tpu.memory_space<vmem>>) semaphore(%run_scoped3A_93 : memref<!tpu.dma_semaphore, #tpu.memory_space<semaphore_mem>>) {add = true}
      %dma_wait3A_100 = arith.constant 0 : i32
      %dma_wait3A_101 = tpu.memref_slice %arg6[%run_scoped3A_64, %dma_wait3A_100] : memref<250x40xi32, #tpu.memory_space<vmem>> -> memref<1x40xi32, #tpu.memory_space<vmem>>
      %dma_wait3A_102 = tpu.memref_squeeze %dma_wait3A_101 : memref<1x40xi32, #tpu.memory_space<vmem>> -> memref<40xi32, #tpu.memory_space<vmem>>
      %dma_wait3A_103 = arith.constant 0 : i32
      %dma_wait3A_104 = arith.constant 0 : i32
      %dma_wait3A_105 = tpu.memref_slice %arg13[%dma_wait3A_103, %dma_wait3A_104] : memref<10000x128xf32, #tpu.memory_space<vmem_shared>> -> memref<10000x128xf32, #tpu.memory_space<vmem_shared>>
      tpu.wait_indirect_dma semaphore(%run_scoped3A_93 : memref<!tpu.dma_semaphore, #tpu.memory_space<semaphore_mem>>) src(%arg8 : memref<40x128xf32, #tpu.memory_space<vmem>>) dst(%dma_wait3A_105 : memref<10000x128xf32, #tpu.memory_space<vmem_shared>>)
      tpu.yield
    }) : () -> ()
    %dma_wait3A_65 = arith.constant 247 : i32
    %dma_wait3A_66 = arith.constant 0 : i32
    %dma_wait3A_67 = tpu.memref_slice %arg5[%dma_wait3A_65, %dma_wait3A_66] : memref<250x40xi32, #tpu.memory_space<vmem>> -> memref<1x40xi32, #tpu.memory_space<vmem>>
    %dma_wait3A_68 = tpu.memref_squeeze %dma_wait3A_67 : memref<1x40xi32, #tpu.memory_space<vmem>> -> memref<40xi32, #tpu.memory_space<vmem>>
    %dma_wait3A_69 = arith.constant 0 : i32
    %dma_wait3A_70 = arith.constant 0 : i32
    %dma_wait3A_71 = tpu.memref_slice %arg2[%dma_wait3A_69, %dma_wait3A_70] : memref<10000x128xf32, #tpu.memory_space<hbm>> -> memref<10000x128xf32, #tpu.memory_space<hbm>>
    tpu.wait_indirect_dma semaphore(%arg16 : memref<!tpu.dma_semaphore, #tpu.memory_space<semaphore_mem>>) src(%dma_wait3A_71 : memref<10000x128xf32, #tpu.memory_space<hbm>>) dst(%arg9 : memref<40x128xf32, #tpu.memory_space<vmem>>)
    %run_scoped3A_72 = arith.constant 247 : i32
    "tpu.region"() ({
      %run_scoped3A_93 = tpu.sem_alloc : memref<!tpu.dma_semaphore, #tpu.memory_space<semaphore_mem>>
      %dma_start3A_94 = arith.constant 0 : i32
      %dma_start3A_95 = tpu.memref_slice %arg6[%run_scoped3A_72, %dma_start3A_94] : memref<250x40xi32, #tpu.memory_space<vmem>> -> memref<1x40xi32, #tpu.memory_space<vmem>>
      %dma_start3A_96 = tpu.memref_squeeze %dma_start3A_95 : memref<1x40xi32, #tpu.memory_space<vmem>> -> memref<40xi32, #tpu.memory_space<vmem>>
      %dma_start3A_97 = arith.constant 0 : i32
      %dma_start3A_98 = arith.constant 0 : i32
      %dma_start3A_99 = tpu.memref_slice %arg13[%dma_start3A_97, %dma_start3A_98] : memref<10000x128xf32, #tpu.memory_space<vmem_shared>> -> memref<10000x128xf32, #tpu.memory_space<vmem_shared>>
      tpu.enqueue_indirect_dma source(%arg9 : memref<40x128xf32, #tpu.memory_space<vmem>>) target(%dma_start3A_99 : memref<10000x128xf32, #tpu.memory_space<vmem_shared>>) offsets(%dma_start3A_96 : memref<40xi32, #tpu.memory_space<vmem>>) semaphore(%run_scoped3A_93 : memref<!tpu.dma_semaphore, #tpu.memory_space<semaphore_mem>>) {add = true}
      %dma_wait3A_100 = arith.constant 0 : i32
      %dma_wait3A_101 = tpu.memref_slice %arg6[%run_scoped3A_72, %dma_wait3A_100] : memref<250x40xi32, #tpu.memory_space<vmem>> -> memref<1x40xi32, #tpu.memory_space<vmem>>
      %dma_wait3A_102 = tpu.memref_squeeze %dma_wait3A_101 : memref<1x40xi32, #tpu.memory_space<vmem>> -> memref<40xi32, #tpu.memory_space<vmem>>
      %dma_wait3A_103 = arith.constant 0 : i32
      %dma_wait3A_104 = arith.constant 0 : i32
      %dma_wait3A_105 = tpu.memref_slice %arg13[%dma_wait3A_103, %dma_wait3A_104] : memref<10000x128xf32, #tpu.memory_space<vmem_shared>> -> memref<10000x128xf32, #tpu.memory_space<vmem_shared>>
      tpu.wait_indirect_dma semaphore(%run_scoped3A_93 : memref<!tpu.dma_semaphore, #tpu.memory_space<semaphore_mem>>) src(%arg9 : memref<40x128xf32, #tpu.memory_space<vmem>>) dst(%dma_wait3A_105 : memref<10000x128xf32, #tpu.memory_space<vmem_shared>>)
      tpu.yield
    }) : () -> ()
    %dma_wait3A_73 = arith.constant 248 : i32
    %dma_wait3A_74 = arith.constant 0 : i32
    %dma_wait3A_75 = tpu.memref_slice %arg5[%dma_wait3A_73, %dma_wait3A_74] : memref<250x40xi32, #tpu.memory_space<vmem>> -> memref<1x40xi32, #tpu.memory_space<vmem>>
    %dma_wait3A_76 = tpu.memref_squeeze %dma_wait3A_75 : memref<1x40xi32, #tpu.memory_space<vmem>> -> memref<40xi32, #tpu.memory_space<vmem>>
    %dma_wait3A_77 = arith.constant 0 : i32
    %dma_wait3A_78 = arith.constant 0 : i32
    %dma_wait3A_79 = tpu.memref_slice %arg2[%dma_wait3A_77, %dma_wait3A_78] : memref<10000x128xf32, #tpu.memory_space<hbm>> -> memref<10000x128xf32, #tpu.memory_space<hbm>>
    tpu.wait_indirect_dma semaphore(%arg17 : memref<!tpu.dma_semaphore, #tpu.memory_space<semaphore_mem>>) src(%dma_wait3A_79 : memref<10000x128xf32, #tpu.memory_space<hbm>>) dst(%arg10 : memref<40x128xf32, #tpu.memory_space<vmem>>)
    %run_scoped3A_80 = arith.constant 248 : i32
    "tpu.region"() ({
      %run_scoped3A_93 = tpu.sem_alloc : memref<!tpu.dma_semaphore, #tpu.memory_space<semaphore_mem>>
      %dma_start3A_94 = arith.constant 0 : i32
      %dma_start3A_95 = tpu.memref_slice %arg6[%run_scoped3A_80, %dma_start3A_94] : memref<250x40xi32, #tpu.memory_space<vmem>> -> memref<1x40xi32, #tpu.memory_space<vmem>>
      %dma_start3A_96 = tpu.memref_squeeze %dma_start3A_95 : memref<1x40xi32, #tpu.memory_space<vmem>> -> memref<40xi32, #tpu.memory_space<vmem>>
      %dma_start3A_97 = arith.constant 0 : i32
      %dma_start3A_98 = arith.constant 0 : i32
      %dma_start3A_99 = tpu.memref_slice %arg13[%dma_start3A_97, %dma_start3A_98] : memref<10000x128xf32, #tpu.memory_space<vmem_shared>> -> memref<10000x128xf32, #tpu.memory_space<vmem_shared>>
      tpu.enqueue_indirect_dma source(%arg10 : memref<40x128xf32, #tpu.memory_space<vmem>>) target(%dma_start3A_99 : memref<10000x128xf32, #tpu.memory_space<vmem_shared>>) offsets(%dma_start3A_96 : memref<40xi32, #tpu.memory_space<vmem>>) semaphore(%run_scoped3A_93 : memref<!tpu.dma_semaphore, #tpu.memory_space<semaphore_mem>>) {add = true}
      %dma_wait3A_100 = arith.constant 0 : i32
      %dma_wait3A_101 = tpu.memref_slice %arg6[%run_scoped3A_80, %dma_wait3A_100] : memref<250x40xi32, #tpu.memory_space<vmem>> -> memref<1x40xi32, #tpu.memory_space<vmem>>
      %dma_wait3A_102 = tpu.memref_squeeze %dma_wait3A_101 : memref<1x40xi32, #tpu.memory_space<vmem>> -> memref<40xi32, #tpu.memory_space<vmem>>
      %dma_wait3A_103 = arith.constant 0 : i32
      %dma_wait3A_104 = arith.constant 0 : i32
      %dma_wait3A_105 = tpu.memref_slice %arg13[%dma_wait3A_103, %dma_wait3A_104] : memref<10000x128xf32, #tpu.memory_space<vmem_shared>> -> memref<10000x128xf32, #tpu.memory_space<vmem_shared>>
      tpu.wait_indirect_dma semaphore(%run_scoped3A_93 : memref<!tpu.dma_semaphore, #tpu.memory_space<semaphore_mem>>) src(%arg10 : memref<40x128xf32, #tpu.memory_space<vmem>>) dst(%dma_wait3A_105 : memref<10000x128xf32, #tpu.memory_space<vmem_shared>>)
      tpu.yield
    }) : () -> ()
    %dma_wait3A_81 = arith.constant 249 : i32
    %dma_wait3A_82 = arith.constant 0 : i32
    %dma_wait3A_83 = tpu.memref_slice %arg5[%dma_wait3A_81, %dma_wait3A_82] : memref<250x40xi32, #tpu.memory_space<vmem>> -> memref<1x40xi32, #tpu.memory_space<vmem>>
    %dma_wait3A_84 = tpu.memref_squeeze %dma_wait3A_83 : memref<1x40xi32, #tpu.memory_space<vmem>> -> memref<40xi32, #tpu.memory_space<vmem>>
    %dma_wait3A_85 = arith.constant 0 : i32
    %dma_wait3A_86 = arith.constant 0 : i32
    %dma_wait3A_87 = tpu.memref_slice %arg2[%dma_wait3A_85, %dma_wait3A_86] : memref<10000x128xf32, #tpu.memory_space<hbm>> -> memref<10000x128xf32, #tpu.memory_space<hbm>>
    tpu.wait_indirect_dma semaphore(%arg18 : memref<!tpu.dma_semaphore, #tpu.memory_space<semaphore_mem>>) src(%dma_wait3A_87 : memref<10000x128xf32, #tpu.memory_space<hbm>>) dst(%arg11 : memref<40x128xf32, #tpu.memory_space<vmem>>)
    %run_scoped3A_88 = arith.constant 249 : i32
    "tpu.region"() ({
      %run_scoped3A_93 = tpu.sem_alloc : memref<!tpu.dma_semaphore, #tpu.memory_space<semaphore_mem>>
      %dma_start3A_94 = arith.constant 0 : i32
      %dma_start3A_95 = tpu.memref_slice %arg6[%run_scoped3A_88, %dma_start3A_94] : memref<250x40xi32, #tpu.memory_space<vmem>> -> memref<1x40xi32, #tpu.memory_space<vmem>>
      %dma_start3A_96 = tpu.memref_squeeze %dma_start3A_95 : memref<1x40xi32, #tpu.memory_space<vmem>> -> memref<40xi32, #tpu.memory_space<vmem>>
      %dma_start3A_97 = arith.constant 0 : i32
      %dma_start3A_98 = arith.constant 0 : i32
      %dma_start3A_99 = tpu.memref_slice %arg13[%dma_start3A_97, %dma_start3A_98] : memref<10000x128xf32, #tpu.memory_space<vmem_shared>> -> memref<10000x128xf32, #tpu.memory_space<vmem_shared>>
      tpu.enqueue_indirect_dma source(%arg11 : memref<40x128xf32, #tpu.memory_space<vmem>>) target(%dma_start3A_99 : memref<10000x128xf32, #tpu.memory_space<vmem_shared>>) offsets(%dma_start3A_96 : memref<40xi32, #tpu.memory_space<vmem>>) semaphore(%run_scoped3A_93 : memref<!tpu.dma_semaphore, #tpu.memory_space<semaphore_mem>>) {add = true}
      %dma_wait3A_100 = arith.constant 0 : i32
      %dma_wait3A_101 = tpu.memref_slice %arg6[%run_scoped3A_88, %dma_wait3A_100] : memref<250x40xi32, #tpu.memory_space<vmem>> -> memref<1x40xi32, #tpu.memory_space<vmem>>
      %dma_wait3A_102 = tpu.memref_squeeze %dma_wait3A_101 : memref<1x40xi32, #tpu.memory_space<vmem>> -> memref<40xi32, #tpu.memory_space<vmem>>
      %dma_wait3A_103 = arith.constant 0 : i32
      %dma_wait3A_104 = arith.constant 0 : i32
      %dma_wait3A_105 = tpu.memref_slice %arg13[%dma_wait3A_103, %dma_wait3A_104] : memref<10000x128xf32, #tpu.memory_space<vmem_shared>> -> memref<10000x128xf32, #tpu.memory_space<vmem_shared>>
      tpu.wait_indirect_dma semaphore(%run_scoped3A_93 : memref<!tpu.dma_semaphore, #tpu.memory_space<semaphore_mem>>) src(%arg11 : memref<40x128xf32, #tpu.memory_space<vmem>>) dst(%dma_wait3A_105 : memref<10000x128xf32, #tpu.memory_space<vmem_shared>>)
      tpu.yield
    }) : () -> ()
    %barrier3A_89 = arith.constant 0 : index
    tpu.barrier barrier_id(%barrier3A_89)
    %mul3A = arith.constant 625 : i32
    %mul3A_90 = arith.muli %arg1, %mul3A : i32
    %mul3A_91 = arith.constant 625 : i32
    %mul3A_92 = arith.muli %arg1, %mul3A_91 : i32
    "tpu.region"() ({
      %run_scoped3A_93 = tpu.sem_alloc : memref<!tpu.dma_semaphore, #tpu.memory_space<semaphore_mem>>
      %dma_start3A_94 = arith.constant 0 : i32
      %dma_start3A_95 = tpu.memref_slice %arg4[%arg0, %mul3A_92, %dma_start3A_94] : memref<2x10000x128xf32, #tpu.memory_space<hbm>> -> memref<1x625x128xf32, #tpu.memory_space<hbm>>
      %dma_start3A_96 = tpu.memref_squeeze %dma_start3A_95 : memref<1x625x128xf32, #tpu.memory_space<hbm>> -> memref<625x128xf32, #tpu.memory_space<hbm>>
      %dma_start3A_97 = arith.constant 0 : i32
      %dma_start3A_98 = tpu.memref_slice %arg13[%mul3A_90, %dma_start3A_97] : memref<10000x128xf32, #tpu.memory_space<vmem_shared>> -> memref<625x128xf32, #tpu.memory_space<vmem_shared>>
      tpu.enqueue_dma source(%dma_start3A_98 : memref<625x128xf32, #tpu.memory_space<vmem_shared>>) target(%dma_start3A_96 : memref<625x128xf32, #tpu.memory_space<hbm>>) target_semaphore(%run_scoped3A_93 : memref<!tpu.dma_semaphore, #tpu.memory_space<semaphore_mem>>)
      %dma_wait3A_99 = arith.constant 0 : i32
      %dma_wait3A_100 = tpu.memref_slice %arg4[%arg0, %mul3A_92, %dma_wait3A_99] : memref<2x10000x128xf32, #tpu.memory_space<hbm>> -> memref<1x625x128xf32, #tpu.memory_space<hbm>>
      %dma_wait3A_101 = tpu.memref_squeeze %dma_wait3A_100 : memref<1x625x128xf32, #tpu.memory_space<hbm>> -> memref<625x128xf32, #tpu.memory_space<hbm>>
      %dma_wait3A_102 = arith.constant 0 : i32
      %dma_wait3A_103 = tpu.memref_slice %arg13[%mul3A_90, %dma_wait3A_102] : memref<10000x128xf32, #tpu.memory_space<vmem_shared>> -> memref<625x128xf32, #tpu.memory_space<vmem_shared>>
      tpu.wait_dma2 semaphore(%run_scoped3A_93 : memref<!tpu.dma_semaphore, #tpu.memory_space<semaphore_mem>>) src(%dma_wait3A_103 : memref<625x128xf32, #tpu.memory_space<vmem_shared>>) dst(%dma_wait3A_101 : memref<625x128xf32, #tpu.memory_space<hbm>>)
      tpu.yield
    }) : () -> ()
    return
  }
}

#map = affine_map<(d0, d1) -> (0, 0, 0)>
#map1 = affine_map<(d0, d1) -> (0, 0)>
module attributes {stable_mosaic.version = 14 : i64} {
  func.func @_sc_degree(%arg0: i32, %arg1: i32, %arg2: memref<2x32x10000xi32, #tpu.memory_space<hbm>>, %arg3: memref<32x10000xf32, #tpu.memory_space<hbm>>, %arg4: memref<10x1000xf32, #tpu.memory_space<hbm>>, %arg5: memref<10x32x1000xf32, #tpu.memory_space<hbm>>, %arg6: memref<10000xi32, #tpu.memory_space<vmem>>, %arg7: memref<10000xf32, #tpu.memory_space<vmem>>, %arg8: memref<10x1000xf32, #tpu.memory_space<vmem>>) attributes {dimension_semantics = [#tpu.dimension_semantics<core_parallel>, #tpu.dimension_semantics<subcore_parallel>], iteration_bounds = array<i64: 2, 16>, scalar_prefetch = 0 : i64, scratch_operands = 3 : i64, tpu.core_type = #tpu.core_type<sc_vector_subcore>, window_params = [{transform_indices = #map}, {transform_indices = #map1}, {transform_indices = #map1}, {transform_indices = #map}]} {
    %mul3A = arith.constant 16 : i32
    %mul3A_0 = arith.muli %arg0, %mul3A : i32
    %add3A = arith.addi %mul3A_0, %arg1 : i32
    "tpu.region"() ({
      %run_scoped3A_25 = tpu.sem_alloc : memref<!tpu.dma_semaphore, #tpu.memory_space<semaphore_mem>>
      tpu.enqueue_dma source(%arg4 : memref<10x1000xf32, #tpu.memory_space<hbm>>) target(%arg8 : memref<10x1000xf32, #tpu.memory_space<vmem>>) target_semaphore(%run_scoped3A_25 : memref<!tpu.dma_semaphore, #tpu.memory_space<semaphore_mem>>)
      tpu.wait_dma2 semaphore(%run_scoped3A_25 : memref<!tpu.dma_semaphore, #tpu.memory_space<semaphore_mem>>) src(%arg4 : memref<10x1000xf32, #tpu.memory_space<hbm>>) dst(%arg8 : memref<10x1000xf32, #tpu.memory_space<vmem>>)
      tpu.yield
    }) : () -> ()
    %run_scoped3A = arith.constant 0 : i32
    "tpu.region"() ({
      %run_scoped3A_25 = tpu.sem_alloc : memref<!tpu.dma_semaphore, #tpu.memory_space<semaphore_mem>>
      %dma_start3A = arith.constant 0 : i32
      %dma_start3A_26 = tpu.memref_slice %arg2[%run_scoped3A, %add3A, %dma_start3A] : memref<2x32x10000xi32, #tpu.memory_space<hbm>> -> memref<1x1x10000xi32, #tpu.memory_space<hbm>>
      %dma_start3A_27 = tpu.memref_squeeze %dma_start3A_26 : memref<1x1x10000xi32, #tpu.memory_space<hbm>> -> memref<10000xi32, #tpu.memory_space<hbm>>
      %dma_start3A_28 = arith.constant 0 : i32
      %dma_start3A_29 = tpu.memref_slice %arg2[%run_scoped3A, %add3A, %dma_start3A_28] : memref<2x32x10000xi32, #tpu.memory_space<hbm>> -> memref<1x1x10000xi32, #tpu.memory_space<hbm>>
      %dma_start3A_30 = tpu.memref_squeeze %dma_start3A_29 : memref<1x1x10000xi32, #tpu.memory_space<hbm>> -> memref<10000xi32, #tpu.memory_space<hbm>>
      tpu.enqueue_dma source(%dma_start3A_30 : memref<10000xi32, #tpu.memory_space<hbm>>) target(%arg6 : memref<10000xi32, #tpu.memory_space<vmem>>) target_semaphore(%run_scoped3A_25 : memref<!tpu.dma_semaphore, #tpu.memory_space<semaphore_mem>>)
      %dma_wait3A = arith.constant 0 : i32
      %dma_wait3A_31 = tpu.memref_slice %arg2[%run_scoped3A, %add3A, %dma_wait3A] : memref<2x32x10000xi32, #tpu.memory_space<hbm>> -> memref<1x1x10000xi32, #tpu.memory_space<hbm>>
      %dma_wait3A_32 = tpu.memref_squeeze %dma_wait3A_31 : memref<1x1x10000xi32, #tpu.memory_space<hbm>> -> memref<10000xi32, #tpu.memory_space<hbm>>
      %dma_wait3A_33 = arith.constant 0 : i32
      %dma_wait3A_34 = tpu.memref_slice %arg2[%run_scoped3A, %add3A, %dma_wait3A_33] : memref<2x32x10000xi32, #tpu.memory_space<hbm>> -> memref<1x1x10000xi32, #tpu.memory_space<hbm>>
      %dma_wait3A_35 = tpu.memref_squeeze %dma_wait3A_34 : memref<1x1x10000xi32, #tpu.memory_space<hbm>> -> memref<10000xi32, #tpu.memory_space<hbm>>
      tpu.wait_dma2 semaphore(%run_scoped3A_25 : memref<!tpu.dma_semaphore, #tpu.memory_space<semaphore_mem>>) src(%dma_wait3A_35 : memref<10000xi32, #tpu.memory_space<hbm>>) dst(%arg6 : memref<10000xi32, #tpu.memory_space<vmem>>)
      tpu.yield
    }) : () -> ()
    "tpu.region"() ({
      %run_scoped3A_25 = tpu.sem_alloc : memref<!tpu.dma_semaphore, #tpu.memory_space<semaphore_mem>>
      %dma_start3A = arith.constant 0 : i32
      %dma_start3A_26 = tpu.memref_slice %arg3[%add3A, %dma_start3A] : memref<32x10000xf32, #tpu.memory_space<hbm>> -> memref<1x10000xf32, #tpu.memory_space<hbm>>
      %dma_start3A_27 = tpu.memref_squeeze %dma_start3A_26 : memref<1x10000xf32, #tpu.memory_space<hbm>> -> memref<10000xf32, #tpu.memory_space<hbm>>
      %dma_start3A_28 = arith.constant 0 : i32
      %dma_start3A_29 = tpu.memref_slice %arg3[%add3A, %dma_start3A_28] : memref<32x10000xf32, #tpu.memory_space<hbm>> -> memref<1x10000xf32, #tpu.memory_space<hbm>>
      %dma_start3A_30 = tpu.memref_squeeze %dma_start3A_29 : memref<1x10000xf32, #tpu.memory_space<hbm>> -> memref<10000xf32, #tpu.memory_space<hbm>>
      tpu.enqueue_dma source(%dma_start3A_30 : memref<10000xf32, #tpu.memory_space<hbm>>) target(%arg7 : memref<10000xf32, #tpu.memory_space<vmem>>) target_semaphore(%run_scoped3A_25 : memref<!tpu.dma_semaphore, #tpu.memory_space<semaphore_mem>>)
      %dma_wait3A = arith.constant 0 : i32
      %dma_wait3A_31 = tpu.memref_slice %arg3[%add3A, %dma_wait3A] : memref<32x10000xf32, #tpu.memory_space<hbm>> -> memref<1x10000xf32, #tpu.memory_space<hbm>>
      %dma_wait3A_32 = tpu.memref_squeeze %dma_wait3A_31 : memref<1x10000xf32, #tpu.memory_space<hbm>> -> memref<10000xf32, #tpu.memory_space<hbm>>
      %dma_wait3A_33 = arith.constant 0 : i32
      %dma_wait3A_34 = tpu.memref_slice %arg3[%add3A, %dma_wait3A_33] : memref<32x10000xf32, #tpu.memory_space<hbm>> -> memref<1x10000xf32, #tpu.memory_space<hbm>>
      %dma_wait3A_35 = tpu.memref_squeeze %dma_wait3A_34 : memref<1x10000xf32, #tpu.memory_space<hbm>> -> memref<10000xf32, #tpu.memory_space<hbm>>
      tpu.wait_dma2 semaphore(%run_scoped3A_25 : memref<!tpu.dma_semaphore, #tpu.memory_space<semaphore_mem>>) src(%dma_wait3A_35 : memref<10000xf32, #tpu.memory_space<hbm>>) dst(%arg7 : memref<10000xf32, #tpu.memory_space<vmem>>)
      tpu.yield
    }) : () -> ()
    %scan3A = arith.constant 0 : i32
    %scan3A_1 = arith.constant 125 : i32
    %scan3A_2 = arith.addi %scan3A, %scan3A_1 : i32
    %scan3A_3 = arith.constant 1 : i32
    scf.for %scan3A_25 = %scan3A to %scan3A_2 step %scan3A_3  : i32 {
      %mul3A_26 = arith.constant 5 : i32
      %mul3A_27 = arith.muli %mul3A_26, %scan3A_25 : i32
      %add3A_28 = arith.constant 0 : i32
      %add3A_29 = arith.addi %mul3A_27, %add3A_28 : i32
      %mul3A_30 = arith.constant 16 : i32
      %mul3A_31 = arith.muli %add3A_29, %mul3A_30 : i32
      %get3A = arith.index_cast %mul3A_31 : i32 to index
      %get3A_32 = tpu.vector_load %arg6[%get3A] {strides = array<i32>} : memref<10000xi32, #tpu.memory_space<vmem>>, vector<16xi32>,
      %mul3A_33 = arith.constant 5 : i32
      %mul3A_34 = arith.muli %mul3A_33, %scan3A_25 : i32
      %add3A_35 = arith.constant 0 : i32
      %add3A_36 = arith.addi %mul3A_34, %add3A_35 : i32
      %mul3A_37 = arith.constant 16 : i32
      %mul3A_38 = arith.muli %add3A_36, %mul3A_37 : i32
      %get3A_39 = arith.index_cast %mul3A_38 : i32 to index
      %get3A_40 = tpu.vector_load %arg7[%get3A_39] {strides = array<i32>} : memref<10000xf32, #tpu.memory_space<vmem>>, vector<16xf32>,
      %abs3A = math.absf %get3A_40 : vector<16xf32>
      %mul3A_41 = arith.constant 8389 : i32
      %mul3A_42 = vector.broadcast %mul3A_41 : i32 to vector<16xi32>
      %mul3A_43 = arith.muli %get3A_32, %mul3A_42 : vector<16xi32>
      %shift_right_logical3A = arith.constant 23 : i32
      %shift_right_logical3A_44 = vector.broadcast %shift_right_logical3A : i32 to vector<16xi32>
      %shift_right_logical3A_45 = arith.shrui %mul3A_43, %shift_right_logical3A_44 : vector<16xi32>
      %mul3A_46 = arith.constant 1000 : i32
      %mul3A_47 = vector.broadcast %mul3A_46 : i32 to vector<16xi32>
      %mul3A_48 = arith.muli %shift_right_logical3A_45, %mul3A_47 : vector<16xi32>
      %sub3A = arith.subi %get3A_32, %mul3A_48 : vector<16xi32>
      tpu.vector_store_idx %arg8[%shift_right_logical3A_45, %sub3A], %abs3A {add = true} : memref<10x1000xf32, #tpu.memory_space<vmem>>[vector<16xi32>, vector<16xi32>], vector<16xf32>,
      %mul3A_49 = arith.constant 5 : i32
      %mul3A_50 = arith.muli %mul3A_49, %scan3A_25 : i32
      %add3A_51 = arith.constant 1 : i32
      %add3A_52 = arith.addi %mul3A_50, %add3A_51 : i32
      %mul3A_53 = arith.constant 16 : i32
      %mul3A_54 = arith.muli %add3A_52, %mul3A_53 : i32
      %get3A_55 = arith.index_cast %mul3A_54 : i32 to index
      %get3A_56 = tpu.vector_load %arg6[%get3A_55] {strides = array<i32>} : memref<10000xi32, #tpu.memory_space<vmem>>, vector<16xi32>,
      %mul3A_57 = arith.constant 5 : i32
      %mul3A_58 = arith.muli %mul3A_57, %scan3A_25 : i32
      %add3A_59 = arith.constant 1 : i32
      %add3A_60 = arith.addi %mul3A_58, %add3A_59 : i32
      %mul3A_61 = arith.constant 16 : i32
      %mul3A_62 = arith.muli %add3A_60, %mul3A_61 : i32
      %get3A_63 = arith.index_cast %mul3A_62 : i32 to index
      %get3A_64 = tpu.vector_load %arg7[%get3A_63] {strides = array<i32>} : memref<10000xf32, #tpu.memory_space<vmem>>, vector<16xf32>,
      %abs3A_65 = math.absf %get3A_64 : vector<16xf32>
      %mul3A_66 = arith.constant 8389 : i32
      %mul3A_67 = vector.broadcast %mul3A_66 : i32 to vector<16xi32>
      %mul3A_68 = arith.muli %get3A_56, %mul3A_67 : vector<16xi32>
      %shift_right_logical3A_69 = arith.constant 23 : i32
      %shift_right_logical3A_70 = vector.broadcast %shift_right_logical3A_69 : i32 to vector<16xi32>
      %shift_right_logical3A_71 = arith.shrui %mul3A_68, %shift_right_logical3A_70 : vector<16xi32>
      %mul3A_72 = arith.constant 1000 : i32
      %mul3A_73 = vector.broadcast %mul3A_72 : i32 to vector<16xi32>
      %mul3A_74 = arith.muli %shift_right_logical3A_71, %mul3A_73 : vector<16xi32>
      %sub3A_75 = arith.subi %get3A_56, %mul3A_74 : vector<16xi32>
      tpu.vector_store_idx %arg8[%shift_right_logical3A_71, %sub3A_75], %abs3A_65 {add = true} : memref<10x1000xf32, #tpu.memory_space<vmem>>[vector<16xi32>, vector<16xi32>], vector<16xf32>,
      %mul3A_76 = arith.constant 5 : i32
      %mul3A_77 = arith.muli %mul3A_76, %scan3A_25 : i32
      %add3A_78 = arith.constant 2 : i32
      %add3A_79 = arith.addi %mul3A_77, %add3A_78 : i32
      %mul3A_80 = arith.constant 16 : i32
      %mul3A_81 = arith.muli %add3A_79, %mul3A_80 : i32
      %get3A_82 = arith.index_cast %mul3A_81 : i32 to index
      %get3A_83 = tpu.vector_load %arg6[%get3A_82] {strides = array<i32>} : memref<10000xi32, #tpu.memory_space<vmem>>, vector<16xi32>,
      %mul3A_84 = arith.constant 5 : i32
      %mul3A_85 = arith.muli %mul3A_84, %scan3A_25 : i32
      %add3A_86 = arith.constant 2 : i32
      %add3A_87 = arith.addi %mul3A_85, %add3A_86 : i32
      %mul3A_88 = arith.constant 16 : i32
      %mul3A_89 = arith.muli %add3A_87, %mul3A_88 : i32
      %get3A_90 = arith.index_cast %mul3A_89 : i32 to index
      %get3A_91 = tpu.vector_load %arg7[%get3A_90] {strides = array<i32>} : memref<10000xf32, #tpu.memory_space<vmem>>, vector<16xf32>,
      %abs3A_92 = math.absf %get3A_91 : vector<16xf32>
      %mul3A_93 = arith.constant 8389 : i32
      %mul3A_94 = vector.broadcast %mul3A_93 : i32 to vector<16xi32>
      %mul3A_95 = arith.muli %get3A_83, %mul3A_94 : vector<16xi32>
      %shift_right_logical3A_96 = arith.constant 23 : i32
      %shift_right_logical3A_97 = vector.broadcast %shift_right_logical3A_96 : i32 to vector<16xi32>
      %shift_right_logical3A_98 = arith.shrui %mul3A_95, %shift_right_logical3A_97 : vector<16xi32>
      %mul3A_99 = arith.constant 1000 : i32
      %mul3A_100 = vector.broadcast %mul3A_99 : i32 to vector<16xi32>
      %mul3A_101 = arith.muli %shift_right_logical3A_98, %mul3A_100 : vector<16xi32>
      %sub3A_102 = arith.subi %get3A_83, %mul3A_101 : vector<16xi32>
      tpu.vector_store_idx %arg8[%shift_right_logical3A_98, %sub3A_102], %abs3A_92 {add = true} : memref<10x1000xf32, #tpu.memory_space<vmem>>[vector<16xi32>, vector<16xi32>], vector<16xf32>,
      %mul3A_103 = arith.constant 5 : i32
      %mul3A_104 = arith.muli %mul3A_103, %scan3A_25 : i32
      %add3A_105 = arith.constant 3 : i32
      %add3A_106 = arith.addi %mul3A_104, %add3A_105 : i32
      %mul3A_107 = arith.constant 16 : i32
      %mul3A_108 = arith.muli %add3A_106, %mul3A_107 : i32
      %get3A_109 = arith.index_cast %mul3A_108 : i32 to index
      %get3A_110 = tpu.vector_load %arg6[%get3A_109] {strides = array<i32>} : memref<10000xi32, #tpu.memory_space<vmem>>, vector<16xi32>,
      %mul3A_111 = arith.constant 5 : i32
      %mul3A_112 = arith.muli %mul3A_111, %scan3A_25 : i32
      %add3A_113 = arith.constant 3 : i32
      %add3A_114 = arith.addi %mul3A_112, %add3A_113 : i32
      %mul3A_115 = arith.constant 16 : i32
      %mul3A_116 = arith.muli %add3A_114, %mul3A_115 : i32
      %get3A_117 = arith.index_cast %mul3A_116 : i32 to index
      %get3A_118 = tpu.vector_load %arg7[%get3A_117] {strides = array<i32>} : memref<10000xf32, #tpu.memory_space<vmem>>, vector<16xf32>,
      %abs3A_119 = math.absf %get3A_118 : vector<16xf32>
      %mul3A_120 = arith.constant 8389 : i32
      %mul3A_121 = vector.broadcast %mul3A_120 : i32 to vector<16xi32>
      %mul3A_122 = arith.muli %get3A_110, %mul3A_121 : vector<16xi32>
      %shift_right_logical3A_123 = arith.constant 23 : i32
      %shift_right_logical3A_124 = vector.broadcast %shift_right_logical3A_123 : i32 to vector<16xi32>
      %shift_right_logical3A_125 = arith.shrui %mul3A_122, %shift_right_logical3A_124 : vector<16xi32>
      %mul3A_126 = arith.constant 1000 : i32
      %mul3A_127 = vector.broadcast %mul3A_126 : i32 to vector<16xi32>
      %mul3A_128 = arith.muli %shift_right_logical3A_125, %mul3A_127 : vector<16xi32>
      %sub3A_129 = arith.subi %get3A_110, %mul3A_128 : vector<16xi32>
      tpu.vector_store_idx %arg8[%shift_right_logical3A_125, %sub3A_129], %abs3A_119 {add = true} : memref<10x1000xf32, #tpu.memory_space<vmem>>[vector<16xi32>, vector<16xi32>], vector<16xf32>,
      %mul3A_130 = arith.constant 5 : i32
      %mul3A_131 = arith.muli %mul3A_130, %scan3A_25 : i32
      %add3A_132 = arith.constant 4 : i32
      %add3A_133 = arith.addi %mul3A_131, %add3A_132 : i32
      %mul3A_134 = arith.constant 16 : i32
      %mul3A_135 = arith.muli %add3A_133, %mul3A_134 : i32
      %get3A_136 = arith.index_cast %mul3A_135 : i32 to index
      %get3A_137 = tpu.vector_load %arg6[%get3A_136] {strides = array<i32>} : memref<10000xi32, #tpu.memory_space<vmem>>, vector<16xi32>,
      %mul3A_138 = arith.constant 5 : i32
      %mul3A_139 = arith.muli %mul3A_138, %scan3A_25 : i32
      %add3A_140 = arith.constant 4 : i32
      %add3A_141 = arith.addi %mul3A_139, %add3A_140 : i32
      %mul3A_142 = arith.constant 16 : i32
      %mul3A_143 = arith.muli %add3A_141, %mul3A_142 : i32
      %get3A_144 = arith.index_cast %mul3A_143 : i32 to index
      %get3A_145 = tpu.vector_load %arg7[%get3A_144] {strides = array<i32>} : memref<10000xf32, #tpu.memory_space<vmem>>, vector<16xf32>,
      %abs3A_146 = math.absf %get3A_145 : vector<16xf32>
      %mul3A_147 = arith.constant 8389 : i32
      %mul3A_148 = vector.broadcast %mul3A_147 : i32 to vector<16xi32>
      %mul3A_149 = arith.muli %get3A_137, %mul3A_148 : vector<16xi32>
      %shift_right_logical3A_150 = arith.constant 23 : i32
      %shift_right_logical3A_151 = vector.broadcast %shift_right_logical3A_150 : i32 to vector<16xi32>
      %shift_right_logical3A_152 = arith.shrui %mul3A_149, %shift_right_logical3A_151 : vector<16xi32>
      %mul3A_153 = arith.constant 1000 : i32
      %mul3A_154 = vector.broadcast %mul3A_153 : i32 to vector<16xi32>
      %mul3A_155 = arith.muli %shift_right_logical3A_152, %mul3A_154 : vector<16xi32>
      %sub3A_156 = arith.subi %get3A_137, %mul3A_155 : vector<16xi32>
      tpu.vector_store_idx %arg8[%shift_right_logical3A_152, %sub3A_156], %abs3A_146 {add = true} : memref<10x1000xf32, #tpu.memory_space<vmem>>[vector<16xi32>, vector<16xi32>], vector<16xf32>,
    }
    %scan3A_4 = arith.constant 125 : i32
    %run_scoped3A_5 = arith.constant 0 : i32
    %run_scoped3A_6 = arith.constant 0 : i32
    "tpu.region"() ({
      %run_scoped3A_25 = tpu.sem_alloc : memref<!tpu.dma_semaphore, #tpu.memory_space<semaphore_mem>>
      %dma_start3A = arith.constant 0 : i32
      %dma_start3A_26 = tpu.memref_slice %arg8[%run_scoped3A_5, %dma_start3A] : memref<10x1000xf32, #tpu.memory_space<vmem>> -> memref<1x1000xf32, #tpu.memory_space<vmem>>
      %dma_start3A_27 = tpu.memref_squeeze %dma_start3A_26 : memref<1x1000xf32, #tpu.memory_space<vmem>> -> memref<1000xf32, #tpu.memory_space<vmem>>
      %dma_start3A_28 = arith.constant 0 : i32
      %dma_start3A_29 = tpu.memref_slice %arg5[%run_scoped3A_6, %add3A, %dma_start3A_28] : memref<10x32x1000xf32, #tpu.memory_space<hbm>> -> memref<1x1x1000xf32, #tpu.memory_space<hbm>>
      %dma_start3A_30 = tpu.memref_squeeze %dma_start3A_29 : memref<1x1x1000xf32, #tpu.memory_space<hbm>> -> memref<1000xf32, #tpu.memory_space<hbm>>
      %dma_start3A_31 = arith.constant 0 : i32
      %dma_start3A_32 = tpu.memref_slice %arg5[%run_scoped3A_6, %add3A, %dma_start3A_31] : memref<10x32x1000xf32, #tpu.memory_space<hbm>> -> memref<1x1x1000xf32, #tpu.memory_space<hbm>>
      %dma_start3A_33 = tpu.memref_squeeze %dma_start3A_32 : memref<1x1x1000xf32, #tpu.memory_space<hbm>> -> memref<1000xf32, #tpu.memory_space<hbm>>
      %dma_start3A_34 = arith.constant 0 : i32
      %dma_start3A_35 = tpu.memref_slice %arg8[%run_scoped3A_5, %dma_start3A_34] : memref<10x1000xf32, #tpu.memory_space<vmem>> -> memref<1x1000xf32, #tpu.memory_space<vmem>>
      %dma_start3A_36 = tpu.memref_squeeze %dma_start3A_35 : memref<1x1000xf32, #tpu.memory_space<vmem>> -> memref<1000xf32, #tpu.memory_space<vmem>>
      tpu.enqueue_dma source(%dma_start3A_36 : memref<1000xf32, #tpu.memory_space<vmem>>) target(%dma_start3A_33 : memref<1000xf32, #tpu.memory_space<hbm>>) target_semaphore(%run_scoped3A_25 : memref<!tpu.dma_semaphore, #tpu.memory_space<semaphore_mem>>)
      %dma_wait3A = arith.constant 0 : i32
      %dma_wait3A_37 = tpu.memref_slice %arg8[%run_scoped3A_5, %dma_wait3A] : memref<10x1000xf32, #tpu.memory_space<vmem>> -> memref<1x1000xf32, #tpu.memory_space<vmem>>
      %dma_wait3A_38 = tpu.memref_squeeze %dma_wait3A_37 : memref<1x1000xf32, #tpu.memory_space<vmem>> -> memref<1000xf32, #tpu.memory_space<vmem>>
      %dma_wait3A_39 = arith.constant 0 : i32
      %dma_wait3A_40 = tpu.memref_slice %arg5[%run_scoped3A_6, %add3A, %dma_wait3A_39] : memref<10x32x1000xf32, #tpu.memory_space<hbm>> -> memref<1x1x1000xf32, #tpu.memory_space<hbm>>
      %dma_wait3A_41 = tpu.memref_squeeze %dma_wait3A_40 : memref<1x1x1000xf32, #tpu.memory_space<hbm>> -> memref<1000xf32, #tpu.memory_space<hbm>>
      %dma_wait3A_42 = arith.constant 0 : i32
      %dma_wait3A_43 = tpu.memref_slice %arg5[%run_scoped3A_6, %add3A, %dma_wait3A_42] : memref<10x32x1000xf32, #tpu.memory_space<hbm>> -> memref<1x1x1000xf32, #tpu.memory_space<hbm>>
      %dma_wait3A_44 = tpu.memref_squeeze %dma_wait3A_43 : memref<1x1x1000xf32, #tpu.memory_space<hbm>> -> memref<1000xf32, #tpu.memory_space<hbm>>
      %dma_wait3A_45 = arith.constant 0 : i32
      %dma_wait3A_46 = tpu.memref_slice %arg8[%run_scoped3A_5, %dma_wait3A_45] : memref<10x1000xf32, #tpu.memory_space<vmem>> -> memref<1x1000xf32, #tpu.memory_space<vmem>>
      %dma_wait3A_47 = tpu.memref_squeeze %dma_wait3A_46 : memref<1x1000xf32, #tpu.memory_space<vmem>> -> memref<1000xf32, #tpu.memory_space<vmem>>
      tpu.wait_dma2 semaphore(%run_scoped3A_25 : memref<!tpu.dma_semaphore, #tpu.memory_space<semaphore_mem>>) src(%dma_wait3A_47 : memref<1000xf32, #tpu.memory_space<vmem>>) dst(%dma_wait3A_44 : memref<1000xf32, #tpu.memory_space<hbm>>)
      tpu.yield
    }) : () -> ()
    %run_scoped3A_7 = arith.constant 1 : i32
    %run_scoped3A_8 = arith.constant 1 : i32
    "tpu.region"() ({
      %run_scoped3A_25 = tpu.sem_alloc : memref<!tpu.dma_semaphore, #tpu.memory_space<semaphore_mem>>
      %dma_start3A = arith.constant 0 : i32
      %dma_start3A_26 = tpu.memref_slice %arg8[%run_scoped3A_7, %dma_start3A] : memref<10x1000xf32, #tpu.memory_space<vmem>> -> memref<1x1000xf32, #tpu.memory_space<vmem>>
      %dma_start3A_27 = tpu.memref_squeeze %dma_start3A_26 : memref<1x1000xf32, #tpu.memory_space<vmem>> -> memref<1000xf32, #tpu.memory_space<vmem>>
      %dma_start3A_28 = arith.constant 0 : i32
      %dma_start3A_29 = tpu.memref_slice %arg5[%run_scoped3A_8, %add3A, %dma_start3A_28] : memref<10x32x1000xf32, #tpu.memory_space<hbm>> -> memref<1x1x1000xf32, #tpu.memory_space<hbm>>
      %dma_start3A_30 = tpu.memref_squeeze %dma_start3A_29 : memref<1x1x1000xf32, #tpu.memory_space<hbm>> -> memref<1000xf32, #tpu.memory_space<hbm>>
      %dma_start3A_31 = arith.constant 0 : i32
      %dma_start3A_32 = tpu.memref_slice %arg5[%run_scoped3A_8, %add3A, %dma_start3A_31] : memref<10x32x1000xf32, #tpu.memory_space<hbm>> -> memref<1x1x1000xf32, #tpu.memory_space<hbm>>
      %dma_start3A_33 = tpu.memref_squeeze %dma_start3A_32 : memref<1x1x1000xf32, #tpu.memory_space<hbm>> -> memref<1000xf32, #tpu.memory_space<hbm>>
      %dma_start3A_34 = arith.constant 0 : i32
      %dma_start3A_35 = tpu.memref_slice %arg8[%run_scoped3A_7, %dma_start3A_34] : memref<10x1000xf32, #tpu.memory_space<vmem>> -> memref<1x1000xf32, #tpu.memory_space<vmem>>
      %dma_start3A_36 = tpu.memref_squeeze %dma_start3A_35 : memref<1x1000xf32, #tpu.memory_space<vmem>> -> memref<1000xf32, #tpu.memory_space<vmem>>
      tpu.enqueue_dma source(%dma_start3A_36 : memref<1000xf32, #tpu.memory_space<vmem>>) target(%dma_start3A_33 : memref<1000xf32, #tpu.memory_space<hbm>>) target_semaphore(%run_scoped3A_25 : memref<!tpu.dma_semaphore, #tpu.memory_space<semaphore_mem>>)
      %dma_wait3A = arith.constant 0 : i32
      %dma_wait3A_37 = tpu.memref_slice %arg8[%run_scoped3A_7, %dma_wait3A] : memref<10x1000xf32, #tpu.memory_space<vmem>> -> memref<1x1000xf32, #tpu.memory_space<vmem>>
      %dma_wait3A_38 = tpu.memref_squeeze %dma_wait3A_37 : memref<1x1000xf32, #tpu.memory_space<vmem>> -> memref<1000xf32, #tpu.memory_space<vmem>>
      %dma_wait3A_39 = arith.constant 0 : i32
      %dma_wait3A_40 = tpu.memref_slice %arg5[%run_scoped3A_8, %add3A, %dma_wait3A_39] : memref<10x32x1000xf32, #tpu.memory_space<hbm>> -> memref<1x1x1000xf32, #tpu.memory_space<hbm>>
      %dma_wait3A_41 = tpu.memref_squeeze %dma_wait3A_40 : memref<1x1x1000xf32, #tpu.memory_space<hbm>> -> memref<1000xf32, #tpu.memory_space<hbm>>
      %dma_wait3A_42 = arith.constant 0 : i32
      %dma_wait3A_43 = tpu.memref_slice %arg5[%run_scoped3A_8, %add3A, %dma_wait3A_42] : memref<10x32x1000xf32, #tpu.memory_space<hbm>> -> memref<1x1x1000xf32, #tpu.memory_space<hbm>>
      %dma_wait3A_44 = tpu.memref_squeeze %dma_wait3A_43 : memref<1x1x1000xf32, #tpu.memory_space<hbm>> -> memref<1000xf32, #tpu.memory_space<hbm>>
      %dma_wait3A_45 = arith.constant 0 : i32
      %dma_wait3A_46 = tpu.memref_slice %arg8[%run_scoped3A_7, %dma_wait3A_45] : memref<10x1000xf32, #tpu.memory_space<vmem>> -> memref<1x1000xf32, #tpu.memory_space<vmem>>
      %dma_wait3A_47 = tpu.memref_squeeze %dma_wait3A_46 : memref<1x1000xf32, #tpu.memory_space<vmem>> -> memref<1000xf32, #tpu.memory_space<vmem>>
      tpu.wait_dma2 semaphore(%run_scoped3A_25 : memref<!tpu.dma_semaphore, #tpu.memory_space<semaphore_mem>>) src(%dma_wait3A_47 : memref<1000xf32, #tpu.memory_space<vmem>>) dst(%dma_wait3A_44 : memref<1000xf32, #tpu.memory_space<hbm>>)
      tpu.yield
    }) : () -> ()
    %run_scoped3A_9 = arith.constant 2 : i32
    %run_scoped3A_10 = arith.constant 2 : i32
    "tpu.region"() ({
      %run_scoped3A_25 = tpu.sem_alloc : memref<!tpu.dma_semaphore, #tpu.memory_space<semaphore_mem>>
      %dma_start3A = arith.constant 0 : i32
      %dma_start3A_26 = tpu.memref_slice %arg8[%run_scoped3A_9, %dma_start3A] : memref<10x1000xf32, #tpu.memory_space<vmem>> -> memref<1x1000xf32, #tpu.memory_space<vmem>>
      %dma_start3A_27 = tpu.memref_squeeze %dma_start3A_26 : memref<1x1000xf32, #tpu.memory_space<vmem>> -> memref<1000xf32, #tpu.memory_space<vmem>>
      %dma_start3A_28 = arith.constant 0 : i32
      %dma_start3A_29 = tpu.memref_slice %arg5[%run_scoped3A_10, %add3A, %dma_start3A_28] : memref<10x32x1000xf32, #tpu.memory_space<hbm>> -> memref<1x1x1000xf32, #tpu.memory_space<hbm>>
      %dma_start3A_30 = tpu.memref_squeeze %dma_start3A_29 : memref<1x1x1000xf32, #tpu.memory_space<hbm>> -> memref<1000xf32, #tpu.memory_space<hbm>>
      %dma_start3A_31 = arith.constant 0 : i32
      %dma_start3A_32 = tpu.memref_slice %arg5[%run_scoped3A_10, %add3A, %dma_start3A_31] : memref<10x32x1000xf32, #tpu.memory_space<hbm>> -> memref<1x1x1000xf32, #tpu.memory_space<hbm>>
      %dma_start3A_33 = tpu.memref_squeeze %dma_start3A_32 : memref<1x1x1000xf32, #tpu.memory_space<hbm>> -> memref<1000xf32, #tpu.memory_space<hbm>>
      %dma_start3A_34 = arith.constant 0 : i32
      %dma_start3A_35 = tpu.memref_slice %arg8[%run_scoped3A_9, %dma_start3A_34] : memref<10x1000xf32, #tpu.memory_space<vmem>> -> memref<1x1000xf32, #tpu.memory_space<vmem>>
      %dma_start3A_36 = tpu.memref_squeeze %dma_start3A_35 : memref<1x1000xf32, #tpu.memory_space<vmem>> -> memref<1000xf32, #tpu.memory_space<vmem>>
      tpu.enqueue_dma source(%dma_start3A_36 : memref<1000xf32, #tpu.memory_space<vmem>>) target(%dma_start3A_33 : memref<1000xf32, #tpu.memory_space<hbm>>) target_semaphore(%run_scoped3A_25 : memref<!tpu.dma_semaphore, #tpu.memory_space<semaphore_mem>>)
      %dma_wait3A = arith.constant 0 : i32
      %dma_wait3A_37 = tpu.memref_slice %arg8[%run_scoped3A_9, %dma_wait3A] : memref<10x1000xf32, #tpu.memory_space<vmem>> -> memref<1x1000xf32, #tpu.memory_space<vmem>>
      %dma_wait3A_38 = tpu.memref_squeeze %dma_wait3A_37 : memref<1x1000xf32, #tpu.memory_space<vmem>> -> memref<1000xf32, #tpu.memory_space<vmem>>
      %dma_wait3A_39 = arith.constant 0 : i32
      %dma_wait3A_40 = tpu.memref_slice %arg5[%run_scoped3A_10, %add3A, %dma_wait3A_39] : memref<10x32x1000xf32, #tpu.memory_space<hbm>> -> memref<1x1x1000xf32, #tpu.memory_space<hbm>>
      %dma_wait3A_41 = tpu.memref_squeeze %dma_wait3A_40 : memref<1x1x1000xf32, #tpu.memory_space<hbm>> -> memref<1000xf32, #tpu.memory_space<hbm>>
      %dma_wait3A_42 = arith.constant 0 : i32
      %dma_wait3A_43 = tpu.memref_slice %arg5[%run_scoped3A_10, %add3A, %dma_wait3A_42] : memref<10x32x1000xf32, #tpu.memory_space<hbm>> -> memref<1x1x1000xf32, #tpu.memory_space<hbm>>
      %dma_wait3A_44 = tpu.memref_squeeze %dma_wait3A_43 : memref<1x1x1000xf32, #tpu.memory_space<hbm>> -> memref<1000xf32, #tpu.memory_space<hbm>>
      %dma_wait3A_45 = arith.constant 0 : i32
      %dma_wait3A_46 = tpu.memref_slice %arg8[%run_scoped3A_9, %dma_wait3A_45] : memref<10x1000xf32, #tpu.memory_space<vmem>> -> memref<1x1000xf32, #tpu.memory_space<vmem>>
      %dma_wait3A_47 = tpu.memref_squeeze %dma_wait3A_46 : memref<1x1000xf32, #tpu.memory_space<vmem>> -> memref<1000xf32, #tpu.memory_space<vmem>>
      tpu.wait_dma2 semaphore(%run_scoped3A_25 : memref<!tpu.dma_semaphore, #tpu.memory_space<semaphore_mem>>) src(%dma_wait3A_47 : memref<1000xf32, #tpu.memory_space<vmem>>) dst(%dma_wait3A_44 : memref<1000xf32, #tpu.memory_space<hbm>>)
      tpu.yield
    }) : () -> ()
    %run_scoped3A_11 = arith.constant 3 : i32
    %run_scoped3A_12 = arith.constant 3 : i32
    "tpu.region"() ({
      %run_scoped3A_25 = tpu.sem_alloc : memref<!tpu.dma_semaphore, #tpu.memory_space<semaphore_mem>>
      %dma_start3A = arith.constant 0 : i32
      %dma_start3A_26 = tpu.memref_slice %arg8[%run_scoped3A_11, %dma_start3A] : memref<10x1000xf32, #tpu.memory_space<vmem>> -> memref<1x1000xf32, #tpu.memory_space<vmem>>
      %dma_start3A_27 = tpu.memref_squeeze %dma_start3A_26 : memref<1x1000xf32, #tpu.memory_space<vmem>> -> memref<1000xf32, #tpu.memory_space<vmem>>
      %dma_start3A_28 = arith.constant 0 : i32
      %dma_start3A_29 = tpu.memref_slice %arg5[%run_scoped3A_12, %add3A, %dma_start3A_28] : memref<10x32x1000xf32, #tpu.memory_space<hbm>> -> memref<1x1x1000xf32, #tpu.memory_space<hbm>>
      %dma_start3A_30 = tpu.memref_squeeze %dma_start3A_29 : memref<1x1x1000xf32, #tpu.memory_space<hbm>> -> memref<1000xf32, #tpu.memory_space<hbm>>
      %dma_start3A_31 = arith.constant 0 : i32
      %dma_start3A_32 = tpu.memref_slice %arg5[%run_scoped3A_12, %add3A, %dma_start3A_31] : memref<10x32x1000xf32, #tpu.memory_space<hbm>> -> memref<1x1x1000xf32, #tpu.memory_space<hbm>>
      %dma_start3A_33 = tpu.memref_squeeze %dma_start3A_32 : memref<1x1x1000xf32, #tpu.memory_space<hbm>> -> memref<1000xf32, #tpu.memory_space<hbm>>
      %dma_start3A_34 = arith.constant 0 : i32
      %dma_start3A_35 = tpu.memref_slice %arg8[%run_scoped3A_11, %dma_start3A_34] : memref<10x1000xf32, #tpu.memory_space<vmem>> -> memref<1x1000xf32, #tpu.memory_space<vmem>>
      %dma_start3A_36 = tpu.memref_squeeze %dma_start3A_35 : memref<1x1000xf32, #tpu.memory_space<vmem>> -> memref<1000xf32, #tpu.memory_space<vmem>>
      tpu.enqueue_dma source(%dma_start3A_36 : memref<1000xf32, #tpu.memory_space<vmem>>) target(%dma_start3A_33 : memref<1000xf32, #tpu.memory_space<hbm>>) target_semaphore(%run_scoped3A_25 : memref<!tpu.dma_semaphore, #tpu.memory_space<semaphore_mem>>)
      %dma_wait3A = arith.constant 0 : i32
      %dma_wait3A_37 = tpu.memref_slice %arg8[%run_scoped3A_11, %dma_wait3A] : memref<10x1000xf32, #tpu.memory_space<vmem>> -> memref<1x1000xf32, #tpu.memory_space<vmem>>
      %dma_wait3A_38 = tpu.memref_squeeze %dma_wait3A_37 : memref<1x1000xf32, #tpu.memory_space<vmem>> -> memref<1000xf32, #tpu.memory_space<vmem>>
      %dma_wait3A_39 = arith.constant 0 : i32
      %dma_wait3A_40 = tpu.memref_slice %arg5[%run_scoped3A_12, %add3A, %dma_wait3A_39] : memref<10x32x1000xf32, #tpu.memory_space<hbm>> -> memref<1x1x1000xf32, #tpu.memory_space<hbm>>
      %dma_wait3A_41 = tpu.memref_squeeze %dma_wait3A_40 : memref<1x1x1000xf32, #tpu.memory_space<hbm>> -> memref<1000xf32, #tpu.memory_space<hbm>>
      %dma_wait3A_42 = arith.constant 0 : i32
      %dma_wait3A_43 = tpu.memref_slice %arg5[%run_scoped3A_12, %add3A, %dma_wait3A_42] : memref<10x32x1000xf32, #tpu.memory_space<hbm>> -> memref<1x1x1000xf32, #tpu.memory_space<hbm>>
      %dma_wait3A_44 = tpu.memref_squeeze %dma_wait3A_43 : memref<1x1x1000xf32, #tpu.memory_space<hbm>> -> memref<1000xf32, #tpu.memory_space<hbm>>
      %dma_wait3A_45 = arith.constant 0 : i32
      %dma_wait3A_46 = tpu.memref_slice %arg8[%run_scoped3A_11, %dma_wait3A_45] : memref<10x1000xf32, #tpu.memory_space<vmem>> -> memref<1x1000xf32, #tpu.memory_space<vmem>>
      %dma_wait3A_47 = tpu.memref_squeeze %dma_wait3A_46 : memref<1x1000xf32, #tpu.memory_space<vmem>> -> memref<1000xf32, #tpu.memory_space<vmem>>
      tpu.wait_dma2 semaphore(%run_scoped3A_25 : memref<!tpu.dma_semaphore, #tpu.memory_space<semaphore_mem>>) src(%dma_wait3A_47 : memref<1000xf32, #tpu.memory_space<vmem>>) dst(%dma_wait3A_44 : memref<1000xf32, #tpu.memory_space<hbm>>)
      tpu.yield
    }) : () -> ()
    %run_scoped3A_13 = arith.constant 4 : i32
    %run_scoped3A_14 = arith.constant 4 : i32
    "tpu.region"() ({
      %run_scoped3A_25 = tpu.sem_alloc : memref<!tpu.dma_semaphore, #tpu.memory_space<semaphore_mem>>
      %dma_start3A = arith.constant 0 : i32
      %dma_start3A_26 = tpu.memref_slice %arg8[%run_scoped3A_13, %dma_start3A] : memref<10x1000xf32, #tpu.memory_space<vmem>> -> memref<1x1000xf32, #tpu.memory_space<vmem>>
      %dma_start3A_27 = tpu.memref_squeeze %dma_start3A_26 : memref<1x1000xf32, #tpu.memory_space<vmem>> -> memref<1000xf32, #tpu.memory_space<vmem>>
      %dma_start3A_28 = arith.constant 0 : i32
      %dma_start3A_29 = tpu.memref_slice %arg5[%run_scoped3A_14, %add3A, %dma_start3A_28] : memref<10x32x1000xf32, #tpu.memory_space<hbm>> -> memref<1x1x1000xf32, #tpu.memory_space<hbm>>
      %dma_start3A_30 = tpu.memref_squeeze %dma_start3A_29 : memref<1x1x1000xf32, #tpu.memory_space<hbm>> -> memref<1000xf32, #tpu.memory_space<hbm>>
      %dma_start3A_31 = arith.constant 0 : i32
      %dma_start3A_32 = tpu.memref_slice %arg5[%run_scoped3A_14, %add3A, %dma_start3A_31] : memref<10x32x1000xf32, #tpu.memory_space<hbm>> -> memref<1x1x1000xf32, #tpu.memory_space<hbm>>
      %dma_start3A_33 = tpu.memref_squeeze %dma_start3A_32 : memref<1x1x1000xf32, #tpu.memory_space<hbm>> -> memref<1000xf32, #tpu.memory_space<hbm>>
      %dma_start3A_34 = arith.constant 0 : i32
      %dma_start3A_35 = tpu.memref_slice %arg8[%run_scoped3A_13, %dma_start3A_34] : memref<10x1000xf32, #tpu.memory_space<vmem>> -> memref<1x1000xf32, #tpu.memory_space<vmem>>
      %dma_start3A_36 = tpu.memref_squeeze %dma_start3A_35 : memref<1x1000xf32, #tpu.memory_space<vmem>> -> memref<1000xf32, #tpu.memory_space<vmem>>
      tpu.enqueue_dma source(%dma_start3A_36 : memref<1000xf32, #tpu.memory_space<vmem>>) target(%dma_start3A_33 : memref<1000xf32, #tpu.memory_space<hbm>>) target_semaphore(%run_scoped3A_25 : memref<!tpu.dma_semaphore, #tpu.memory_space<semaphore_mem>>)
      %dma_wait3A = arith.constant 0 : i32
      %dma_wait3A_37 = tpu.memref_slice %arg8[%run_scoped3A_13, %dma_wait3A] : memref<10x1000xf32, #tpu.memory_space<vmem>> -> memref<1x1000xf32, #tpu.memory_space<vmem>>
      %dma_wait3A_38 = tpu.memref_squeeze %dma_wait3A_37 : memref<1x1000xf32, #tpu.memory_space<vmem>> -> memref<1000xf32, #tpu.memory_space<vmem>>
      %dma_wait3A_39 = arith.constant 0 : i32
      %dma_wait3A_40 = tpu.memref_slice %arg5[%run_scoped3A_14, %add3A, %dma_wait3A_39] : memref<10x32x1000xf32, #tpu.memory_space<hbm>> -> memref<1x1x1000xf32, #tpu.memory_space<hbm>>
      %dma_wait3A_41 = tpu.memref_squeeze %dma_wait3A_40 : memref<1x1x1000xf32, #tpu.memory_space<hbm>> -> memref<1000xf32, #tpu.memory_space<hbm>>
      %dma_wait3A_42 = arith.constant 0 : i32
      %dma_wait3A_43 = tpu.memref_slice %arg5[%run_scoped3A_14, %add3A, %dma_wait3A_42] : memref<10x32x1000xf32, #tpu.memory_space<hbm>> -> memref<1x1x1000xf32, #tpu.memory_space<hbm>>
      %dma_wait3A_44 = tpu.memref_squeeze %dma_wait3A_43 : memref<1x1x1000xf32, #tpu.memory_space<hbm>> -> memref<1000xf32, #tpu.memory_space<hbm>>
      %dma_wait3A_45 = arith.constant 0 : i32
      %dma_wait3A_46 = tpu.memref_slice %arg8[%run_scoped3A_13, %dma_wait3A_45] : memref<10x1000xf32, #tpu.memory_space<vmem>> -> memref<1x1000xf32, #tpu.memory_space<vmem>>
      %dma_wait3A_47 = tpu.memref_squeeze %dma_wait3A_46 : memref<1x1000xf32, #tpu.memory_space<vmem>> -> memref<1000xf32, #tpu.memory_space<vmem>>
      tpu.wait_dma2 semaphore(%run_scoped3A_25 : memref<!tpu.dma_semaphore, #tpu.memory_space<semaphore_mem>>) src(%dma_wait3A_47 : memref<1000xf32, #tpu.memory_space<vmem>>) dst(%dma_wait3A_44 : memref<1000xf32, #tpu.memory_space<hbm>>)
      tpu.yield
    }) : () -> ()
    %run_scoped3A_15 = arith.constant 5 : i32
    %run_scoped3A_16 = arith.constant 5 : i32
    "tpu.region"() ({
      %run_scoped3A_25 = tpu.sem_alloc : memref<!tpu.dma_semaphore, #tpu.memory_space<semaphore_mem>>
      %dma_start3A = arith.constant 0 : i32
      %dma_start3A_26 = tpu.memref_slice %arg8[%run_scoped3A_15, %dma_start3A] : memref<10x1000xf32, #tpu.memory_space<vmem>> -> memref<1x1000xf32, #tpu.memory_space<vmem>>
      %dma_start3A_27 = tpu.memref_squeeze %dma_start3A_26 : memref<1x1000xf32, #tpu.memory_space<vmem>> -> memref<1000xf32, #tpu.memory_space<vmem>>
      %dma_start3A_28 = arith.constant 0 : i32
      %dma_start3A_29 = tpu.memref_slice %arg5[%run_scoped3A_16, %add3A, %dma_start3A_28] : memref<10x32x1000xf32, #tpu.memory_space<hbm>> -> memref<1x1x1000xf32, #tpu.memory_space<hbm>>
      %dma_start3A_30 = tpu.memref_squeeze %dma_start3A_29 : memref<1x1x1000xf32, #tpu.memory_space<hbm>> -> memref<1000xf32, #tpu.memory_space<hbm>>
      %dma_start3A_31 = arith.constant 0 : i32
      %dma_start3A_32 = tpu.memref_slice %arg5[%run_scoped3A_16, %add3A, %dma_start3A_31] : memref<10x32x1000xf32, #tpu.memory_space<hbm>> -> memref<1x1x1000xf32, #tpu.memory_space<hbm>>
      %dma_start3A_33 = tpu.memref_squeeze %dma_start3A_32 : memref<1x1x1000xf32, #tpu.memory_space<hbm>> -> memref<1000xf32, #tpu.memory_space<hbm>>
      %dma_start3A_34 = arith.constant 0 : i32
      %dma_start3A_35 = tpu.memref_slice %arg8[%run_scoped3A_15, %dma_start3A_34] : memref<10x1000xf32, #tpu.memory_space<vmem>> -> memref<1x1000xf32, #tpu.memory_space<vmem>>
      %dma_start3A_36 = tpu.memref_squeeze %dma_start3A_35 : memref<1x1000xf32, #tpu.memory_space<vmem>> -> memref<1000xf32, #tpu.memory_space<vmem>>
      tpu.enqueue_dma source(%dma_start3A_36 : memref<1000xf32, #tpu.memory_space<vmem>>) target(%dma_start3A_33 : memref<1000xf32, #tpu.memory_space<hbm>>) target_semaphore(%run_scoped3A_25 : memref<!tpu.dma_semaphore, #tpu.memory_space<semaphore_mem>>)
      %dma_wait3A = arith.constant 0 : i32
      %dma_wait3A_37 = tpu.memref_slice %arg8[%run_scoped3A_15, %dma_wait3A] : memref<10x1000xf32, #tpu.memory_space<vmem>> -> memref<1x1000xf32, #tpu.memory_space<vmem>>
      %dma_wait3A_38 = tpu.memref_squeeze %dma_wait3A_37 : memref<1x1000xf32, #tpu.memory_space<vmem>> -> memref<1000xf32, #tpu.memory_space<vmem>>
      %dma_wait3A_39 = arith.constant 0 : i32
      %dma_wait3A_40 = tpu.memref_slice %arg5[%run_scoped3A_16, %add3A, %dma_wait3A_39] : memref<10x32x1000xf32, #tpu.memory_space<hbm>> -> memref<1x1x1000xf32, #tpu.memory_space<hbm>>
      %dma_wait3A_41 = tpu.memref_squeeze %dma_wait3A_40 : memref<1x1x1000xf32, #tpu.memory_space<hbm>> -> memref<1000xf32, #tpu.memory_space<hbm>>
      %dma_wait3A_42 = arith.constant 0 : i32
      %dma_wait3A_43 = tpu.memref_slice %arg5[%run_scoped3A_16, %add3A, %dma_wait3A_42] : memref<10x32x1000xf32, #tpu.memory_space<hbm>> -> memref<1x1x1000xf32, #tpu.memory_space<hbm>>
      %dma_wait3A_44 = tpu.memref_squeeze %dma_wait3A_43 : memref<1x1x1000xf32, #tpu.memory_space<hbm>> -> memref<1000xf32, #tpu.memory_space<hbm>>
      %dma_wait3A_45 = arith.constant 0 : i32
      %dma_wait3A_46 = tpu.memref_slice %arg8[%run_scoped3A_15, %dma_wait3A_45] : memref<10x1000xf32, #tpu.memory_space<vmem>> -> memref<1x1000xf32, #tpu.memory_space<vmem>>
      %dma_wait3A_47 = tpu.memref_squeeze %dma_wait3A_46 : memref<1x1000xf32, #tpu.memory_space<vmem>> -> memref<1000xf32, #tpu.memory_space<vmem>>
      tpu.wait_dma2 semaphore(%run_scoped3A_25 : memref<!tpu.dma_semaphore, #tpu.memory_space<semaphore_mem>>) src(%dma_wait3A_47 : memref<1000xf32, #tpu.memory_space<vmem>>) dst(%dma_wait3A_44 : memref<1000xf32, #tpu.memory_space<hbm>>)
      tpu.yield
    }) : () -> ()
    %run_scoped3A_17 = arith.constant 6 : i32
    %run_scoped3A_18 = arith.constant 6 : i32
    "tpu.region"() ({
      %run_scoped3A_25 = tpu.sem_alloc : memref<!tpu.dma_semaphore, #tpu.memory_space<semaphore_mem>>
      %dma_start3A = arith.constant 0 : i32
      %dma_start3A_26 = tpu.memref_slice %arg8[%run_scoped3A_17, %dma_start3A] : memref<10x1000xf32, #tpu.memory_space<vmem>> -> memref<1x1000xf32, #tpu.memory_space<vmem>>
      %dma_start3A_27 = tpu.memref_squeeze %dma_start3A_26 : memref<1x1000xf32, #tpu.memory_space<vmem>> -> memref<1000xf32, #tpu.memory_space<vmem>>
      %dma_start3A_28 = arith.constant 0 : i32
      %dma_start3A_29 = tpu.memref_slice %arg5[%run_scoped3A_18, %add3A, %dma_start3A_28] : memref<10x32x1000xf32, #tpu.memory_space<hbm>> -> memref<1x1x1000xf32, #tpu.memory_space<hbm>>
      %dma_start3A_30 = tpu.memref_squeeze %dma_start3A_29 : memref<1x1x1000xf32, #tpu.memory_space<hbm>> -> memref<1000xf32, #tpu.memory_space<hbm>>
      %dma_start3A_31 = arith.constant 0 : i32
      %dma_start3A_32 = tpu.memref_slice %arg5[%run_scoped3A_18, %add3A, %dma_start3A_31] : memref<10x32x1000xf32, #tpu.memory_space<hbm>> -> memref<1x1x1000xf32, #tpu.memory_space<hbm>>
      %dma_start3A_33 = tpu.memref_squeeze %dma_start3A_32 : memref<1x1x1000xf32, #tpu.memory_space<hbm>> -> memref<1000xf32, #tpu.memory_space<hbm>>
      %dma_start3A_34 = arith.constant 0 : i32
      %dma_start3A_35 = tpu.memref_slice %arg8[%run_scoped3A_17, %dma_start3A_34] : memref<10x1000xf32, #tpu.memory_space<vmem>> -> memref<1x1000xf32, #tpu.memory_space<vmem>>
      %dma_start3A_36 = tpu.memref_squeeze %dma_start3A_35 : memref<1x1000xf32, #tpu.memory_space<vmem>> -> memref<1000xf32, #tpu.memory_space<vmem>>
      tpu.enqueue_dma source(%dma_start3A_36 : memref<1000xf32, #tpu.memory_space<vmem>>) target(%dma_start3A_33 : memref<1000xf32, #tpu.memory_space<hbm>>) target_semaphore(%run_scoped3A_25 : memref<!tpu.dma_semaphore, #tpu.memory_space<semaphore_mem>>)
      %dma_wait3A = arith.constant 0 : i32
      %dma_wait3A_37 = tpu.memref_slice %arg8[%run_scoped3A_17, %dma_wait3A] : memref<10x1000xf32, #tpu.memory_space<vmem>> -> memref<1x1000xf32, #tpu.memory_space<vmem>>
      %dma_wait3A_38 = tpu.memref_squeeze %dma_wait3A_37 : memref<1x1000xf32, #tpu.memory_space<vmem>> -> memref<1000xf32, #tpu.memory_space<vmem>>
      %dma_wait3A_39 = arith.constant 0 : i32
      %dma_wait3A_40 = tpu.memref_slice %arg5[%run_scoped3A_18, %add3A, %dma_wait3A_39] : memref<10x32x1000xf32, #tpu.memory_space<hbm>> -> memref<1x1x1000xf32, #tpu.memory_space<hbm>>
      %dma_wait3A_41 = tpu.memref_squeeze %dma_wait3A_40 : memref<1x1x1000xf32, #tpu.memory_space<hbm>> -> memref<1000xf32, #tpu.memory_space<hbm>>
      %dma_wait3A_42 = arith.constant 0 : i32
      %dma_wait3A_43 = tpu.memref_slice %arg5[%run_scoped3A_18, %add3A, %dma_wait3A_42] : memref<10x32x1000xf32, #tpu.memory_space<hbm>> -> memref<1x1x1000xf32, #tpu.memory_space<hbm>>
      %dma_wait3A_44 = tpu.memref_squeeze %dma_wait3A_43 : memref<1x1x1000xf32, #tpu.memory_space<hbm>> -> memref<1000xf32, #tpu.memory_space<hbm>>
      %dma_wait3A_45 = arith.constant 0 : i32
      %dma_wait3A_46 = tpu.memref_slice %arg8[%run_scoped3A_17, %dma_wait3A_45] : memref<10x1000xf32, #tpu.memory_space<vmem>> -> memref<1x1000xf32, #tpu.memory_space<vmem>>
      %dma_wait3A_47 = tpu.memref_squeeze %dma_wait3A_46 : memref<1x1000xf32, #tpu.memory_space<vmem>> -> memref<1000xf32, #tpu.memory_space<vmem>>
      tpu.wait_dma2 semaphore(%run_scoped3A_25 : memref<!tpu.dma_semaphore, #tpu.memory_space<semaphore_mem>>) src(%dma_wait3A_47 : memref<1000xf32, #tpu.memory_space<vmem>>) dst(%dma_wait3A_44 : memref<1000xf32, #tpu.memory_space<hbm>>)
      tpu.yield
    }) : () -> ()
    %run_scoped3A_19 = arith.constant 7 : i32
    %run_scoped3A_20 = arith.constant 7 : i32
    "tpu.region"() ({
      %run_scoped3A_25 = tpu.sem_alloc : memref<!tpu.dma_semaphore, #tpu.memory_space<semaphore_mem>>
      %dma_start3A = arith.constant 0 : i32
      %dma_start3A_26 = tpu.memref_slice %arg8[%run_scoped3A_19, %dma_start3A] : memref<10x1000xf32, #tpu.memory_space<vmem>> -> memref<1x1000xf32, #tpu.memory_space<vmem>>
      %dma_start3A_27 = tpu.memref_squeeze %dma_start3A_26 : memref<1x1000xf32, #tpu.memory_space<vmem>> -> memref<1000xf32, #tpu.memory_space<vmem>>
      %dma_start3A_28 = arith.constant 0 : i32
      %dma_start3A_29 = tpu.memref_slice %arg5[%run_scoped3A_20, %add3A, %dma_start3A_28] : memref<10x32x1000xf32, #tpu.memory_space<hbm>> -> memref<1x1x1000xf32, #tpu.memory_space<hbm>>
      %dma_start3A_30 = tpu.memref_squeeze %dma_start3A_29 : memref<1x1x1000xf32, #tpu.memory_space<hbm>> -> memref<1000xf32, #tpu.memory_space<hbm>>
      %dma_start3A_31 = arith.constant 0 : i32
      %dma_start3A_32 = tpu.memref_slice %arg5[%run_scoped3A_20, %add3A, %dma_start3A_31] : memref<10x32x1000xf32, #tpu.memory_space<hbm>> -> memref<1x1x1000xf32, #tpu.memory_space<hbm>>
      %dma_start3A_33 = tpu.memref_squeeze %dma_start3A_32 : memref<1x1x1000xf32, #tpu.memory_space<hbm>> -> memref<1000xf32, #tpu.memory_space<hbm>>
      %dma_start3A_34 = arith.constant 0 : i32
      %dma_start3A_35 = tpu.memref_slice %arg8[%run_scoped3A_19, %dma_start3A_34] : memref<10x1000xf32, #tpu.memory_space<vmem>> -> memref<1x1000xf32, #tpu.memory_space<vmem>>
      %dma_start3A_36 = tpu.memref_squeeze %dma_start3A_35 : memref<1x1000xf32, #tpu.memory_space<vmem>> -> memref<1000xf32, #tpu.memory_space<vmem>>
      tpu.enqueue_dma source(%dma_start3A_36 : memref<1000xf32, #tpu.memory_space<vmem>>) target(%dma_start3A_33 : memref<1000xf32, #tpu.memory_space<hbm>>) target_semaphore(%run_scoped3A_25 : memref<!tpu.dma_semaphore, #tpu.memory_space<semaphore_mem>>)
      %dma_wait3A = arith.constant 0 : i32
      %dma_wait3A_37 = tpu.memref_slice %arg8[%run_scoped3A_19, %dma_wait3A] : memref<10x1000xf32, #tpu.memory_space<vmem>> -> memref<1x1000xf32, #tpu.memory_space<vmem>>
      %dma_wait3A_38 = tpu.memref_squeeze %dma_wait3A_37 : memref<1x1000xf32, #tpu.memory_space<vmem>> -> memref<1000xf32, #tpu.memory_space<vmem>>
      %dma_wait3A_39 = arith.constant 0 : i32
      %dma_wait3A_40 = tpu.memref_slice %arg5[%run_scoped3A_20, %add3A, %dma_wait3A_39] : memref<10x32x1000xf32, #tpu.memory_space<hbm>> -> memref<1x1x1000xf32, #tpu.memory_space<hbm>>
      %dma_wait3A_41 = tpu.memref_squeeze %dma_wait3A_40 : memref<1x1x1000xf32, #tpu.memory_space<hbm>> -> memref<1000xf32, #tpu.memory_space<hbm>>
      %dma_wait3A_42 = arith.constant 0 : i32
      %dma_wait3A_43 = tpu.memref_slice %arg5[%run_scoped3A_20, %add3A, %dma_wait3A_42] : memref<10x32x1000xf32, #tpu.memory_space<hbm>> -> memref<1x1x1000xf32, #tpu.memory_space<hbm>>
      %dma_wait3A_44 = tpu.memref_squeeze %dma_wait3A_43 : memref<1x1x1000xf32, #tpu.memory_space<hbm>> -> memref<1000xf32, #tpu.memory_space<hbm>>
      %dma_wait3A_45 = arith.constant 0 : i32
      %dma_wait3A_46 = tpu.memref_slice %arg8[%run_scoped3A_19, %dma_wait3A_45] : memref<10x1000xf32, #tpu.memory_space<vmem>> -> memref<1x1000xf32, #tpu.memory_space<vmem>>
      %dma_wait3A_47 = tpu.memref_squeeze %dma_wait3A_46 : memref<1x1000xf32, #tpu.memory_space<vmem>> -> memref<1000xf32, #tpu.memory_space<vmem>>
      tpu.wait_dma2 semaphore(%run_scoped3A_25 : memref<!tpu.dma_semaphore, #tpu.memory_space<semaphore_mem>>) src(%dma_wait3A_47 : memref<1000xf32, #tpu.memory_space<vmem>>) dst(%dma_wait3A_44 : memref<1000xf32, #tpu.memory_space<hbm>>)
      tpu.yield
    }) : () -> ()
    %run_scoped3A_21 = arith.constant 8 : i32
    %run_scoped3A_22 = arith.constant 8 : i32
    "tpu.region"() ({
      %run_scoped3A_25 = tpu.sem_alloc : memref<!tpu.dma_semaphore, #tpu.memory_space<semaphore_mem>>
      %dma_start3A = arith.constant 0 : i32
      %dma_start3A_26 = tpu.memref_slice %arg8[%run_scoped3A_21, %dma_start3A] : memref<10x1000xf32, #tpu.memory_space<vmem>> -> memref<1x1000xf32, #tpu.memory_space<vmem>>
      %dma_start3A_27 = tpu.memref_squeeze %dma_start3A_26 : memref<1x1000xf32, #tpu.memory_space<vmem>> -> memref<1000xf32, #tpu.memory_space<vmem>>
      %dma_start3A_28 = arith.constant 0 : i32
      %dma_start3A_29 = tpu.memref_slice %arg5[%run_scoped3A_22, %add3A, %dma_start3A_28] : memref<10x32x1000xf32, #tpu.memory_space<hbm>> -> memref<1x1x1000xf32, #tpu.memory_space<hbm>>
      %dma_start3A_30 = tpu.memref_squeeze %dma_start3A_29 : memref<1x1x1000xf32, #tpu.memory_space<hbm>> -> memref<1000xf32, #tpu.memory_space<hbm>>
      %dma_start3A_31 = arith.constant 0 : i32
      %dma_start3A_32 = tpu.memref_slice %arg5[%run_scoped3A_22, %add3A, %dma_start3A_31] : memref<10x32x1000xf32, #tpu.memory_space<hbm>> -> memref<1x1x1000xf32, #tpu.memory_space<hbm>>
      %dma_start3A_33 = tpu.memref_squeeze %dma_start3A_32 : memref<1x1x1000xf32, #tpu.memory_space<hbm>> -> memref<1000xf32, #tpu.memory_space<hbm>>
      %dma_start3A_34 = arith.constant 0 : i32
      %dma_start3A_35 = tpu.memref_slice %arg8[%run_scoped3A_21, %dma_start3A_34] : memref<10x1000xf32, #tpu.memory_space<vmem>> -> memref<1x1000xf32, #tpu.memory_space<vmem>>
      %dma_start3A_36 = tpu.memref_squeeze %dma_start3A_35 : memref<1x1000xf32, #tpu.memory_space<vmem>> -> memref<1000xf32, #tpu.memory_space<vmem>>
      tpu.enqueue_dma source(%dma_start3A_36 : memref<1000xf32, #tpu.memory_space<vmem>>) target(%dma_start3A_33 : memref<1000xf32, #tpu.memory_space<hbm>>) target_semaphore(%run_scoped3A_25 : memref<!tpu.dma_semaphore, #tpu.memory_space<semaphore_mem>>)
      %dma_wait3A = arith.constant 0 : i32
      %dma_wait3A_37 = tpu.memref_slice %arg8[%run_scoped3A_21, %dma_wait3A] : memref<10x1000xf32, #tpu.memory_space<vmem>> -> memref<1x1000xf32, #tpu.memory_space<vmem>>
      %dma_wait3A_38 = tpu.memref_squeeze %dma_wait3A_37 : memref<1x1000xf32, #tpu.memory_space<vmem>> -> memref<1000xf32, #tpu.memory_space<vmem>>
      %dma_wait3A_39 = arith.constant 0 : i32
      %dma_wait3A_40 = tpu.memref_slice %arg5[%run_scoped3A_22, %add3A, %dma_wait3A_39] : memref<10x32x1000xf32, #tpu.memory_space<hbm>> -> memref<1x1x1000xf32, #tpu.memory_space<hbm>>
      %dma_wait3A_41 = tpu.memref_squeeze %dma_wait3A_40 : memref<1x1x1000xf32, #tpu.memory_space<hbm>> -> memref<1000xf32, #tpu.memory_space<hbm>>
      %dma_wait3A_42 = arith.constant 0 : i32
      %dma_wait3A_43 = tpu.memref_slice %arg5[%run_scoped3A_22, %add3A, %dma_wait3A_42] : memref<10x32x1000xf32, #tpu.memory_space<hbm>> -> memref<1x1x1000xf32, #tpu.memory_space<hbm>>
      %dma_wait3A_44 = tpu.memref_squeeze %dma_wait3A_43 : memref<1x1x1000xf32, #tpu.memory_space<hbm>> -> memref<1000xf32, #tpu.memory_space<hbm>>
      %dma_wait3A_45 = arith.constant 0 : i32
      %dma_wait3A_46 = tpu.memref_slice %arg8[%run_scoped3A_21, %dma_wait3A_45] : memref<10x1000xf32, #tpu.memory_space<vmem>> -> memref<1x1000xf32, #tpu.memory_space<vmem>>
      %dma_wait3A_47 = tpu.memref_squeeze %dma_wait3A_46 : memref<1x1000xf32, #tpu.memory_space<vmem>> -> memref<1000xf32, #tpu.memory_space<vmem>>
      tpu.wait_dma2 semaphore(%run_scoped3A_25 : memref<!tpu.dma_semaphore, #tpu.memory_space<semaphore_mem>>) src(%dma_wait3A_47 : memref<1000xf32, #tpu.memory_space<vmem>>) dst(%dma_wait3A_44 : memref<1000xf32, #tpu.memory_space<hbm>>)
      tpu.yield
    }) : () -> ()
    %run_scoped3A_23 = arith.constant 9 : i32
    %run_scoped3A_24 = arith.constant 9 : i32
    "tpu.region"() ({
      %run_scoped3A_25 = tpu.sem_alloc : memref<!tpu.dma_semaphore, #tpu.memory_space<semaphore_mem>>
      %dma_start3A = arith.constant 0 : i32
      %dma_start3A_26 = tpu.memref_slice %arg8[%run_scoped3A_23, %dma_start3A] : memref<10x1000xf32, #tpu.memory_space<vmem>> -> memref<1x1000xf32, #tpu.memory_space<vmem>>
      %dma_start3A_27 = tpu.memref_squeeze %dma_start3A_26 : memref<1x1000xf32, #tpu.memory_space<vmem>> -> memref<1000xf32, #tpu.memory_space<vmem>>
      %dma_start3A_28 = arith.constant 0 : i32
      %dma_start3A_29 = tpu.memref_slice %arg5[%run_scoped3A_24, %add3A, %dma_start3A_28] : memref<10x32x1000xf32, #tpu.memory_space<hbm>> -> memref<1x1x1000xf32, #tpu.memory_space<hbm>>
      %dma_start3A_30 = tpu.memref_squeeze %dma_start3A_29 : memref<1x1x1000xf32, #tpu.memory_space<hbm>> -> memref<1000xf32, #tpu.memory_space<hbm>>
      %dma_start3A_31 = arith.constant 0 : i32
      %dma_start3A_32 = tpu.memref_slice %arg5[%run_scoped3A_24, %add3A, %dma_start3A_31] : memref<10x32x1000xf32, #tpu.memory_space<hbm>> -> memref<1x1x1000xf32, #tpu.memory_space<hbm>>
      %dma_start3A_33 = tpu.memref_squeeze %dma_start3A_32 : memref<1x1x1000xf32, #tpu.memory_space<hbm>> -> memref<1000xf32, #tpu.memory_space<hbm>>
      %dma_start3A_34 = arith.constant 0 : i32
      %dma_start3A_35 = tpu.memref_slice %arg8[%run_scoped3A_23, %dma_start3A_34] : memref<10x1000xf32, #tpu.memory_space<vmem>> -> memref<1x1000xf32, #tpu.memory_space<vmem>>
      %dma_start3A_36 = tpu.memref_squeeze %dma_start3A_35 : memref<1x1000xf32, #tpu.memory_space<vmem>> -> memref<1000xf32, #tpu.memory_space<vmem>>
      tpu.enqueue_dma source(%dma_start3A_36 : memref<1000xf32, #tpu.memory_space<vmem>>) target(%dma_start3A_33 : memref<1000xf32, #tpu.memory_space<hbm>>) target_semaphore(%run_scoped3A_25 : memref<!tpu.dma_semaphore, #tpu.memory_space<semaphore_mem>>)
      %dma_wait3A = arith.constant 0 : i32
      %dma_wait3A_37 = tpu.memref_slice %arg8[%run_scoped3A_23, %dma_wait3A] : memref<10x1000xf32, #tpu.memory_space<vmem>> -> memref<1x1000xf32, #tpu.memory_space<vmem>>
      %dma_wait3A_38 = tpu.memref_squeeze %dma_wait3A_37 : memref<1x1000xf32, #tpu.memory_space<vmem>> -> memref<1000xf32, #tpu.memory_space<vmem>>
      %dma_wait3A_39 = arith.constant 0 : i32
      %dma_wait3A_40 = tpu.memref_slice %arg5[%run_scoped3A_24, %add3A, %dma_wait3A_39] : memref<10x32x1000xf32, #tpu.memory_space<hbm>> -> memref<1x1x1000xf32, #tpu.memory_space<hbm>>
      %dma_wait3A_41 = tpu.memref_squeeze %dma_wait3A_40 : memref<1x1x1000xf32, #tpu.memory_space<hbm>> -> memref<1000xf32, #tpu.memory_space<hbm>>
      %dma_wait3A_42 = arith.constant 0 : i32
      %dma_wait3A_43 = tpu.memref_slice %arg5[%run_scoped3A_24, %add3A, %dma_wait3A_42] : memref<10x32x1000xf32, #tpu.memory_space<hbm>> -> memref<1x1x1000xf32, #tpu.memory_space<hbm>>
      %dma_wait3A_44 = tpu.memref_squeeze %dma_wait3A_43 : memref<1x1x1000xf32, #tpu.memory_space<hbm>> -> memref<1000xf32, #tpu.memory_space<hbm>>
      %dma_wait3A_45 = arith.constant 0 : i32
      %dma_wait3A_46 = tpu.memref_slice %arg8[%run_scoped3A_23, %dma_wait3A_45] : memref<10x1000xf32, #tpu.memory_space<vmem>> -> memref<1x1000xf32, #tpu.memory_space<vmem>>
      %dma_wait3A_47 = tpu.memref_squeeze %dma_wait3A_46 : memref<1x1000xf32, #tpu.memory_space<vmem>> -> memref<1000xf32, #tpu.memory_space<vmem>>
      tpu.wait_dma2 semaphore(%run_scoped3A_25 : memref<!tpu.dma_semaphore, #tpu.memory_space<semaphore_mem>>) src(%dma_wait3A_47 : memref<1000xf32, #tpu.memory_space<vmem>>) dst(%dma_wait3A_44 : memref<1000xf32, #tpu.memory_space<hbm>>)
      tpu.yield
    }) : () -> ()
    return
  }
}

#map = affine_map<(d0, d1) -> (0, 0)>
#map1 = affine_map<(d0, d1) -> (0, 0, 0, 0, 0)>
#map2 = affine_map<(d0, d1) -> (0, 0, 0)>
module attributes {stable_mosaic.version = 14 : i64} {
  func.func @_sc_propagate(%arg0: i32, %arg1: i32, %arg2: memref<10000x128xf32, #tpu.memory_space<hbm>>, %arg3: memref<2x2x16x250x40xi32, #tpu.memory_space<hbm>>, %arg4: memref<2x10000x128xf32, #tpu.memory_space<hbm>>, %arg5: memref<250x40xi32, #tpu.memory_space<vmem>>, %arg6: memref<250x40xi32, #tpu.memory_space<vmem>>, %arg7: memref<40x128xf32, #tpu.memory_space<vmem>>, %arg8: memref<40x128xf32, #tpu.memory_space<vmem>>, %arg9: memref<40x128xf32, #tpu.memory_space<vmem>>, %arg10: memref<40x128xf32, #tpu.memory_space<vmem>>, %arg11: memref<40x128xf32, #tpu.memory_space<vmem>>, %arg12: memref<25x128xf32, #tpu.memory_space<vmem>>, %arg13: memref<10000x128xf32, #tpu.memory_space<vmem_shared>>, %arg14: memref<!tpu.dma_semaphore, #tpu.memory_space<semaphore_mem>>, %arg15: memref<!tpu.dma_semaphore, #tpu.memory_space<semaphore_mem>>, %arg16: memref<!tpu.dma_semaphore, #tpu.memory_space<semaphore_mem>>, %arg17: memref<!tpu.dma_semaphore, #tpu.memory_space<semaphore_mem>>, %arg18: memref<!tpu.dma_semaphore, #tpu.memory_space<semaphore_mem>>) attributes {dimension_semantics = [#tpu.dimension_semantics<core_parallel>, #tpu.dimension_semantics<subcore_parallel>], iteration_bounds = array<i64: 2, 16>, scalar_prefetch = 0 : i64, scratch_operands = 14 : i64, tpu.core_type = #tpu.core_type<sc_vector_subcore>, window_params = [{transform_indices = #map}, {transform_indices = #map1}, {transform_indices = #map2}]} {
    %broadcast_in_dim3A = arith.constant 0.000000e+00 : f32
    %broadcast_in_dim3A_0 = vector.broadcast %broadcast_in_dim3A : f32 to vector<16xf32>
    %scan3A = arith.constant 0 : i32
    %scan3A_1 = arith.constant 25 : i32
    %scan3A_2 = arith.addi %scan3A, %scan3A_1 : i32
    %scan3A_3 = arith.constant 1 : i32
    scf.for %scan3A_93 = %scan3A to %scan3A_2 step %scan3A_3  : i32 {
      %swap3A = arith.index_cast %scan3A_93 : i32 to index
      %swap3A_94 = arith.constant 0 : index
      %swap3A_95 = tpu.vector_load %arg12[%swap3A, %swap3A_94] {strides = array<i32>} : memref<25x128xf32, #tpu.memory_space<vmem>>, vector<16xf32>,
      tpu.vector_store %arg12[%swap3A, %swap3A_94], %broadcast_in_dim3A_0 {strides = array<i32>} : memref<25x128xf32, #tpu.memory_space<vmem>>, vector<16xf32>,
      %swap3A_96 = arith.index_cast %scan3A_93 : i32 to index
      %swap3A_97 = arith.constant 16 : index
      %swap3A_98 = tpu.vector_load %arg12[%swap3A_96, %swap3A_97] {strides = array<i32>} : memref<25x128xf32, #tpu.memory_space<vmem>>, vector<16xf32>,
      tpu.vector_store %arg12[%swap3A_96, %swap3A_97], %broadcast_in_dim3A_0 {strides = array<i32>} : memref<25x128xf32, #tpu.memory_space<vmem>>, vector<16xf32>,
      %swap3A_99 = arith.index_cast %scan3A_93 : i32 to index
      %swap3A_100 = arith.constant 32 : index
      %swap3A_101 = tpu.vector_load %arg12[%swap3A_99, %swap3A_100] {strides = array<i32>} : memref<25x128xf32, #tpu.memory_space<vmem>>, vector<16xf32>,
      tpu.vector_store %arg12[%swap3A_99, %swap3A_100], %broadcast_in_dim3A_0 {strides = array<i32>} : memref<25x128xf32, #tpu.memory_space<vmem>>, vector<16xf32>,
      %swap3A_102 = arith.index_cast %scan3A_93 : i32 to index
      %swap3A_103 = arith.constant 48 : index
      %swap3A_104 = tpu.vector_load %arg12[%swap3A_102, %swap3A_103] {strides = array<i32>} : memref<25x128xf32, #tpu.memory_space<vmem>>, vector<16xf32>,
      tpu.vector_store %arg12[%swap3A_102, %swap3A_103], %broadcast_in_dim3A_0 {strides = array<i32>} : memref<25x128xf32, #tpu.memory_space<vmem>>, vector<16xf32>,
      %swap3A_105 = arith.index_cast %scan3A_93 : i32 to index
      %swap3A_106 = arith.constant 64 : index
      %swap3A_107 = tpu.vector_load %arg12[%swap3A_105, %swap3A_106] {strides = array<i32>} : memref<25x128xf32, #tpu.memory_space<vmem>>, vector<16xf32>,
      tpu.vector_store %arg12[%swap3A_105, %swap3A_106], %broadcast_in_dim3A_0 {strides = array<i32>} : memref<25x128xf32, #tpu.memory_space<vmem>>, vector<16xf32>,
      %swap3A_108 = arith.index_cast %scan3A_93 : i32 to index
      %swap3A_109 = arith.constant 80 : index
      %swap3A_110 = tpu.vector_load %arg12[%swap3A_108, %swap3A_109] {strides = array<i32>} : memref<25x128xf32, #tpu.memory_space<vmem>>, vector<16xf32>,
      tpu.vector_store %arg12[%swap3A_108, %swap3A_109], %broadcast_in_dim3A_0 {strides = array<i32>} : memref<25x128xf32, #tpu.memory_space<vmem>>, vector<16xf32>,
      %swap3A_111 = arith.index_cast %scan3A_93 : i32 to index
      %swap3A_112 = arith.constant 96 : index
      %swap3A_113 = tpu.vector_load %arg12[%swap3A_111, %swap3A_112] {strides = array<i32>} : memref<25x128xf32, #tpu.memory_space<vmem>>, vector<16xf32>,
      tpu.vector_store %arg12[%swap3A_111, %swap3A_112], %broadcast_in_dim3A_0 {strides = array<i32>} : memref<25x128xf32, #tpu.memory_space<vmem>>, vector<16xf32>,
      %swap3A_114 = arith.index_cast %scan3A_93 : i32 to index
      %swap3A_115 = arith.constant 112 : index
      %swap3A_116 = tpu.vector_load %arg12[%swap3A_114, %swap3A_115] {strides = array<i32>} : memref<25x128xf32, #tpu.memory_space<vmem>>, vector<16xf32>,
      tpu.vector_store %arg12[%swap3A_114, %swap3A_115], %broadcast_in_dim3A_0 {strides = array<i32>} : memref<25x128xf32, #tpu.memory_space<vmem>>, vector<16xf32>,
    }
    %scan3A_4 = arith.constant 25 : i32
    %run_scoped3A = arith.constant 0 : i32
    "tpu.region"() ({
      %run_scoped3A_93 = tpu.sem_alloc : memref<!tpu.dma_semaphore, #tpu.memory_space<semaphore_mem>>
      %dma_start3A_94 = arith.constant 0 : i32
      %dma_start3A_95 = arith.constant 0 : i32
      %dma_start3A_96 = tpu.memref_slice %arg3[%run_scoped3A, %arg0, %arg1, %dma_start3A_94, %dma_start3A_95] : memref<2x2x16x250x40xi32, #tpu.memory_space<hbm>> -> memref<1x1x1x250x40xi32, #tpu.memory_space<hbm>>
      %dma_start3A_97 = tpu.memref_squeeze %dma_start3A_96 : memref<1x1x1x250x40xi32, #tpu.memory_space<hbm>> -> memref<250x40xi32, #tpu.memory_space<hbm>>
      %dma_start3A_98 = arith.constant 0 : i32
      %dma_start3A_99 = arith.constant 0 : i32
      %dma_start3A_100 = tpu.memref_slice %arg3[%run_scoped3A, %arg0, %arg1, %dma_start3A_98, %dma_start3A_99] : memref<2x2x16x250x40xi32, #tpu.memory_space<hbm>> -> memref<1x1x1x250x40xi32, #tpu.memory_space<hbm>>
      %dma_start3A_101 = tpu.memref_squeeze %dma_start3A_100 : memref<1x1x1x250x40xi32, #tpu.memory_space<hbm>> -> memref<250x40xi32, #tpu.memory_space<hbm>>
      tpu.enqueue_dma source(%dma_start3A_101 : memref<250x40xi32, #tpu.memory_space<hbm>>) target(%arg5 : memref<250x40xi32, #tpu.memory_space<vmem>>) target_semaphore(%run_scoped3A_93 : memref<!tpu.dma_semaphore, #tpu.memory_space<semaphore_mem>>)
      %dma_wait3A_102 = arith.constant 0 : i32
      %dma_wait3A_103 = arith.constant 0 : i32
      %dma_wait3A_104 = tpu.memref_slice %arg3[%run_scoped3A, %arg0, %arg1, %dma_wait3A_102, %dma_wait3A_103] : memref<2x2x16x250x40xi32, #tpu.memory_space<hbm>> -> memref<1x1x1x250x40xi32, #tpu.memory_space<hbm>>
      %dma_wait3A_105 = tpu.memref_squeeze %dma_wait3A_104 : memref<1x1x1x250x40xi32, #tpu.memory_space<hbm>> -> memref<250x40xi32, #tpu.memory_space<hbm>>
      %dma_wait3A_106 = arith.constant 0 : i32
      %dma_wait3A_107 = arith.constant 0 : i32
      %dma_wait3A_108 = tpu.memref_slice %arg3[%run_scoped3A, %arg0, %arg1, %dma_wait3A_106, %dma_wait3A_107] : memref<2x2x16x250x40xi32, #tpu.memory_space<hbm>> -> memref<1x1x1x250x40xi32, #tpu.memory_space<hbm>>
      %dma_wait3A_109 = tpu.memref_squeeze %dma_wait3A_108 : memref<1x1x1x250x40xi32, #tpu.memory_space<hbm>> -> memref<250x40xi32, #tpu.memory_space<hbm>>
      tpu.wait_dma2 semaphore(%run_scoped3A_93 : memref<!tpu.dma_semaphore, #tpu.memory_space<semaphore_mem>>) src(%dma_wait3A_109 : memref<250x40xi32, #tpu.memory_space<hbm>>) dst(%arg5 : memref<250x40xi32, #tpu.memory_space<vmem>>)
      tpu.yield
    }) : () -> ()
    %run_scoped3A_5 = arith.constant 1 : i32
    "tpu.region"() ({
      %run_scoped3A_93 = tpu.sem_alloc : memref<!tpu.dma_semaphore, #tpu.memory_space<semaphore_mem>>
      %dma_start3A_94 = arith.constant 0 : i32
      %dma_start3A_95 = arith.constant 0 : i32
      %dma_start3A_96 = tpu.memref_slice %arg3[%run_scoped3A_5, %arg0, %arg1, %dma_start3A_94, %dma_start3A_95] : memref<2x2x16x250x40xi32, #tpu.memory_space<hbm>> -> memref<1x1x1x250x40xi32, #tpu.memory_space<hbm>>
      %dma_start3A_97 = tpu.memref_squeeze %dma_start3A_96 : memref<1x1x1x250x40xi32, #tpu.memory_space<hbm>> -> memref<250x40xi32, #tpu.memory_space<hbm>>
      %dma_start3A_98 = arith.constant 0 : i32
      %dma_start3A_99 = arith.constant 0 : i32
      %dma_start3A_100 = tpu.memref_slice %arg3[%run_scoped3A_5, %arg0, %arg1, %dma_start3A_98, %dma_start3A_99] : memref<2x2x16x250x40xi32, #tpu.memory_space<hbm>> -> memref<1x1x1x250x40xi32, #tpu.memory_space<hbm>>
      %dma_start3A_101 = tpu.memref_squeeze %dma_start3A_100 : memref<1x1x1x250x40xi32, #tpu.memory_space<hbm>> -> memref<250x40xi32, #tpu.memory_space<hbm>>
      tpu.enqueue_dma source(%dma_start3A_101 : memref<250x40xi32, #tpu.memory_space<hbm>>) target(%arg6 : memref<250x40xi32, #tpu.memory_space<vmem>>) target_semaphore(%run_scoped3A_93 : memref<!tpu.dma_semaphore, #tpu.memory_space<semaphore_mem>>)
      %dma_wait3A_102 = arith.constant 0 : i32
      %dma_wait3A_103 = arith.constant 0 : i32
      %dma_wait3A_104 = tpu.memref_slice %arg3[%run_scoped3A_5, %arg0, %arg1, %dma_wait3A_102, %dma_wait3A_103] : memref<2x2x16x250x40xi32, #tpu.memory_space<hbm>> -> memref<1x1x1x250x40xi32, #tpu.memory_space<hbm>>
      %dma_wait3A_105 = tpu.memref_squeeze %dma_wait3A_104 : memref<1x1x1x250x40xi32, #tpu.memory_space<hbm>> -> memref<250x40xi32, #tpu.memory_space<hbm>>
      %dma_wait3A_106 = arith.constant 0 : i32
      %dma_wait3A_107 = arith.constant 0 : i32
      %dma_wait3A_108 = tpu.memref_slice %arg3[%run_scoped3A_5, %arg0, %arg1, %dma_wait3A_106, %dma_wait3A_107] : memref<2x2x16x250x40xi32, #tpu.memory_space<hbm>> -> memref<1x1x1x250x40xi32, #tpu.memory_space<hbm>>
      %dma_wait3A_109 = tpu.memref_squeeze %dma_wait3A_108 : memref<1x1x1x250x40xi32, #tpu.memory_space<hbm>> -> memref<250x40xi32, #tpu.memory_space<hbm>>
      tpu.wait_dma2 semaphore(%run_scoped3A_93 : memref<!tpu.dma_semaphore, #tpu.memory_space<semaphore_mem>>) src(%dma_wait3A_109 : memref<250x40xi32, #tpu.memory_space<hbm>>) dst(%arg6 : memref<250x40xi32, #tpu.memory_space<vmem>>)
      tpu.yield
    }) : () -> ()
    %scan3A_6 = arith.constant 0 : i32
    %scan3A_7 = arith.constant 25 : i32
    %scan3A_8 = arith.addi %scan3A_6, %scan3A_7 : i32
    %scan3A_9 = arith.constant 1 : i32
    scf.for %scan3A_93 = %scan3A_6 to %scan3A_8 step %scan3A_9  : i32 {
      %mul3A_94 = arith.constant 625 : i32
      %mul3A_95 = arith.muli %arg1, %mul3A_94 : i32
      %mul3A_96 = arith.constant 25 : i32
      %mul3A_97 = arith.muli %scan3A_93, %mul3A_96 : i32
      %add3A = arith.addi %mul3A_95, %mul3A_97 : i32
      "tpu.region"() ({
        %run_scoped3A_98 = tpu.sem_alloc : memref<!tpu.dma_semaphore, #tpu.memory_space<semaphore_mem>>
        %dma_start3A_99 = arith.constant 0 : i32
        %dma_start3A_100 = tpu.memref_slice %arg13[%add3A, %dma_start3A_99] : memref<10000x128xf32, #tpu.memory_space<vmem_shared>> -> memref<25x128xf32, #tpu.memory_space<vmem_shared>>
        %dma_start3A_101 = arith.constant 0 : i32
        %dma_start3A_102 = tpu.memref_slice %arg13[%add3A, %dma_start3A_101] : memref<10000x128xf32, #tpu.memory_space<vmem_shared>> -> memref<25x128xf32, #tpu.memory_space<vmem_shared>>
        tpu.enqueue_dma source(%arg12 : memref<25x128xf32, #tpu.memory_space<vmem>>) target(%dma_start3A_102 : memref<25x128xf32, #tpu.memory_space<vmem_shared>>) target_semaphore(%run_scoped3A_98 : memref<!tpu.dma_semaphore, #tpu.memory_space<semaphore_mem>>)
        %dma_wait3A_103 = arith.constant 0 : i32
        %dma_wait3A_104 = tpu.memref_slice %arg13[%add3A, %dma_wait3A_103] : memref<10000x128xf32, #tpu.memory_space<vmem_shared>> -> memref<25x128xf32, #tpu.memory_space<vmem_shared>>
        %dma_wait3A_105 = arith.constant 0 : i32
        %dma_wait3A_106 = tpu.memref_slice %arg13[%add3A, %dma_wait3A_105] : memref<10000x128xf32, #tpu.memory_space<vmem_shared>> -> memref<25x128xf32, #tpu.memory_space<vmem_shared>>
        tpu.wait_dma2 semaphore(%run_scoped3A_98 : memref<!tpu.dma_semaphore, #tpu.memory_space<semaphore_mem>>) src(%arg12 : memref<25x128xf32, #tpu.memory_space<vmem>>) dst(%dma_wait3A_106 : memref<25x128xf32, #tpu.memory_space<vmem_shared>>)
        tpu.yield
      }) : () -> ()
    }
    %scan3A_10 = arith.constant 25 : i32
    %dma_start3A = arith.constant 0 : i32
    %dma_start3A_11 = arith.constant 0 : i32
    %dma_start3A_12 = tpu.memref_slice %arg5[%dma_start3A, %dma_start3A_11] : memref<250x40xi32, #tpu.memory_space<vmem>> -> memref<1x40xi32, #tpu.memory_space<vmem>>
    %dma_start3A_13 = tpu.memref_squeeze %dma_start3A_12 : memref<1x40xi32, #tpu.memory_space<vmem>> -> memref<40xi32, #tpu.memory_space<vmem>>
    %dma_start3A_14 = arith.constant 0 : i32
    %dma_start3A_15 = arith.constant 0 : i32
    %dma_start3A_16 = tpu.memref_slice %arg2[%dma_start3A_14, %dma_start3A_15] : memref<10000x128xf32, #tpu.memory_space<hbm>> -> memref<10000x128xf32, #tpu.memory_space<hbm>>
    tpu.enqueue_indirect_dma source(%dma_start3A_16 : memref<10000x128xf32, #tpu.memory_space<hbm>>) target(%arg7 : memref<40x128xf32, #tpu.memory_space<vmem>>) offsets(%dma_start3A_13 : memref<40xi32, #tpu.memory_space<vmem>>) semaphore(%arg14 : memref<!tpu.dma_semaphore, #tpu.memory_space<semaphore_mem>>)
    %dma_start3A_17 = arith.constant 1 : i32
    %dma_start3A_18 = arith.constant 0 : i32
    %dma_start3A_19 = tpu.memref_slice %arg5[%dma_start3A_17, %dma_start3A_18] : memref<250x40xi32, #tpu.memory_space<vmem>> -> memref<1x40xi32, #tpu.memory_space<vmem>>
    %dma_start3A_20 = tpu.memref_squeeze %dma_start3A_19 : memref<1x40xi32, #tpu.memory_space<vmem>> -> memref<40xi32, #tpu.memory_space<vmem>>
    %dma_start3A_21 = arith.constant 0 : i32
    %dma_start3A_22 = arith.constant 0 : i32
    %dma_start3A_23 = tpu.memref_slice %arg2[%dma_start3A_21, %dma_start3A_22] : memref<10000x128xf32, #tpu.memory_space<hbm>> -> memref<10000x128xf32, #tpu.memory_space<hbm>>
    tpu.enqueue_indirect_dma source(%dma_start3A_23 : memref<10000x128xf32, #tpu.memory_space<hbm>>) target(%arg8 : memref<40x128xf32, #tpu.memory_space<vmem>>) offsets(%dma_start3A_20 : memref<40xi32, #tpu.memory_space<vmem>>) semaphore(%arg15 : memref<!tpu.dma_semaphore, #tpu.memory_space<semaphore_mem>>)
    %dma_start3A_24 = arith.constant 2 : i32
    %dma_start3A_25 = arith.constant 0 : i32
    %dma_start3A_26 = tpu.memref_slice %arg5[%dma_start3A_24, %dma_start3A_25] : memref<250x40xi32, #tpu.memory_space<vmem>> -> memref<1x40xi32, #tpu.memory_space<vmem>>
    %dma_start3A_27 = tpu.memref_squeeze %dma_start3A_26 : memref<1x40xi32, #tpu.memory_space<vmem>> -> memref<40xi32, #tpu.memory_space<vmem>>
    %dma_start3A_28 = arith.constant 0 : i32
    %dma_start3A_29 = arith.constant 0 : i32
    %dma_start3A_30 = tpu.memref_slice %arg2[%dma_start3A_28, %dma_start3A_29] : memref<10000x128xf32, #tpu.memory_space<hbm>> -> memref<10000x128xf32, #tpu.memory_space<hbm>>
    tpu.enqueue_indirect_dma source(%dma_start3A_30 : memref<10000x128xf32, #tpu.memory_space<hbm>>) target(%arg9 : memref<40x128xf32, #tpu.memory_space<vmem>>) offsets(%dma_start3A_27 : memref<40xi32, #tpu.memory_space<vmem>>) semaphore(%arg16 : memref<!tpu.dma_semaphore, #tpu.memory_space<semaphore_mem>>)
    %dma_start3A_31 = arith.constant 3 : i32
    %dma_start3A_32 = arith.constant 0 : i32
    %dma_start3A_33 = tpu.memref_slice %arg5[%dma_start3A_31, %dma_start3A_32] : memref<250x40xi32, #tpu.memory_space<vmem>> -> memref<1x40xi32, #tpu.memory_space<vmem>>
    %dma_start3A_34 = tpu.memref_squeeze %dma_start3A_33 : memref<1x40xi32, #tpu.memory_space<vmem>> -> memref<40xi32, #tpu.memory_space<vmem>>
    %dma_start3A_35 = arith.constant 0 : i32
    %dma_start3A_36 = arith.constant 0 : i32
    %dma_start3A_37 = tpu.memref_slice %arg2[%dma_start3A_35, %dma_start3A_36] : memref<10000x128xf32, #tpu.memory_space<hbm>> -> memref<10000x128xf32, #tpu.memory_space<hbm>>
    tpu.enqueue_indirect_dma source(%dma_start3A_37 : memref<10000x128xf32, #tpu.memory_space<hbm>>) target(%arg10 : memref<40x128xf32, #tpu.memory_space<vmem>>) offsets(%dma_start3A_34 : memref<40xi32, #tpu.memory_space<vmem>>) semaphore(%arg17 : memref<!tpu.dma_semaphore, #tpu.memory_space<semaphore_mem>>)
    %dma_start3A_38 = arith.constant 4 : i32
    %dma_start3A_39 = arith.constant 0 : i32
    %dma_start3A_40 = tpu.memref_slice %arg5[%dma_start3A_38, %dma_start3A_39] : memref<250x40xi32, #tpu.memory_space<vmem>> -> memref<1x40xi32, #tpu.memory_space<vmem>>
    %dma_start3A_41 = tpu.memref_squeeze %dma_start3A_40 : memref<1x40xi32, #tpu.memory_space<vmem>> -> memref<40xi32, #tpu.memory_space<vmem>>
    %dma_start3A_42 = arith.constant 0 : i32
    %dma_start3A_43 = arith.constant 0 : i32
    %dma_start3A_44 = tpu.memref_slice %arg2[%dma_start3A_42, %dma_start3A_43] : memref<10000x128xf32, #tpu.memory_space<hbm>> -> memref<10000x128xf32, #tpu.memory_space<hbm>>
    tpu.enqueue_indirect_dma source(%dma_start3A_44 : memref<10000x128xf32, #tpu.memory_space<hbm>>) target(%arg11 : memref<40x128xf32, #tpu.memory_space<vmem>>) offsets(%dma_start3A_41 : memref<40xi32, #tpu.memory_space<vmem>>) semaphore(%arg18 : memref<!tpu.dma_semaphore, #tpu.memory_space<semaphore_mem>>)
    %barrier3A = arith.constant 0 : index
    tpu.barrier barrier_id(%barrier3A)
    %scan3A_45 = arith.constant 0 : i32
    %scan3A_46 = arith.constant 49 : i32
    %scan3A_47 = arith.addi %scan3A_45, %scan3A_46 : i32
    %scan3A_48 = arith.constant 1 : i32
    scf.for %scan3A_93 = %scan3A_45 to %scan3A_47 step %scan3A_48  : i32 {
      %mul3A_94 = arith.constant 5 : i32
      %mul3A_95 = arith.muli %mul3A_94, %scan3A_93 : i32
      %add3A = arith.constant 0 : i32
      %add3A_96 = arith.addi %mul3A_95, %add3A : i32
      %dma_wait3A_97 = arith.constant 0 : i32
      %dma_wait3A_98 = tpu.memref_slice %arg5[%add3A_96, %dma_wait3A_97] : memref<250x40xi32, #tpu.memory_space<vmem>> -> memref<1x40xi32, #tpu.memory_space<vmem>>
      %dma_wait3A_99 = tpu.memref_squeeze %dma_wait3A_98 : memref<1x40xi32, #tpu.memory_space<vmem>> -> memref<40xi32, #tpu.memory_space<vmem>>
      %dma_wait3A_100 = arith.constant 0 : i32
      %dma_wait3A_101 = arith.constant 0 : i32
      %dma_wait3A_102 = tpu.memref_slice %arg2[%dma_wait3A_100, %dma_wait3A_101] : memref<10000x128xf32, #tpu.memory_space<hbm>> -> memref<10000x128xf32, #tpu.memory_space<hbm>>
      tpu.wait_indirect_dma semaphore(%arg14 : memref<!tpu.dma_semaphore, #tpu.memory_space<semaphore_mem>>) src(%dma_wait3A_102 : memref<10000x128xf32, #tpu.memory_space<hbm>>) dst(%arg7 : memref<40x128xf32, #tpu.memory_space<vmem>>)
      "tpu.region"() ({
        %run_scoped3A_183 = tpu.sem_alloc : memref<!tpu.dma_semaphore, #tpu.memory_space<semaphore_mem>>
        %dma_start3A_184 = arith.constant 0 : i32
        %dma_start3A_185 = tpu.memref_slice %arg6[%add3A_96, %dma_start3A_184] : memref<250x40xi32, #tpu.memory_space<vmem>> -> memref<1x40xi32, #tpu.memory_space<vmem>>
        %dma_start3A_186 = tpu.memref_squeeze %dma_start3A_185 : memref<1x40xi32, #tpu.memory_space<vmem>> -> memref<40xi32, #tpu.memory_space<vmem>>
        %dma_start3A_187 = arith.constant 0 : i32
        %dma_start3A_188 = arith.constant 0 : i32
        %dma_start3A_189 = tpu.memref_slice %arg13[%dma_start3A_187, %dma_start3A_188] : memref<10000x128xf32, #tpu.memory_space<vmem_shared>> -> memref<10000x128xf32, #tpu.memory_space<vmem_shared>>
        tpu.enqueue_indirect_dma source(%arg7 : memref<40x128xf32, #tpu.memory_space<vmem>>) target(%dma_start3A_189 : memref<10000x128xf32, #tpu.memory_space<vmem_shared>>) offsets(%dma_start3A_186 : memref<40xi32, #tpu.memory_space<vmem>>) semaphore(%run_scoped3A_183 : memref<!tpu.dma_semaphore, #tpu.memory_space<semaphore_mem>>) {add = true}
        %dma_wait3A_190 = arith.constant 0 : i32
        %dma_wait3A_191 = tpu.memref_slice %arg6[%add3A_96, %dma_wait3A_190] : memref<250x40xi32, #tpu.memory_space<vmem>> -> memref<1x40xi32, #tpu.memory_space<vmem>>
        %dma_wait3A_192 = tpu.memref_squeeze %dma_wait3A_191 : memref<1x40xi32, #tpu.memory_space<vmem>> -> memref<40xi32, #tpu.memory_space<vmem>>
        %dma_wait3A_193 = arith.constant 0 : i32
        %dma_wait3A_194 = arith.constant 0 : i32
        %dma_wait3A_195 = tpu.memref_slice %arg13[%dma_wait3A_193, %dma_wait3A_194] : memref<10000x128xf32, #tpu.memory_space<vmem_shared>> -> memref<10000x128xf32, #tpu.memory_space<vmem_shared>>
        tpu.wait_indirect_dma semaphore(%run_scoped3A_183 : memref<!tpu.dma_semaphore, #tpu.memory_space<semaphore_mem>>) src(%arg7 : memref<40x128xf32, #tpu.memory_space<vmem>>) dst(%dma_wait3A_195 : memref<10000x128xf32, #tpu.memory_space<vmem_shared>>)
        tpu.yield
      }) : () -> ()
      %add3A_103 = arith.constant 5 : i32
      %add3A_104 = arith.addi %add3A_96, %add3A_103 : i32
      %dma_start3A_105 = arith.constant 0 : i32
      %dma_start3A_106 = tpu.memref_slice %arg5[%add3A_104, %dma_start3A_105] : memref<250x40xi32, #tpu.memory_space<vmem>> -> memref<1x40xi32, #tpu.memory_space<vmem>>
      %dma_start3A_107 = tpu.memref_squeeze %dma_start3A_106 : memref<1x40xi32, #tpu.memory_space<vmem>> -> memref<40xi32, #tpu.memory_space<vmem>>
      %dma_start3A_108 = arith.constant 0 : i32
      %dma_start3A_109 = arith.constant 0 : i32
      %dma_start3A_110 = tpu.memref_slice %arg2[%dma_start3A_108, %dma_start3A_109] : memref<10000x128xf32, #tpu.memory_space<hbm>> -> memref<10000x128xf32, #tpu.memory_space<hbm>>
      tpu.enqueue_indirect_dma source(%dma_start3A_110 : memref<10000x128xf32, #tpu.memory_space<hbm>>) target(%arg7 : memref<40x128xf32, #tpu.memory_space<vmem>>) offsets(%dma_start3A_107 : memref<40xi32, #tpu.memory_space<vmem>>) semaphore(%arg14 : memref<!tpu.dma_semaphore, #tpu.memory_space<semaphore_mem>>)
      %mul3A_111 = arith.constant 5 : i32
      %mul3A_112 = arith.muli %mul3A_111, %scan3A_93 : i32
      %add3A_113 = arith.constant 1 : i32
      %add3A_114 = arith.addi %mul3A_112, %add3A_113 : i32
      %dma_wait3A_115 = arith.constant 0 : i32
      %dma_wait3A_116 = tpu.memref_slice %arg5[%add3A_114, %dma_wait3A_115] : memref<250x40xi32, #tpu.memory_space<vmem>> -> memref<1x40xi32, #tpu.memory_space<vmem>>
      %dma_wait3A_117 = tpu.memref_squeeze %dma_wait3A_116 : memref<1x40xi32, #tpu.memory_space<vmem>> -> memref<40xi32, #tpu.memory_space<vmem>>
      %dma_wait3A_118 = arith.constant 0 : i32
      %dma_wait3A_119 = arith.constant 0 : i32
      %dma_wait3A_120 = tpu.memref_slice %arg2[%dma_wait3A_118, %dma_wait3A_119] : memref<10000x128xf32, #tpu.memory_space<hbm>> -> memref<10000x128xf32, #tpu.memory_space<hbm>>
      tpu.wait_indirect_dma semaphore(%arg15 : memref<!tpu.dma_semaphore, #tpu.memory_space<semaphore_mem>>) src(%dma_wait3A_120 : memref<10000x128xf32, #tpu.memory_space<hbm>>) dst(%arg8 : memref<40x128xf32, #tpu.memory_space<vmem>>)
      "tpu.region"() ({
        %run_scoped3A_183 = tpu.sem_alloc : memref<!tpu.dma_semaphore, #tpu.memory_space<semaphore_mem>>
        %dma_start3A_184 = arith.constant 0 : i32
        %dma_start3A_185 = tpu.memref_slice %arg6[%add3A_114, %dma_start3A_184] : memref<250x40xi32, #tpu.memory_space<vmem>> -> memref<1x40xi32, #tpu.memory_space<vmem>>
        %dma_start3A_186 = tpu.memref_squeeze %dma_start3A_185 : memref<1x40xi32, #tpu.memory_space<vmem>> -> memref<40xi32, #tpu.memory_space<vmem>>
        %dma_start3A_187 = arith.constant 0 : i32
        %dma_start3A_188 = arith.constant 0 : i32
        %dma_start3A_189 = tpu.memref_slice %arg13[%dma_start3A_187, %dma_start3A_188] : memref<10000x128xf32, #tpu.memory_space<vmem_shared>> -> memref<10000x128xf32, #tpu.memory_space<vmem_shared>>
        tpu.enqueue_indirect_dma source(%arg8 : memref<40x128xf32, #tpu.memory_space<vmem>>) target(%dma_start3A_189 : memref<10000x128xf32, #tpu.memory_space<vmem_shared>>) offsets(%dma_start3A_186 : memref<40xi32, #tpu.memory_space<vmem>>) semaphore(%run_scoped3A_183 : memref<!tpu.dma_semaphore, #tpu.memory_space<semaphore_mem>>) {add = true}
        %dma_wait3A_190 = arith.constant 0 : i32
        %dma_wait3A_191 = tpu.memref_slice %arg6[%add3A_114, %dma_wait3A_190] : memref<250x40xi32, #tpu.memory_space<vmem>> -> memref<1x40xi32, #tpu.memory_space<vmem>>
        %dma_wait3A_192 = tpu.memref_squeeze %dma_wait3A_191 : memref<1x40xi32, #tpu.memory_space<vmem>> -> memref<40xi32, #tpu.memory_space<vmem>>
        %dma_wait3A_193 = arith.constant 0 : i32
        %dma_wait3A_194 = arith.constant 0 : i32
        %dma_wait3A_195 = tpu.memref_slice %arg13[%dma_wait3A_193, %dma_wait3A_194] : memref<10000x128xf32, #tpu.memory_space<vmem_shared>> -> memref<10000x128xf32, #tpu.memory_space<vmem_shared>>
        tpu.wait_indirect_dma semaphore(%run_scoped3A_183 : memref<!tpu.dma_semaphore, #tpu.memory_space<semaphore_mem>>) src(%arg8 : memref<40x128xf32, #tpu.memory_space<vmem>>) dst(%dma_wait3A_195 : memref<10000x128xf32, #tpu.memory_space<vmem_shared>>)
        tpu.yield
      }) : () -> ()
      %add3A_121 = arith.constant 5 : i32
      %add3A_122 = arith.addi %add3A_114, %add3A_121 : i32
      %dma_start3A_123 = arith.constant 0 : i32
      %dma_start3A_124 = tpu.memref_slice %arg5[%add3A_122, %dma_start3A_123] : memref<250x40xi32, #tpu.memory_space<vmem>> -> memref<1x40xi32, #tpu.memory_space<vmem>>
      %dma_start3A_125 = tpu.memref_squeeze %dma_start3A_124 : memref<1x40xi32, #tpu.memory_space<vmem>> -> memref<40xi32, #tpu.memory_space<vmem>>
      %dma_start3A_126 = arith.constant 0 : i32
      %dma_start3A_127 = arith.constant 0 : i32
      %dma_start3A_128 = tpu.memref_slice %arg2[%dma_start3A_126, %dma_start3A_127] : memref<10000x128xf32, #tpu.memory_space<hbm>> -> memref<10000x128xf32, #tpu.memory_space<hbm>>
      tpu.enqueue_indirect_dma source(%dma_start3A_128 : memref<10000x128xf32, #tpu.memory_space<hbm>>) target(%arg8 : memref<40x128xf32, #tpu.memory_space<vmem>>) offsets(%dma_start3A_125 : memref<40xi32, #tpu.memory_space<vmem>>) semaphore(%arg15 : memref<!tpu.dma_semaphore, #tpu.memory_space<semaphore_mem>>)
      %mul3A_129 = arith.constant 5 : i32
      %mul3A_130 = arith.muli %mul3A_129, %scan3A_93 : i32
      %add3A_131 = arith.constant 2 : i32
      %add3A_132 = arith.addi %mul3A_130, %add3A_131 : i32
      %dma_wait3A_133 = arith.constant 0 : i32
      %dma_wait3A_134 = tpu.memref_slice %arg5[%add3A_132, %dma_wait3A_133] : memref<250x40xi32, #tpu.memory_space<vmem>> -> memref<1x40xi32, #tpu.memory_space<vmem>>
      %dma_wait3A_135 = tpu.memref_squeeze %dma_wait3A_134 : memref<1x40xi32, #tpu.memory_space<vmem>> -> memref<40xi32, #tpu.memory_space<vmem>>
      %dma_wait3A_136 = arith.constant 0 : i32
      %dma_wait3A_137 = arith.constant 0 : i32
      %dma_wait3A_138 = tpu.memref_slice %arg2[%dma_wait3A_136, %dma_wait3A_137] : memref<10000x128xf32, #tpu.memory_space<hbm>> -> memref<10000x128xf32, #tpu.memory_space<hbm>>
      tpu.wait_indirect_dma semaphore(%arg16 : memref<!tpu.dma_semaphore, #tpu.memory_space<semaphore_mem>>) src(%dma_wait3A_138 : memref<10000x128xf32, #tpu.memory_space<hbm>>) dst(%arg9 : memref<40x128xf32, #tpu.memory_space<vmem>>)
      "tpu.region"() ({
        %run_scoped3A_183 = tpu.sem_alloc : memref<!tpu.dma_semaphore, #tpu.memory_space<semaphore_mem>>
        %dma_start3A_184 = arith.constant 0 : i32
        %dma_start3A_185 = tpu.memref_slice %arg6[%add3A_132, %dma_start3A_184] : memref<250x40xi32, #tpu.memory_space<vmem>> -> memref<1x40xi32, #tpu.memory_space<vmem>>
        %dma_start3A_186 = tpu.memref_squeeze %dma_start3A_185 : memref<1x40xi32, #tpu.memory_space<vmem>> -> memref<40xi32, #tpu.memory_space<vmem>>
        %dma_start3A_187 = arith.constant 0 : i32
        %dma_start3A_188 = arith.constant 0 : i32
        %dma_start3A_189 = tpu.memref_slice %arg13[%dma_start3A_187, %dma_start3A_188] : memref<10000x128xf32, #tpu.memory_space<vmem_shared>> -> memref<10000x128xf32, #tpu.memory_space<vmem_shared>>
        tpu.enqueue_indirect_dma source(%arg9 : memref<40x128xf32, #tpu.memory_space<vmem>>) target(%dma_start3A_189 : memref<10000x128xf32, #tpu.memory_space<vmem_shared>>) offsets(%dma_start3A_186 : memref<40xi32, #tpu.memory_space<vmem>>) semaphore(%run_scoped3A_183 : memref<!tpu.dma_semaphore, #tpu.memory_space<semaphore_mem>>) {add = true}
        %dma_wait3A_190 = arith.constant 0 : i32
        %dma_wait3A_191 = tpu.memref_slice %arg6[%add3A_132, %dma_wait3A_190] : memref<250x40xi32, #tpu.memory_space<vmem>> -> memref<1x40xi32, #tpu.memory_space<vmem>>
        %dma_wait3A_192 = tpu.memref_squeeze %dma_wait3A_191 : memref<1x40xi32, #tpu.memory_space<vmem>> -> memref<40xi32, #tpu.memory_space<vmem>>
        %dma_wait3A_193 = arith.constant 0 : i32
        %dma_wait3A_194 = arith.constant 0 : i32
        %dma_wait3A_195 = tpu.memref_slice %arg13[%dma_wait3A_193, %dma_wait3A_194] : memref<10000x128xf32, #tpu.memory_space<vmem_shared>> -> memref<10000x128xf32, #tpu.memory_space<vmem_shared>>
        tpu.wait_indirect_dma semaphore(%run_scoped3A_183 : memref<!tpu.dma_semaphore, #tpu.memory_space<semaphore_mem>>) src(%arg9 : memref<40x128xf32, #tpu.memory_space<vmem>>) dst(%dma_wait3A_195 : memref<10000x128xf32, #tpu.memory_space<vmem_shared>>)
        tpu.yield
      }) : () -> ()
      %add3A_139 = arith.constant 5 : i32
      %add3A_140 = arith.addi %add3A_132, %add3A_139 : i32
      %dma_start3A_141 = arith.constant 0 : i32
      %dma_start3A_142 = tpu.memref_slice %arg5[%add3A_140, %dma_start3A_141] : memref<250x40xi32, #tpu.memory_space<vmem>> -> memref<1x40xi32, #tpu.memory_space<vmem>>
      %dma_start3A_143 = tpu.memref_squeeze %dma_start3A_142 : memref<1x40xi32, #tpu.memory_space<vmem>> -> memref<40xi32, #tpu.memory_space<vmem>>
      %dma_start3A_144 = arith.constant 0 : i32
      %dma_start3A_145 = arith.constant 0 : i32
      %dma_start3A_146 = tpu.memref_slice %arg2[%dma_start3A_144, %dma_start3A_145] : memref<10000x128xf32, #tpu.memory_space<hbm>> -> memref<10000x128xf32, #tpu.memory_space<hbm>>
      tpu.enqueue_indirect_dma source(%dma_start3A_146 : memref<10000x128xf32, #tpu.memory_space<hbm>>) target(%arg9 : memref<40x128xf32, #tpu.memory_space<vmem>>) offsets(%dma_start3A_143 : memref<40xi32, #tpu.memory_space<vmem>>) semaphore(%arg16 : memref<!tpu.dma_semaphore, #tpu.memory_space<semaphore_mem>>)
      %mul3A_147 = arith.constant 5 : i32
      %mul3A_148 = arith.muli %mul3A_147, %scan3A_93 : i32
      %add3A_149 = arith.constant 3 : i32
      %add3A_150 = arith.addi %mul3A_148, %add3A_149 : i32
      %dma_wait3A_151 = arith.constant 0 : i32
      %dma_wait3A_152 = tpu.memref_slice %arg5[%add3A_150, %dma_wait3A_151] : memref<250x40xi32, #tpu.memory_space<vmem>> -> memref<1x40xi32, #tpu.memory_space<vmem>>
      %dma_wait3A_153 = tpu.memref_squeeze %dma_wait3A_152 : memref<1x40xi32, #tpu.memory_space<vmem>> -> memref<40xi32, #tpu.memory_space<vmem>>
      %dma_wait3A_154 = arith.constant 0 : i32
      %dma_wait3A_155 = arith.constant 0 : i32
      %dma_wait3A_156 = tpu.memref_slice %arg2[%dma_wait3A_154, %dma_wait3A_155] : memref<10000x128xf32, #tpu.memory_space<hbm>> -> memref<10000x128xf32, #tpu.memory_space<hbm>>
      tpu.wait_indirect_dma semaphore(%arg17 : memref<!tpu.dma_semaphore, #tpu.memory_space<semaphore_mem>>) src(%dma_wait3A_156 : memref<10000x128xf32, #tpu.memory_space<hbm>>) dst(%arg10 : memref<40x128xf32, #tpu.memory_space<vmem>>)
      "tpu.region"() ({
        %run_scoped3A_183 = tpu.sem_alloc : memref<!tpu.dma_semaphore, #tpu.memory_space<semaphore_mem>>
        %dma_start3A_184 = arith.constant 0 : i32
        %dma_start3A_185 = tpu.memref_slice %arg6[%add3A_150, %dma_start3A_184] : memref<250x40xi32, #tpu.memory_space<vmem>> -> memref<1x40xi32, #tpu.memory_space<vmem>>
        %dma_start3A_186 = tpu.memref_squeeze %dma_start3A_185 : memref<1x40xi32, #tpu.memory_space<vmem>> -> memref<40xi32, #tpu.memory_space<vmem>>
        %dma_start3A_187 = arith.constant 0 : i32
        %dma_start3A_188 = arith.constant 0 : i32
        %dma_start3A_189 = tpu.memref_slice %arg13[%dma_start3A_187, %dma_start3A_188] : memref<10000x128xf32, #tpu.memory_space<vmem_shared>> -> memref<10000x128xf32, #tpu.memory_space<vmem_shared>>
        tpu.enqueue_indirect_dma source(%arg10 : memref<40x128xf32, #tpu.memory_space<vmem>>) target(%dma_start3A_189 : memref<10000x128xf32, #tpu.memory_space<vmem_shared>>) offsets(%dma_start3A_186 : memref<40xi32, #tpu.memory_space<vmem>>) semaphore(%run_scoped3A_183 : memref<!tpu.dma_semaphore, #tpu.memory_space<semaphore_mem>>) {add = true}
        %dma_wait3A_190 = arith.constant 0 : i32
        %dma_wait3A_191 = tpu.memref_slice %arg6[%add3A_150, %dma_wait3A_190] : memref<250x40xi32, #tpu.memory_space<vmem>> -> memref<1x40xi32, #tpu.memory_space<vmem>>
        %dma_wait3A_192 = tpu.memref_squeeze %dma_wait3A_191 : memref<1x40xi32, #tpu.memory_space<vmem>> -> memref<40xi32, #tpu.memory_space<vmem>>
        %dma_wait3A_193 = arith.constant 0 : i32
        %dma_wait3A_194 = arith.constant 0 : i32
        %dma_wait3A_195 = tpu.memref_slice %arg13[%dma_wait3A_193, %dma_wait3A_194] : memref<10000x128xf32, #tpu.memory_space<vmem_shared>> -> memref<10000x128xf32, #tpu.memory_space<vmem_shared>>
        tpu.wait_indirect_dma semaphore(%run_scoped3A_183 : memref<!tpu.dma_semaphore, #tpu.memory_space<semaphore_mem>>) src(%arg10 : memref<40x128xf32, #tpu.memory_space<vmem>>) dst(%dma_wait3A_195 : memref<10000x128xf32, #tpu.memory_space<vmem_shared>>)
        tpu.yield
      }) : () -> ()
      %add3A_157 = arith.constant 5 : i32
      %add3A_158 = arith.addi %add3A_150, %add3A_157 : i32
      %dma_start3A_159 = arith.constant 0 : i32
      %dma_start3A_160 = tpu.memref_slice %arg5[%add3A_158, %dma_start3A_159] : memref<250x40xi32, #tpu.memory_space<vmem>> -> memref<1x40xi32, #tpu.memory_space<vmem>>
      %dma_start3A_161 = tpu.memref_squeeze %dma_start3A_160 : memref<1x40xi32, #tpu.memory_space<vmem>> -> memref<40xi32, #tpu.memory_space<vmem>>
      %dma_start3A_162 = arith.constant 0 : i32
      %dma_start3A_163 = arith.constant 0 : i32
      %dma_start3A_164 = tpu.memref_slice %arg2[%dma_start3A_162, %dma_start3A_163] : memref<10000x128xf32, #tpu.memory_space<hbm>> -> memref<10000x128xf32, #tpu.memory_space<hbm>>
      tpu.enqueue_indirect_dma source(%dma_start3A_164 : memref<10000x128xf32, #tpu.memory_space<hbm>>) target(%arg10 : memref<40x128xf32, #tpu.memory_space<vmem>>) offsets(%dma_start3A_161 : memref<40xi32, #tpu.memory_space<vmem>>) semaphore(%arg17 : memref<!tpu.dma_semaphore, #tpu.memory_space<semaphore_mem>>)
      %mul3A_165 = arith.constant 5 : i32
      %mul3A_166 = arith.muli %mul3A_165, %scan3A_93 : i32
      %add3A_167 = arith.constant 4 : i32
      %add3A_168 = arith.addi %mul3A_166, %add3A_167 : i32
      %dma_wait3A_169 = arith.constant 0 : i32
      %dma_wait3A_170 = tpu.memref_slice %arg5[%add3A_168, %dma_wait3A_169] : memref<250x40xi32, #tpu.memory_space<vmem>> -> memref<1x40xi32, #tpu.memory_space<vmem>>
      %dma_wait3A_171 = tpu.memref_squeeze %dma_wait3A_170 : memref<1x40xi32, #tpu.memory_space<vmem>> -> memref<40xi32, #tpu.memory_space<vmem>>
      %dma_wait3A_172 = arith.constant 0 : i32
      %dma_wait3A_173 = arith.constant 0 : i32
      %dma_wait3A_174 = tpu.memref_slice %arg2[%dma_wait3A_172, %dma_wait3A_173] : memref<10000x128xf32, #tpu.memory_space<hbm>> -> memref<10000x128xf32, #tpu.memory_space<hbm>>
      tpu.wait_indirect_dma semaphore(%arg18 : memref<!tpu.dma_semaphore, #tpu.memory_space<semaphore_mem>>) src(%dma_wait3A_174 : memref<10000x128xf32, #tpu.memory_space<hbm>>) dst(%arg11 : memref<40x128xf32, #tpu.memory_space<vmem>>)
      "tpu.region"() ({
        %run_scoped3A_183 = tpu.sem_alloc : memref<!tpu.dma_semaphore, #tpu.memory_space<semaphore_mem>>
        %dma_start3A_184 = arith.constant 0 : i32
        %dma_start3A_185 = tpu.memref_slice %arg6[%add3A_168, %dma_start3A_184] : memref<250x40xi32, #tpu.memory_space<vmem>> -> memref<1x40xi32, #tpu.memory_space<vmem>>
        %dma_start3A_186 = tpu.memref_squeeze %dma_start3A_185 : memref<1x40xi32, #tpu.memory_space<vmem>> -> memref<40xi32, #tpu.memory_space<vmem>>
        %dma_start3A_187 = arith.constant 0 : i32
        %dma_start3A_188 = arith.constant 0 : i32
        %dma_start3A_189 = tpu.memref_slice %arg13[%dma_start3A_187, %dma_start3A_188] : memref<10000x128xf32, #tpu.memory_space<vmem_shared>> -> memref<10000x128xf32, #tpu.memory_space<vmem_shared>>
        tpu.enqueue_indirect_dma source(%arg11 : memref<40x128xf32, #tpu.memory_space<vmem>>) target(%dma_start3A_189 : memref<10000x128xf32, #tpu.memory_space<vmem_shared>>) offsets(%dma_start3A_186 : memref<40xi32, #tpu.memory_space<vmem>>) semaphore(%run_scoped3A_183 : memref<!tpu.dma_semaphore, #tpu.memory_space<semaphore_mem>>) {add = true}
        %dma_wait3A_190 = arith.constant 0 : i32
        %dma_wait3A_191 = tpu.memref_slice %arg6[%add3A_168, %dma_wait3A_190] : memref<250x40xi32, #tpu.memory_space<vmem>> -> memref<1x40xi32, #tpu.memory_space<vmem>>
        %dma_wait3A_192 = tpu.memref_squeeze %dma_wait3A_191 : memref<1x40xi32, #tpu.memory_space<vmem>> -> memref<40xi32, #tpu.memory_space<vmem>>
        %dma_wait3A_193 = arith.constant 0 : i32
        %dma_wait3A_194 = arith.constant 0 : i32
        %dma_wait3A_195 = tpu.memref_slice %arg13[%dma_wait3A_193, %dma_wait3A_194] : memref<10000x128xf32, #tpu.memory_space<vmem_shared>> -> memref<10000x128xf32, #tpu.memory_space<vmem_shared>>
        tpu.wait_indirect_dma semaphore(%run_scoped3A_183 : memref<!tpu.dma_semaphore, #tpu.memory_space<semaphore_mem>>) src(%arg11 : memref<40x128xf32, #tpu.memory_space<vmem>>) dst(%dma_wait3A_195 : memref<10000x128xf32, #tpu.memory_space<vmem_shared>>)
        tpu.yield
      }) : () -> ()
      %add3A_175 = arith.constant 5 : i32
      %add3A_176 = arith.addi %add3A_168, %add3A_175 : i32
      %dma_start3A_177 = arith.constant 0 : i32
      %dma_start3A_178 = tpu.memref_slice %arg5[%add3A_176, %dma_start3A_177] : memref<250x40xi32, #tpu.memory_space<vmem>> -> memref<1x40xi32, #tpu.memory_space<vmem>>
      %dma_start3A_179 = tpu.memref_squeeze %dma_start3A_178 : memref<1x40xi32, #tpu.memory_space<vmem>> -> memref<40xi32, #tpu.memory_space<vmem>>
      %dma_start3A_180 = arith.constant 0 : i32
      %dma_start3A_181 = arith.constant 0 : i32
      %dma_start3A_182 = tpu.memref_slice %arg2[%dma_start3A_180, %dma_start3A_181] : memref<10000x128xf32, #tpu.memory_space<hbm>> -> memref<10000x128xf32, #tpu.memory_space<hbm>>
      tpu.enqueue_indirect_dma source(%dma_start3A_182 : memref<10000x128xf32, #tpu.memory_space<hbm>>) target(%arg11 : memref<40x128xf32, #tpu.memory_space<vmem>>) offsets(%dma_start3A_179 : memref<40xi32, #tpu.memory_space<vmem>>) semaphore(%arg18 : memref<!tpu.dma_semaphore, #tpu.memory_space<semaphore_mem>>)
    }
    %scan3A_49 = arith.constant 49 : i32
    %dma_wait3A = arith.constant 245 : i32
    %dma_wait3A_50 = arith.constant 0 : i32
    %dma_wait3A_51 = tpu.memref_slice %arg5[%dma_wait3A, %dma_wait3A_50] : memref<250x40xi32, #tpu.memory_space<vmem>> -> memref<1x40xi32, #tpu.memory_space<vmem>>
    %dma_wait3A_52 = tpu.memref_squeeze %dma_wait3A_51 : memref<1x40xi32, #tpu.memory_space<vmem>> -> memref<40xi32, #tpu.memory_space<vmem>>
    %dma_wait3A_53 = arith.constant 0 : i32
    %dma_wait3A_54 = arith.constant 0 : i32
    %dma_wait3A_55 = tpu.memref_slice %arg2[%dma_wait3A_53, %dma_wait3A_54] : memref<10000x128xf32, #tpu.memory_space<hbm>> -> memref<10000x128xf32, #tpu.memory_space<hbm>>
    tpu.wait_indirect_dma semaphore(%arg14 : memref<!tpu.dma_semaphore, #tpu.memory_space<semaphore_mem>>) src(%dma_wait3A_55 : memref<10000x128xf32, #tpu.memory_space<hbm>>) dst(%arg7 : memref<40x128xf32, #tpu.memory_space<vmem>>)
    %run_scoped3A_56 = arith.constant 245 : i32
    "tpu.region"() ({
      %run_scoped3A_93 = tpu.sem_alloc : memref<!tpu.dma_semaphore, #tpu.memory_space<semaphore_mem>>
      %dma_start3A_94 = arith.constant 0 : i32
      %dma_start3A_95 = tpu.memref_slice %arg6[%run_scoped3A_56, %dma_start3A_94] : memref<250x40xi32, #tpu.memory_space<vmem>> -> memref<1x40xi32, #tpu.memory_space<vmem>>
      %dma_start3A_96 = tpu.memref_squeeze %dma_start3A_95 : memref<1x40xi32, #tpu.memory_space<vmem>> -> memref<40xi32, #tpu.memory_space<vmem>>
      %dma_start3A_97 = arith.constant 0 : i32
      %dma_start3A_98 = arith.constant 0 : i32
      %dma_start3A_99 = tpu.memref_slice %arg13[%dma_start3A_97, %dma_start3A_98] : memref<10000x128xf32, #tpu.memory_space<vmem_shared>> -> memref<10000x128xf32, #tpu.memory_space<vmem_shared>>
      tpu.enqueue_indirect_dma source(%arg7 : memref<40x128xf32, #tpu.memory_space<vmem>>) target(%dma_start3A_99 : memref<10000x128xf32, #tpu.memory_space<vmem_shared>>) offsets(%dma_start3A_96 : memref<40xi32, #tpu.memory_space<vmem>>) semaphore(%run_scoped3A_93 : memref<!tpu.dma_semaphore, #tpu.memory_space<semaphore_mem>>) {add = true}
      %dma_wait3A_100 = arith.constant 0 : i32
      %dma_wait3A_101 = tpu.memref_slice %arg6[%run_scoped3A_56, %dma_wait3A_100] : memref<250x40xi32, #tpu.memory_space<vmem>> -> memref<1x40xi32, #tpu.memory_space<vmem>>
      %dma_wait3A_102 = tpu.memref_squeeze %dma_wait3A_101 : memref<1x40xi32, #tpu.memory_space<vmem>> -> memref<40xi32, #tpu.memory_space<vmem>>
      %dma_wait3A_103 = arith.constant 0 : i32
      %dma_wait3A_104 = arith.constant 0 : i32
      %dma_wait3A_105 = tpu.memref_slice %arg13[%dma_wait3A_103, %dma_wait3A_104] : memref<10000x128xf32, #tpu.memory_space<vmem_shared>> -> memref<10000x128xf32, #tpu.memory_space<vmem_shared>>
      tpu.wait_indirect_dma semaphore(%run_scoped3A_93 : memref<!tpu.dma_semaphore, #tpu.memory_space<semaphore_mem>>) src(%arg7 : memref<40x128xf32, #tpu.memory_space<vmem>>) dst(%dma_wait3A_105 : memref<10000x128xf32, #tpu.memory_space<vmem_shared>>)
      tpu.yield
    }) : () -> ()
    %dma_wait3A_57 = arith.constant 246 : i32
    %dma_wait3A_58 = arith.constant 0 : i32
    %dma_wait3A_59 = tpu.memref_slice %arg5[%dma_wait3A_57, %dma_wait3A_58] : memref<250x40xi32, #tpu.memory_space<vmem>> -> memref<1x40xi32, #tpu.memory_space<vmem>>
    %dma_wait3A_60 = tpu.memref_squeeze %dma_wait3A_59 : memref<1x40xi32, #tpu.memory_space<vmem>> -> memref<40xi32, #tpu.memory_space<vmem>>
    %dma_wait3A_61 = arith.constant 0 : i32
    %dma_wait3A_62 = arith.constant 0 : i32
    %dma_wait3A_63 = tpu.memref_slice %arg2[%dma_wait3A_61, %dma_wait3A_62] : memref<10000x128xf32, #tpu.memory_space<hbm>> -> memref<10000x128xf32, #tpu.memory_space<hbm>>
    tpu.wait_indirect_dma semaphore(%arg15 : memref<!tpu.dma_semaphore, #tpu.memory_space<semaphore_mem>>) src(%dma_wait3A_63 : memref<10000x128xf32, #tpu.memory_space<hbm>>) dst(%arg8 : memref<40x128xf32, #tpu.memory_space<vmem>>)
    %run_scoped3A_64 = arith.constant 246 : i32
    "tpu.region"() ({
      %run_scoped3A_93 = tpu.sem_alloc : memref<!tpu.dma_semaphore, #tpu.memory_space<semaphore_mem>>
      %dma_start3A_94 = arith.constant 0 : i32
      %dma_start3A_95 = tpu.memref_slice %arg6[%run_scoped3A_64, %dma_start3A_94] : memref<250x40xi32, #tpu.memory_space<vmem>> -> memref<1x40xi32, #tpu.memory_space<vmem>>
      %dma_start3A_96 = tpu.memref_squeeze %dma_start3A_95 : memref<1x40xi32, #tpu.memory_space<vmem>> -> memref<40xi32, #tpu.memory_space<vmem>>
      %dma_start3A_97 = arith.constant 0 : i32
      %dma_start3A_98 = arith.constant 0 : i32
      %dma_start3A_99 = tpu.memref_slice %arg13[%dma_start3A_97, %dma_start3A_98] : memref<10000x128xf32, #tpu.memory_space<vmem_shared>> -> memref<10000x128xf32, #tpu.memory_space<vmem_shared>>
      tpu.enqueue_indirect_dma source(%arg8 : memref<40x128xf32, #tpu.memory_space<vmem>>) target(%dma_start3A_99 : memref<10000x128xf32, #tpu.memory_space<vmem_shared>>) offsets(%dma_start3A_96 : memref<40xi32, #tpu.memory_space<vmem>>) semaphore(%run_scoped3A_93 : memref<!tpu.dma_semaphore, #tpu.memory_space<semaphore_mem>>) {add = true}
      %dma_wait3A_100 = arith.constant 0 : i32
      %dma_wait3A_101 = tpu.memref_slice %arg6[%run_scoped3A_64, %dma_wait3A_100] : memref<250x40xi32, #tpu.memory_space<vmem>> -> memref<1x40xi32, #tpu.memory_space<vmem>>
      %dma_wait3A_102 = tpu.memref_squeeze %dma_wait3A_101 : memref<1x40xi32, #tpu.memory_space<vmem>> -> memref<40xi32, #tpu.memory_space<vmem>>
      %dma_wait3A_103 = arith.constant 0 : i32
      %dma_wait3A_104 = arith.constant 0 : i32
      %dma_wait3A_105 = tpu.memref_slice %arg13[%dma_wait3A_103, %dma_wait3A_104] : memref<10000x128xf32, #tpu.memory_space<vmem_shared>> -> memref<10000x128xf32, #tpu.memory_space<vmem_shared>>
      tpu.wait_indirect_dma semaphore(%run_scoped3A_93 : memref<!tpu.dma_semaphore, #tpu.memory_space<semaphore_mem>>) src(%arg8 : memref<40x128xf32, #tpu.memory_space<vmem>>) dst(%dma_wait3A_105 : memref<10000x128xf32, #tpu.memory_space<vmem_shared>>)
      tpu.yield
    }) : () -> ()
    %dma_wait3A_65 = arith.constant 247 : i32
    %dma_wait3A_66 = arith.constant 0 : i32
    %dma_wait3A_67 = tpu.memref_slice %arg5[%dma_wait3A_65, %dma_wait3A_66] : memref<250x40xi32, #tpu.memory_space<vmem>> -> memref<1x40xi32, #tpu.memory_space<vmem>>
    %dma_wait3A_68 = tpu.memref_squeeze %dma_wait3A_67 : memref<1x40xi32, #tpu.memory_space<vmem>> -> memref<40xi32, #tpu.memory_space<vmem>>
    %dma_wait3A_69 = arith.constant 0 : i32
    %dma_wait3A_70 = arith.constant 0 : i32
    %dma_wait3A_71 = tpu.memref_slice %arg2[%dma_wait3A_69, %dma_wait3A_70] : memref<10000x128xf32, #tpu.memory_space<hbm>> -> memref<10000x128xf32, #tpu.memory_space<hbm>>
    tpu.wait_indirect_dma semaphore(%arg16 : memref<!tpu.dma_semaphore, #tpu.memory_space<semaphore_mem>>) src(%dma_wait3A_71 : memref<10000x128xf32, #tpu.memory_space<hbm>>) dst(%arg9 : memref<40x128xf32, #tpu.memory_space<vmem>>)
    %run_scoped3A_72 = arith.constant 247 : i32
    "tpu.region"() ({
      %run_scoped3A_93 = tpu.sem_alloc : memref<!tpu.dma_semaphore, #tpu.memory_space<semaphore_mem>>
      %dma_start3A_94 = arith.constant 0 : i32
      %dma_start3A_95 = tpu.memref_slice %arg6[%run_scoped3A_72, %dma_start3A_94] : memref<250x40xi32, #tpu.memory_space<vmem>> -> memref<1x40xi32, #tpu.memory_space<vmem>>
      %dma_start3A_96 = tpu.memref_squeeze %dma_start3A_95 : memref<1x40xi32, #tpu.memory_space<vmem>> -> memref<40xi32, #tpu.memory_space<vmem>>
      %dma_start3A_97 = arith.constant 0 : i32
      %dma_start3A_98 = arith.constant 0 : i32
      %dma_start3A_99 = tpu.memref_slice %arg13[%dma_start3A_97, %dma_start3A_98] : memref<10000x128xf32, #tpu.memory_space<vmem_shared>> -> memref<10000x128xf32, #tpu.memory_space<vmem_shared>>
      tpu.enqueue_indirect_dma source(%arg9 : memref<40x128xf32, #tpu.memory_space<vmem>>) target(%dma_start3A_99 : memref<10000x128xf32, #tpu.memory_space<vmem_shared>>) offsets(%dma_start3A_96 : memref<40xi32, #tpu.memory_space<vmem>>) semaphore(%run_scoped3A_93 : memref<!tpu.dma_semaphore, #tpu.memory_space<semaphore_mem>>) {add = true}
      %dma_wait3A_100 = arith.constant 0 : i32
      %dma_wait3A_101 = tpu.memref_slice %arg6[%run_scoped3A_72, %dma_wait3A_100] : memref<250x40xi32, #tpu.memory_space<vmem>> -> memref<1x40xi32, #tpu.memory_space<vmem>>
      %dma_wait3A_102 = tpu.memref_squeeze %dma_wait3A_101 : memref<1x40xi32, #tpu.memory_space<vmem>> -> memref<40xi32, #tpu.memory_space<vmem>>
      %dma_wait3A_103 = arith.constant 0 : i32
      %dma_wait3A_104 = arith.constant 0 : i32
      %dma_wait3A_105 = tpu.memref_slice %arg13[%dma_wait3A_103, %dma_wait3A_104] : memref<10000x128xf32, #tpu.memory_space<vmem_shared>> -> memref<10000x128xf32, #tpu.memory_space<vmem_shared>>
      tpu.wait_indirect_dma semaphore(%run_scoped3A_93 : memref<!tpu.dma_semaphore, #tpu.memory_space<semaphore_mem>>) src(%arg9 : memref<40x128xf32, #tpu.memory_space<vmem>>) dst(%dma_wait3A_105 : memref<10000x128xf32, #tpu.memory_space<vmem_shared>>)
      tpu.yield
    }) : () -> ()
    %dma_wait3A_73 = arith.constant 248 : i32
    %dma_wait3A_74 = arith.constant 0 : i32
    %dma_wait3A_75 = tpu.memref_slice %arg5[%dma_wait3A_73, %dma_wait3A_74] : memref<250x40xi32, #tpu.memory_space<vmem>> -> memref<1x40xi32, #tpu.memory_space<vmem>>
    %dma_wait3A_76 = tpu.memref_squeeze %dma_wait3A_75 : memref<1x40xi32, #tpu.memory_space<vmem>> -> memref<40xi32, #tpu.memory_space<vmem>>
    %dma_wait3A_77 = arith.constant 0 : i32
    %dma_wait3A_78 = arith.constant 0 : i32
    %dma_wait3A_79 = tpu.memref_slice %arg2[%dma_wait3A_77, %dma_wait3A_78] : memref<10000x128xf32, #tpu.memory_space<hbm>> -> memref<10000x128xf32, #tpu.memory_space<hbm>>
    tpu.wait_indirect_dma semaphore(%arg17 : memref<!tpu.dma_semaphore, #tpu.memory_space<semaphore_mem>>) src(%dma_wait3A_79 : memref<10000x128xf32, #tpu.memory_space<hbm>>) dst(%arg10 : memref<40x128xf32, #tpu.memory_space<vmem>>)
    %run_scoped3A_80 = arith.constant 248 : i32
    "tpu.region"() ({
      %run_scoped3A_93 = tpu.sem_alloc : memref<!tpu.dma_semaphore, #tpu.memory_space<semaphore_mem>>
      %dma_start3A_94 = arith.constant 0 : i32
      %dma_start3A_95 = tpu.memref_slice %arg6[%run_scoped3A_80, %dma_start3A_94] : memref<250x40xi32, #tpu.memory_space<vmem>> -> memref<1x40xi32, #tpu.memory_space<vmem>>
      %dma_start3A_96 = tpu.memref_squeeze %dma_start3A_95 : memref<1x40xi32, #tpu.memory_space<vmem>> -> memref<40xi32, #tpu.memory_space<vmem>>
      %dma_start3A_97 = arith.constant 0 : i32
      %dma_start3A_98 = arith.constant 0 : i32
      %dma_start3A_99 = tpu.memref_slice %arg13[%dma_start3A_97, %dma_start3A_98] : memref<10000x128xf32, #tpu.memory_space<vmem_shared>> -> memref<10000x128xf32, #tpu.memory_space<vmem_shared>>
      tpu.enqueue_indirect_dma source(%arg10 : memref<40x128xf32, #tpu.memory_space<vmem>>) target(%dma_start3A_99 : memref<10000x128xf32, #tpu.memory_space<vmem_shared>>) offsets(%dma_start3A_96 : memref<40xi32, #tpu.memory_space<vmem>>) semaphore(%run_scoped3A_93 : memref<!tpu.dma_semaphore, #tpu.memory_space<semaphore_mem>>) {add = true}
      %dma_wait3A_100 = arith.constant 0 : i32
      %dma_wait3A_101 = tpu.memref_slice %arg6[%run_scoped3A_80, %dma_wait3A_100] : memref<250x40xi32, #tpu.memory_space<vmem>> -> memref<1x40xi32, #tpu.memory_space<vmem>>
      %dma_wait3A_102 = tpu.memref_squeeze %dma_wait3A_101 : memref<1x40xi32, #tpu.memory_space<vmem>> -> memref<40xi32, #tpu.memory_space<vmem>>
      %dma_wait3A_103 = arith.constant 0 : i32
      %dma_wait3A_104 = arith.constant 0 : i32
      %dma_wait3A_105 = tpu.memref_slice %arg13[%dma_wait3A_103, %dma_wait3A_104] : memref<10000x128xf32, #tpu.memory_space<vmem_shared>> -> memref<10000x128xf32, #tpu.memory_space<vmem_shared>>
      tpu.wait_indirect_dma semaphore(%run_scoped3A_93 : memref<!tpu.dma_semaphore, #tpu.memory_space<semaphore_mem>>) src(%arg10 : memref<40x128xf32, #tpu.memory_space<vmem>>) dst(%dma_wait3A_105 : memref<10000x128xf32, #tpu.memory_space<vmem_shared>>)
      tpu.yield
    }) : () -> ()
    %dma_wait3A_81 = arith.constant 249 : i32
    %dma_wait3A_82 = arith.constant 0 : i32
    %dma_wait3A_83 = tpu.memref_slice %arg5[%dma_wait3A_81, %dma_wait3A_82] : memref<250x40xi32, #tpu.memory_space<vmem>> -> memref<1x40xi32, #tpu.memory_space<vmem>>
    %dma_wait3A_84 = tpu.memref_squeeze %dma_wait3A_83 : memref<1x40xi32, #tpu.memory_space<vmem>> -> memref<40xi32, #tpu.memory_space<vmem>>
    %dma_wait3A_85 = arith.constant 0 : i32
    %dma_wait3A_86 = arith.constant 0 : i32
    %dma_wait3A_87 = tpu.memref_slice %arg2[%dma_wait3A_85, %dma_wait3A_86] : memref<10000x128xf32, #tpu.memory_space<hbm>> -> memref<10000x128xf32, #tpu.memory_space<hbm>>
    tpu.wait_indirect_dma semaphore(%arg18 : memref<!tpu.dma_semaphore, #tpu.memory_space<semaphore_mem>>) src(%dma_wait3A_87 : memref<10000x128xf32, #tpu.memory_space<hbm>>) dst(%arg11 : memref<40x128xf32, #tpu.memory_space<vmem>>)
    %run_scoped3A_88 = arith.constant 249 : i32
    "tpu.region"() ({
      %run_scoped3A_93 = tpu.sem_alloc : memref<!tpu.dma_semaphore, #tpu.memory_space<semaphore_mem>>
      %dma_start3A_94 = arith.constant 0 : i32
      %dma_start3A_95 = tpu.memref_slice %arg6[%run_scoped3A_88, %dma_start3A_94] : memref<250x40xi32, #tpu.memory_space<vmem>> -> memref<1x40xi32, #tpu.memory_space<vmem>>
      %dma_start3A_96 = tpu.memref_squeeze %dma_start3A_95 : memref<1x40xi32, #tpu.memory_space<vmem>> -> memref<40xi32, #tpu.memory_space<vmem>>
      %dma_start3A_97 = arith.constant 0 : i32
      %dma_start3A_98 = arith.constant 0 : i32
      %dma_start3A_99 = tpu.memref_slice %arg13[%dma_start3A_97, %dma_start3A_98] : memref<10000x128xf32, #tpu.memory_space<vmem_shared>> -> memref<10000x128xf32, #tpu.memory_space<vmem_shared>>
      tpu.enqueue_indirect_dma source(%arg11 : memref<40x128xf32, #tpu.memory_space<vmem>>) target(%dma_start3A_99 : memref<10000x128xf32, #tpu.memory_space<vmem_shared>>) offsets(%dma_start3A_96 : memref<40xi32, #tpu.memory_space<vmem>>) semaphore(%run_scoped3A_93 : memref<!tpu.dma_semaphore, #tpu.memory_space<semaphore_mem>>) {add = true}
      %dma_wait3A_100 = arith.constant 0 : i32
      %dma_wait3A_101 = tpu.memref_slice %arg6[%run_scoped3A_88, %dma_wait3A_100] : memref<250x40xi32, #tpu.memory_space<vmem>> -> memref<1x40xi32, #tpu.memory_space<vmem>>
      %dma_wait3A_102 = tpu.memref_squeeze %dma_wait3A_101 : memref<1x40xi32, #tpu.memory_space<vmem>> -> memref<40xi32, #tpu.memory_space<vmem>>
      %dma_wait3A_103 = arith.constant 0 : i32
      %dma_wait3A_104 = arith.constant 0 : i32
      %dma_wait3A_105 = tpu.memref_slice %arg13[%dma_wait3A_103, %dma_wait3A_104] : memref<10000x128xf32, #tpu.memory_space<vmem_shared>> -> memref<10000x128xf32, #tpu.memory_space<vmem_shared>>
      tpu.wait_indirect_dma semaphore(%run_scoped3A_93 : memref<!tpu.dma_semaphore, #tpu.memory_space<semaphore_mem>>) src(%arg11 : memref<40x128xf32, #tpu.memory_space<vmem>>) dst(%dma_wait3A_105 : memref<10000x128xf32, #tpu.memory_space<vmem_shared>>)
      tpu.yield
    }) : () -> ()
    %barrier3A_89 = arith.constant 0 : index
    tpu.barrier barrier_id(%barrier3A_89)
    %mul3A = arith.constant 625 : i32
    %mul3A_90 = arith.muli %arg1, %mul3A : i32
    %mul3A_91 = arith.constant 625 : i32
    %mul3A_92 = arith.muli %arg1, %mul3A_91 : i32
    "tpu.region"() ({
      %run_scoped3A_93 = tpu.sem_alloc : memref<!tpu.dma_semaphore, #tpu.memory_space<semaphore_mem>>
      %dma_start3A_94 = arith.constant 0 : i32
      %dma_start3A_95 = tpu.memref_slice %arg4[%arg0, %mul3A_92, %dma_start3A_94] : memref<2x10000x128xf32, #tpu.memory_space<hbm>> -> memref<1x625x128xf32, #tpu.memory_space<hbm>>
      %dma_start3A_96 = tpu.memref_squeeze %dma_start3A_95 : memref<1x625x128xf32, #tpu.memory_space<hbm>> -> memref<625x128xf32, #tpu.memory_space<hbm>>
      %dma_start3A_97 = arith.constant 0 : i32
      %dma_start3A_98 = tpu.memref_slice %arg13[%mul3A_90, %dma_start3A_97] : memref<10000x128xf32, #tpu.memory_space<vmem_shared>> -> memref<625x128xf32, #tpu.memory_space<vmem_shared>>
      tpu.enqueue_dma source(%dma_start3A_98 : memref<625x128xf32, #tpu.memory_space<vmem_shared>>) target(%dma_start3A_96 : memref<625x128xf32, #tpu.memory_space<hbm>>) target_semaphore(%run_scoped3A_93 : memref<!tpu.dma_semaphore, #tpu.memory_space<semaphore_mem>>)
      %dma_wait3A_99 = arith.constant 0 : i32
      %dma_wait3A_100 = tpu.memref_slice %arg4[%arg0, %mul3A_92, %dma_wait3A_99] : memref<2x10000x128xf32, #tpu.memory_space<hbm>> -> memref<1x625x128xf32, #tpu.memory_space<hbm>>
      %dma_wait3A_101 = tpu.memref_squeeze %dma_wait3A_100 : memref<1x625x128xf32, #tpu.memory_space<hbm>> -> memref<625x128xf32, #tpu.memory_space<hbm>>
      %dma_wait3A_102 = arith.constant 0 : i32
      %dma_wait3A_103 = tpu.memref_slice %arg13[%mul3A_90, %dma_wait3A_102] : memref<10000x128xf32, #tpu.memory_space<vmem_shared>> -> memref<625x128xf32, #tpu.memory_space<vmem_shared>>
      tpu.wait_dma2 semaphore(%run_scoped3A_93 : memref<!tpu.dma_semaphore, #tpu.memory_space<semaphore_mem>>) src(%dma_wait3A_103 : memref<625x128xf32, #tpu.memory_space<vmem_shared>>) dst(%dma_wait3A_101 : memref<625x128xf32, #tpu.memory_space<hbm>>)
      tpu.yield
    }) : () -> ()
    return
  }
}

module attributes {stable_mosaic.version = 14 : i64} {
  func.func @_tc_lin1_body(%arg0: i32, %arg1: memref<1000x128xf32, #tpu.memory_space<vmem>>, %arg2: memref<128x128xf32, #tpu.memory_space<vmem>>, %arg3: memref<1x32x1000xf32, #tpu.memory_space<vmem>>, %arg4: memref<1000x128xf32, #tpu.memory_space<vmem>>) attributes {dimension_semantics = [#tpu.dimension_semantics<arbitrary>], iteration_bounds = array<i64: 10>, scalar_prefetch = 0 : i64, scratch_operands = 0 : i64, tpu.core_type = #tpu.core_type<tc>, window_params = [{transform_indices = @transform_0, window_bounds = array<i64: 1000, 128>}, {pipeline_mode = #tpu.pipeline_mode<synchronous>, transform_indices = @transform_1, window_bounds = array<i64: 128, 128>}, {transform_indices = @transform_2, window_bounds = array<i64: 1, 32, 1000>}, {transform_indices = @transform_3, window_bounds = array<i64: 1000, 128>}]} {
    %get3A = arith.constant 0 : index
    %get3A_0 = arith.constant 0 : index
    %get3A_1 = vector.load %arg1[%get3A, %get3A_0] : memref<1000x128xf32, #tpu.memory_space<vmem>>, vector<1000x128xf32>
    %get3A_2 = arith.constant 0 : index
    %get3A_3 = arith.constant 0 : index
    %get3A_4 = vector.load %arg2[%get3A_2, %get3A_3] : memref<128x128xf32, #tpu.memory_space<vmem>>, vector<128x128xf32>
    %dot_general3A = arith.constant dense<0.000000e+00> : vector<1000x128xf32>
    %dot_general3A_5 = tpu.matmul %get3A_1, %get3A_4, %dot_general3A {dimension_numbers = #tpu.dot_dimension_numbers<[1], [1], [0], [0], [0, 0, 1, 0], [], []>, transpose_lhs_hint = false} : vector<1000x128xf32>, vector<128x128xf32>, vector<1000x128xf32> -> vector<1000x128xf32>
    %get3A_6 = arith.constant 0 : index
    %get3A_7 = arith.constant 0 : index
    %get3A_8 = arith.constant 0 : index
    %get3A_9 = vector.load %arg3[%get3A_6, %get3A_7, %get3A_8] : memref<1x32x1000xf32, #tpu.memory_space<vmem>>, vector<1x32x1000xf32>
    %get3A_10 = vector.shape_cast %get3A_9 : vector<1x32x1000xf32> to vector<32x1000xf32>
    %reduce_sum3A = arith.constant dense<0.000000e+00> : vector<1000xf32>
    %reduce_sum3A_11 = vector.multi_reduction <add>, %get3A_10, %reduce_sum3A [0] : vector<32x1000xf32> to vector<1000xf32>
    %gt3A = arith.constant 0.000000e+00 : f32
    %gt3A_12 = vector.broadcast %gt3A : f32 to vector<1000xf32>
    %gt3A_13 = arith.cmpf ogt, %reduce_sum3A_11, %gt3A_12 : vector<1000xf32>
    %gt3A_14 = arith.constant 0.000000e+00 : f32
    %gt3A_15 = vector.broadcast %gt3A_14 : f32 to vector<1000xf32>
    %gt3A_16 = arith.cmpf ogt, %reduce_sum3A_11, %gt3A_15 : vector<1000xf32>
    %jit3A = arith.constant 1.000000e+00 : f32
    %broadcast_in_dim3A = vector.broadcast %jit3A : f32 to vector<1000xf32>
    %select_n3A = arith.select %gt3A_16, %reduce_sum3A_11, %broadcast_in_dim3A : vector<1000xi1>, vector<1000xf32>
    %rsqrt3A = math.rsqrt %select_n3A : vector<1000xf32>
    %jit3A_17 = arith.constant 0.000000e+00 : f32
    %broadcast_in_dim3A_18 = vector.broadcast %jit3A_17 : f32 to vector<1000xf32>
    %select_n3A_19 = arith.select %gt3A_13, %rsqrt3A, %broadcast_in_dim3A_18 : vector<1000xi1>, vector<1000xf32>
    %broadcast_in_dim3A_20 = vector.shape_cast %select_n3A_19 : vector<1000xf32> to vector<1000x1xf32>
    %mul3A = vector.broadcast %broadcast_in_dim3A_20 : vector<1000x1xf32> to vector<1000x128xf32>
    %mul3A_21 = arith.mulf %dot_general3A_5, %mul3A : vector<1000x128xf32>
    %swap3A = arith.constant 0 : index
    %swap3A_22 = arith.constant 0 : index
    %swap3A_23 = vector.load %arg4[%swap3A, %swap3A_22] : memref<1000x128xf32, #tpu.memory_space<vmem>>, vector<1000x128xf32>
    tpu.vector_store %arg4[%swap3A, %swap3A_22], %mul3A_21 {strides = array<i32>} : memref<1000x128xf32, #tpu.memory_space<vmem>>, vector<1000x128xf32>,
    return
  }
  func.func @transform_0(%arg0: i32) -> (i32, i32) {
    %c0_i32 = arith.constant 0 : i32
    %c0_i32_0 = arith.constant 0 : i32
    return %arg0, %c0_i32 : i32, i32
  }
  func.func @transform_1(%arg0: i32) -> (i32, i32) {
    %c0_i32 = arith.constant 0 : i32
    %c0_i32_0 = arith.constant 0 : i32
    %c0_i32_1 = arith.constant 0 : i32
    return %c0_i32, %c0_i32_0 : i32, i32
  }
  func.func @transform_2(%arg0: i32) -> (i32, i32, i32) {
    %c0_i32 = arith.constant 0 : i32
    %c0_i32_0 = arith.constant 0 : i32
    %c0_i32_1 = arith.constant 0 : i32
    return %arg0, %c0_i32, %c0_i32_0 : i32, i32, i32
  }
  func.func @transform_3(%arg0: i32) -> (i32, i32) {
    %c0_i32 = arith.constant 0 : i32
    %c0_i32_0 = arith.constant 0 : i32
    return %arg0, %c0_i32 : i32, i32
  }
}

module attributes {stable_mosaic.version = 14 : i64} {
  func.func @_tc_mid_body(%arg0: i32, %arg1: memref<2x1000x128xf32, #tpu.memory_space<vmem>>, %arg2: memref<1x32x1000xf32, #tpu.memory_space<vmem>>, %arg3: memref<1x128xf32, #tpu.memory_space<vmem>>, %arg4: memref<128x128xf32, #tpu.memory_space<vmem>>, %arg5: memref<1000x128xf32, #tpu.memory_space<vmem>>) attributes {dimension_semantics = [#tpu.dimension_semantics<arbitrary>], iteration_bounds = array<i64: 10>, scalar_prefetch = 0 : i64, scratch_operands = 0 : i64, tpu.core_type = #tpu.core_type<tc>, window_params = [{transform_indices = @transform_0, window_bounds = array<i64: 2, 1000, 128>}, {transform_indices = @transform_1, window_bounds = array<i64: 1, 32, 1000>}, {pipeline_mode = #tpu.pipeline_mode<synchronous>, transform_indices = @transform_2, window_bounds = array<i64: 1, 128>}, {pipeline_mode = #tpu.pipeline_mode<synchronous>, transform_indices = @transform_3, window_bounds = array<i64: 128, 128>}, {transform_indices = @transform_4, window_bounds = array<i64: 1000, 128>}]} {
    %get3A = arith.constant 0 : index
    %get3A_0 = arith.constant 0 : index
    %get3A_1 = arith.constant 0 : index
    %get3A_2 = vector.load %arg2[%get3A, %get3A_0, %get3A_1] : memref<1x32x1000xf32, #tpu.memory_space<vmem>>, vector<1x32x1000xf32>
    %get3A_3 = vector.shape_cast %get3A_2 : vector<1x32x1000xf32> to vector<32x1000xf32>
    %reduce_sum3A = arith.constant dense<0.000000e+00> : vector<1000xf32>
    %reduce_sum3A_4 = vector.multi_reduction <add>, %get3A_3, %reduce_sum3A [0] : vector<32x1000xf32> to vector<1000xf32>
    %gt3A = arith.constant 0.000000e+00 : f32
    %gt3A_5 = vector.broadcast %gt3A : f32 to vector<1000xf32>
    %gt3A_6 = arith.cmpf ogt, %reduce_sum3A_4, %gt3A_5 : vector<1000xf32>
    %gt3A_7 = arith.constant 0.000000e+00 : f32
    %gt3A_8 = vector.broadcast %gt3A_7 : f32 to vector<1000xf32>
    %gt3A_9 = arith.cmpf ogt, %reduce_sum3A_4, %gt3A_8 : vector<1000xf32>
    %jit3A = arith.constant 1.000000e+00 : f32
    %broadcast_in_dim3A = vector.broadcast %jit3A : f32 to vector<1000xf32>
    %select_n3A = arith.select %gt3A_9, %reduce_sum3A_4, %broadcast_in_dim3A : vector<1000xi1>, vector<1000xf32>
    %rsqrt3A = math.rsqrt %select_n3A : vector<1000xf32>
    %jit3A_10 = arith.constant 0.000000e+00 : f32
    %broadcast_in_dim3A_11 = vector.broadcast %jit3A_10 : f32 to vector<1000xf32>
    %select_n3A_12 = arith.select %gt3A_6, %rsqrt3A, %broadcast_in_dim3A_11 : vector<1000xi1>, vector<1000xf32>
    %broadcast_in_dim3A_13 = vector.shape_cast %select_n3A_12 : vector<1000xf32> to vector<1000x1xf32>
    %get3A_14 = arith.constant 0 : index
    %get3A_15 = arith.constant 0 : index
    %get3A_16 = arith.constant 0 : index
    %get3A_17 = vector.load %arg1[%get3A_14, %get3A_15, %get3A_16] : memref<2x1000x128xf32, #tpu.memory_space<vmem>>, vector<1x1000x128xf32>
    %get3A_18 = vector.shape_cast %get3A_17 : vector<1x1000x128xf32> to vector<1000x128xf32>
    %get3A_19 = arith.constant 1 : index
    %get3A_20 = arith.constant 0 : index
    %get3A_21 = arith.constant 0 : index
    %get3A_22 = vector.load %arg1[%get3A_19, %get3A_20, %get3A_21] : memref<2x1000x128xf32, #tpu.memory_space<vmem>>, vector<1x1000x128xf32>
    %get3A_23 = vector.shape_cast %get3A_22 : vector<1x1000x128xf32> to vector<1000x128xf32>
    %add3A = arith.addf %get3A_18, %get3A_23 : vector<1000x128xf32>
    %mul3A = vector.broadcast %broadcast_in_dim3A_13 : vector<1000x1xf32> to vector<1000x128xf32>
    %mul3A_24 = arith.mulf %mul3A, %add3A : vector<1000x128xf32>
    %get3A_25 = arith.constant 0 : index
    %get3A_26 = arith.constant 0 : index
    %get3A_27 = vector.load %arg3[%get3A_25, %get3A_26] : memref<1x128xf32, #tpu.memory_space<vmem>>, vector<1x128xf32>
    %add3A_28 = vector.broadcast %get3A_27 : vector<1x128xf32> to vector<1000x128xf32>
    %add3A_29 = arith.addf %mul3A_24, %add3A_28 : vector<1000x128xf32>
    %ge3A = arith.constant 0.000000e+00 : f32
    %ge3A_30 = vector.broadcast %ge3A : f32 to vector<1000x128xf32>
    %ge3A_31 = arith.cmpf oge, %add3A_29, %ge3A_30 : vector<1000x128xf32>
    %mul3A_32 = arith.constant 0.00999999977 : f32
    %mul3A_33 = vector.broadcast %mul3A_32 : f32 to vector<1000x128xf32>
    %mul3A_34 = arith.mulf %mul3A_33, %add3A_29 : vector<1000x128xf32>
    %select_n3A_35 = arith.select %ge3A_31, %add3A_29, %mul3A_34 : vector<1000x128xi1>, vector<1000x128xf32>
    %get3A_36 = arith.constant 0 : index
    %get3A_37 = arith.constant 0 : index
    %get3A_38 = vector.load %arg4[%get3A_36, %get3A_37] : memref<128x128xf32, #tpu.memory_space<vmem>>, vector<128x128xf32>
    %dot_general3A = arith.constant dense<0.000000e+00> : vector<1000x128xf32>
    %dot_general3A_39 = tpu.matmul %select_n3A_35, %get3A_38, %dot_general3A {dimension_numbers = #tpu.dot_dimension_numbers<[1], [1], [0], [0], [0, 0, 1, 0], [], []>, transpose_lhs_hint = false} : vector<1000x128xf32>, vector<128x128xf32>, vector<1000x128xf32> -> vector<1000x128xf32>
    %mul3A_40 = vector.broadcast %broadcast_in_dim3A_13 : vector<1000x1xf32> to vector<1000x128xf32>
    %mul3A_41 = arith.mulf %dot_general3A_39, %mul3A_40 : vector<1000x128xf32>
    %swap3A = arith.constant 0 : index
    %swap3A_42 = arith.constant 0 : index
    %swap3A_43 = vector.load %arg5[%swap3A, %swap3A_42] : memref<1000x128xf32, #tpu.memory_space<vmem>>, vector<1000x128xf32>
    tpu.vector_store %arg5[%swap3A, %swap3A_42], %mul3A_41 {strides = array<i32>} : memref<1000x128xf32, #tpu.memory_space<vmem>>, vector<1000x128xf32>,
    return
  }
  func.func @transform_0(%arg0: i32) -> (i32, i32, i32) {
    %c0_i32 = arith.constant 0 : i32
    %c0_i32_0 = arith.constant 0 : i32
    %c0_i32_1 = arith.constant 0 : i32
    return %c0_i32, %arg0, %c0_i32_0 : i32, i32, i32
  }
  func.func @transform_1(%arg0: i32) -> (i32, i32, i32) {
    %c0_i32 = arith.constant 0 : i32
    %c0_i32_0 = arith.constant 0 : i32
    %c0_i32_1 = arith.constant 0 : i32
    return %arg0, %c0_i32, %c0_i32_0 : i32, i32, i32
  }
  func.func @transform_2(%arg0: i32) -> (i32, i32) {
    %c0_i32 = arith.constant 0 : i32
    %c0_i32_0 = arith.constant 0 : i32
    %c0_i32_1 = arith.constant 0 : i32
    return %c0_i32, %c0_i32_0 : i32, i32
  }
  func.func @transform_3(%arg0: i32) -> (i32, i32) {
    %c0_i32 = arith.constant 0 : i32
    %c0_i32_0 = arith.constant 0 : i32
    %c0_i32_1 = arith.constant 0 : i32
    return %c0_i32, %c0_i32_0 : i32, i32
  }
  func.func @transform_4(%arg0: i32) -> (i32, i32) {
    %c0_i32 = arith.constant 0 : i32
    %c0_i32_0 = arith.constant 0 : i32
    return %arg0, %c0_i32 : i32, i32
  }
}

module attributes {stable_mosaic.version = 14 : i64} {
  func.func @_tc_final_body(%arg0: i32, %arg1: memref<2x1000x128xf32, #tpu.memory_space<vmem>>, %arg2: memref<1x32x1000xf32, #tpu.memory_space<vmem>>, %arg3: memref<1x128xf32, #tpu.memory_space<vmem>>, %arg4: memref<1000x1xi32, #tpu.memory_space<vmem>>, %arg5: memref<2x128xf32, #tpu.memory_space<vmem>>, %arg6: memref<1x2xf32, #tpu.memory_space<vmem>>, %arg7: memref<16x2xf32, #tpu.memory_space<vmem>>, %arg8: memref<16x128xf32, #tpu.memory_space<vmem>>, %arg9: memref<16x1xf32, #tpu.memory_space<vmem>>) attributes {dimension_semantics = [#tpu.dimension_semantics<arbitrary>], iteration_bounds = array<i64: 10>, scalar_prefetch = 0 : i64, scratch_operands = 2 : i64, tpu.core_type = #tpu.core_type<tc>, window_params = [{transform_indices = @transform_0, window_bounds = array<i64: 2, 1000, 128>}, {transform_indices = @transform_1, window_bounds = array<i64: 1, 32, 1000>}, {pipeline_mode = #tpu.pipeline_mode<synchronous>, transform_indices = @transform_2, window_bounds = array<i64: 1, 128>}, {transform_indices = @transform_3, window_bounds = array<i64: 1000, 1>}, {pipeline_mode = #tpu.pipeline_mode<synchronous>, transform_indices = @transform_4, window_bounds = array<i64: 2, 128>}, {pipeline_mode = #tpu.pipeline_mode<synchronous>, transform_indices = @transform_5, window_bounds = array<i64: 1, 2>}, {pipeline_mode = #tpu.pipeline_mode<synchronous>, transform_indices = @transform_6, window_bounds = array<i64: 16, 2>}]} {
    %eq3A = arith.constant 0 : i32
    %eq3A_0 = arith.cmpi eq, %arg0, %eq3A : i32
    %convert_element_type3A = arith.extui %eq3A_0 : i1 to i32
    %cond3A = arith.constant 0 : i32
    %cond3A_1 = arith.cmpi ne, %convert_element_type3A, %cond3A : i32
    scf.if %cond3A_1 {
      %broadcast_in_dim3A_67 = arith.constant 0.000000e+00 : f32
      %broadcast_in_dim3A_68 = vector.broadcast %broadcast_in_dim3A_67 : f32 to vector<16x128xf32>
      %swap3A_69 = arith.constant 0 : index
      %swap3A_70 = arith.constant 0 : index
      %swap3A_71 = vector.load %arg8[%swap3A_69, %swap3A_70] : memref<16x128xf32, #tpu.memory_space<vmem>>, vector<16x128xf32>
      tpu.vector_store %arg8[%swap3A_69, %swap3A_70], %broadcast_in_dim3A_68 {strides = array<i32>} : memref<16x128xf32, #tpu.memory_space<vmem>>, vector<16x128xf32>,
      %broadcast_in_dim3A_72 = arith.constant 0.000000e+00 : f32
      %broadcast_in_dim3A_73 = vector.broadcast %broadcast_in_dim3A_72 : f32 to vector<16x1xf32>
      %swap3A_74 = arith.constant 0 : index
      %swap3A_75 = arith.constant 0 : index
      %swap3A_76 = vector.load %arg9[%swap3A_74, %swap3A_75] : memref<16x1xf32, #tpu.memory_space<vmem>>, vector<16x1xf32>
      tpu.vector_store %arg9[%swap3A_74, %swap3A_75], %broadcast_in_dim3A_73 {strides = array<i32>} : memref<16x1xf32, #tpu.memory_space<vmem>>, vector<16x1xf32>,
    } else {
    }
    %get3A = arith.constant 0 : index
    %get3A_2 = arith.constant 0 : index
    %get3A_3 = arith.constant 0 : index
    %get3A_4 = vector.load %arg2[%get3A, %get3A_2, %get3A_3] : memref<1x32x1000xf32, #tpu.memory_space<vmem>>, vector<1x32x1000xf32>
    %get3A_5 = vector.shape_cast %get3A_4 : vector<1x32x1000xf32> to vector<32x1000xf32>
    %reduce_sum3A = arith.constant dense<0.000000e+00> : vector<1000xf32>
    %reduce_sum3A_6 = vector.multi_reduction <add>, %get3A_5, %reduce_sum3A [0] : vector<32x1000xf32> to vector<1000xf32>
    %gt3A = arith.constant 0.000000e+00 : f32
    %gt3A_7 = vector.broadcast %gt3A : f32 to vector<1000xf32>
    %gt3A_8 = arith.cmpf ogt, %reduce_sum3A_6, %gt3A_7 : vector<1000xf32>
    %gt3A_9 = arith.constant 0.000000e+00 : f32
    %gt3A_10 = vector.broadcast %gt3A_9 : f32 to vector<1000xf32>
    %gt3A_11 = arith.cmpf ogt, %reduce_sum3A_6, %gt3A_10 : vector<1000xf32>
    %jit3A = arith.constant 1.000000e+00 : f32
    %broadcast_in_dim3A = vector.broadcast %jit3A : f32 to vector<1000xf32>
    %select_n3A = arith.select %gt3A_11, %reduce_sum3A_6, %broadcast_in_dim3A : vector<1000xi1>, vector<1000xf32>
    %rsqrt3A = math.rsqrt %select_n3A : vector<1000xf32>
    %jit3A_12 = arith.constant 0.000000e+00 : f32
    %broadcast_in_dim3A_13 = vector.broadcast %jit3A_12 : f32 to vector<1000xf32>
    %select_n3A_14 = arith.select %gt3A_8, %rsqrt3A, %broadcast_in_dim3A_13 : vector<1000xi1>, vector<1000xf32>
    %broadcast_in_dim3A_15 = vector.shape_cast %select_n3A_14 : vector<1000xf32> to vector<1000x1xf32>
    %get3A_16 = arith.constant 0 : index
    %get3A_17 = arith.constant 0 : index
    %get3A_18 = arith.constant 0 : index
    %get3A_19 = vector.load %arg1[%get3A_16, %get3A_17, %get3A_18] : memref<2x1000x128xf32, #tpu.memory_space<vmem>>, vector<1x1000x128xf32>
    %get3A_20 = vector.shape_cast %get3A_19 : vector<1x1000x128xf32> to vector<1000x128xf32>
    %get3A_21 = arith.constant 1 : index
    %get3A_22 = arith.constant 0 : index
    %get3A_23 = arith.constant 0 : index
    %get3A_24 = vector.load %arg1[%get3A_21, %get3A_22, %get3A_23] : memref<2x1000x128xf32, #tpu.memory_space<vmem>>, vector<1x1000x128xf32>
    %get3A_25 = vector.shape_cast %get3A_24 : vector<1x1000x128xf32> to vector<1000x128xf32>
    %add3A = arith.addf %get3A_20, %get3A_25 : vector<1000x128xf32>
    %mul3A = vector.broadcast %broadcast_in_dim3A_15 : vector<1000x1xf32> to vector<1000x128xf32>
    %mul3A_26 = arith.mulf %mul3A, %add3A : vector<1000x128xf32>
    %get3A_27 = arith.constant 0 : index
    %get3A_28 = arith.constant 0 : index
    %get3A_29 = vector.load %arg3[%get3A_27, %get3A_28] : memref<1x128xf32, #tpu.memory_space<vmem>>, vector<1x128xf32>
    %add3A_30 = vector.broadcast %get3A_29 : vector<1x128xf32> to vector<1000x128xf32>
    %add3A_31 = arith.addf %mul3A_26, %add3A_30 : vector<1000x128xf32>
    %ge3A = arith.constant 0.000000e+00 : f32
    %ge3A_32 = vector.broadcast %ge3A : f32 to vector<1000x128xf32>
    %ge3A_33 = arith.cmpf oge, %add3A_31, %ge3A_32 : vector<1000x128xf32>
    %mul3A_34 = arith.constant 0.00999999977 : f32
    %mul3A_35 = vector.broadcast %mul3A_34 : f32 to vector<1000x128xf32>
    %mul3A_36 = arith.mulf %mul3A_35, %add3A_31 : vector<1000x128xf32>
    %select_n3A_37 = arith.select %ge3A_33, %add3A_31, %mul3A_36 : vector<1000x128xi1>, vector<1000x128xf32>
    %iota3A = tpu.iota {dimensions = array<i32: 1>} : vector<1000x16xi32>
    %get3A_38 = arith.constant 0 : index
    %get3A_39 = arith.constant 0 : index
    %get3A_40 = vector.load %arg4[%get3A_38, %get3A_39] : memref<1000x1xi32, #tpu.memory_space<vmem>>, vector<1000x1xi32>
    %eq3A_41 = vector.broadcast %get3A_40 : vector<1000x1xi32> to vector<1000x16xi32>
    %eq3A_42 = arith.cmpi eq, %iota3A, %eq3A_41 : vector<1000x16xi32>
    %convert_element_type3A_43 = arith.extui %eq3A_42 : vector<1000x16xi1> to vector<1000x16xi32>
    %convert_element_type3A_44 = arith.sitofp %convert_element_type3A_43 : vector<1000x16xi32> to vector<1000x16xf32>
    %get3A_45 = arith.constant 0 : index
    %get3A_46 = arith.constant 0 : index
    %get3A_47 = vector.load %arg8[%get3A_45, %get3A_46] : memref<16x128xf32, #tpu.memory_space<vmem>>, vector<16x128xf32>
    %dot_general3A = arith.constant dense<0.000000e+00> : vector<16x128xf32>
    %dot_general3A_48 = tpu.matmul %convert_element_type3A_44, %select_n3A_37, %dot_general3A {dimension_numbers = #tpu.dot_dimension_numbers<[0], [0], [1], [1], [0, 1, 1, 1], [], []>, transpose_lhs_hint = false} : vector<1000x16xf32>, vector<1000x128xf32>, vector<16x128xf32> -> vector<16x128xf32>
    %add3A_49 = arith.addf %get3A_47, %dot_general3A_48 : vector<16x128xf32>
    %swap3A = arith.constant 0 : index
    %swap3A_50 = arith.constant 0 : index
    %swap3A_51 = vector.load %arg8[%swap3A, %swap3A_50] : memref<16x128xf32, #tpu.memory_space<vmem>>, vector<16x128xf32>
    tpu.vector_store %arg8[%swap3A, %swap3A_50], %add3A_49 {strides = array<i32>} : memref<16x128xf32, #tpu.memory_space<vmem>>, vector<16x128xf32>,
    %get3A_52 = arith.constant 0 : index
    %get3A_53 = arith.constant 0 : index
    %get3A_54 = vector.load %arg9[%get3A_52, %get3A_53] : memref<16x1xf32, #tpu.memory_space<vmem>>, vector<16x1xf32>
    %reduce_sum3A_55 = arith.constant dense<0.000000e+00> : vector<16xf32>
    %reduce_sum3A_56 = vector.multi_reduction <add>, %convert_element_type3A_44, %reduce_sum3A_55 [0] : vector<1000x16xf32> to vector<16xf32>
    %broadcast_in_dim3A_57 = vector.shape_cast %reduce_sum3A_56 : vector<16xf32> to vector<16x1xf32>
    %add3A_58 = arith.addf %get3A_54, %broadcast_in_dim3A_57 : vector<16x1xf32>
    %swap3A_59 = arith.constant 0 : index
    %swap3A_60 = arith.constant 0 : index
    %swap3A_61 = vector.load %arg9[%swap3A_59, %swap3A_60] : memref<16x1xf32, #tpu.memory_space<vmem>>, vector<16x1xf32>
    tpu.vector_store %arg9[%swap3A_59, %swap3A_60], %add3A_58 {strides = array<i32>} : memref<16x1xf32, #tpu.memory_space<vmem>>, vector<16x1xf32>,
    %eq3A_62 = arith.constant 9 : i32
    %eq3A_63 = arith.cmpi eq, %arg0, %eq3A_62 : i32
    %convert_element_type3A_64 = arith.extui %eq3A_63 : i1 to i32
    %cond3A_65 = arith.constant 0 : i32
    %cond3A_66 = arith.cmpi ne, %convert_element_type3A_64, %cond3A_65 : i32
    scf.if %cond3A_66 {
      %get3A_67 = arith.constant 0 : index
      %get3A_68 = arith.constant 0 : index
      %get3A_69 = vector.load %arg8[%get3A_67, %get3A_68] : memref<16x128xf32, #tpu.memory_space<vmem>>, vector<16x128xf32>
      %get3A_70 = arith.constant 0 : index
      %get3A_71 = arith.constant 0 : index
      %get3A_72 = vector.load %arg9[%get3A_70, %get3A_71] : memref<16x1xf32, #tpu.memory_space<vmem>>, vector<16x1xf32>
      %max3A = arith.constant 1.000000e+00 : f32
      %max3A_73 = vector.broadcast %max3A : f32 to vector<16x1xf32>
      %max3A_74 = arith.maximumf %get3A_72, %max3A_73 : vector<16x1xf32>
      %div3A = vector.broadcast %max3A_74 : vector<16x1xf32> to vector<16x128xf32>
      %div3A_75 = arith.divf %get3A_69, %div3A : vector<16x128xf32>
      %get3A_76 = arith.constant 0 : index
      %get3A_77 = arith.constant 0 : index
      %get3A_78 = vector.load %arg5[%get3A_76, %get3A_77] : memref<2x128xf32, #tpu.memory_space<vmem>>, vector<2x128xf32>
      %dot_general3A_79 = arith.constant dense<0.000000e+00> : vector<16x2xf32>
      %dot_general3A_80 = tpu.matmul %div3A_75, %get3A_78, %dot_general3A_79 {dimension_numbers = #tpu.dot_dimension_numbers<[1], [1], [0], [0], [0, 0, 1, 0], [], []>, transpose_lhs_hint = false} : vector<16x128xf32>, vector<2x128xf32>, vector<16x2xf32> -> vector<16x2xf32>
      %get3A_81 = arith.constant 0 : index
      %get3A_82 = arith.constant 0 : index
      %get3A_83 = vector.load %arg6[%get3A_81, %get3A_82] : memref<1x2xf32, #tpu.memory_space<vmem>>, vector<1x2xf32>
      %add3A_84 = vector.broadcast %get3A_83 : vector<1x2xf32> to vector<16x2xf32>
      %add3A_85 = arith.addf %dot_general3A_80, %add3A_84 : vector<16x2xf32>
      %swap3A_86 = arith.constant 0 : index
      %swap3A_87 = arith.constant 0 : index
      %swap3A_88 = vector.load %arg7[%swap3A_86, %swap3A_87] : memref<16x2xf32, #tpu.memory_space<vmem>>, vector<16x2xf32>
      tpu.vector_store %arg7[%swap3A_86, %swap3A_87], %add3A_85 {strides = array<i32>} : memref<16x2xf32, #tpu.memory_space<vmem>>, vector<16x2xf32>,
    } else {
    }
    return
  }
  func.func @transform_0(%arg0: i32) -> (i32, i32, i32) {
    %c0_i32 = arith.constant 0 : i32
    %c0_i32_0 = arith.constant 0 : i32
    %c0_i32_1 = arith.constant 0 : i32
    return %c0_i32, %arg0, %c0_i32_0 : i32, i32, i32
  }
  func.func @transform_1(%arg0: i32) -> (i32, i32, i32) {
    %c0_i32 = arith.constant 0 : i32
    %c0_i32_0 = arith.constant 0 : i32
    %c0_i32_1 = arith.constant 0 : i32
    return %arg0, %c0_i32, %c0_i32_0 : i32, i32, i32
  }
  func.func @transform_2(%arg0: i32) -> (i32, i32) {
    %c0_i32 = arith.constant 0 : i32
    %c0_i32_0 = arith.constant 0 : i32
    %c0_i32_1 = arith.constant 0 : i32
    return %c0_i32, %c0_i32_0 : i32, i32
  }
  func.func @transform_3(%arg0: i32) -> (i32, i32) {
    %c0_i32 = arith.constant 0 : i32
    %c0_i32_0 = arith.constant 0 : i32
    return %arg0, %c0_i32 : i32, i32
  }
  func.func @transform_4(%arg0: i32) -> (i32, i32) {
    %c0_i32 = arith.constant 0 : i32
    %c0_i32_0 = arith.constant 0 : i32
    %c0_i32_1 = arith.constant 0 : i32
    return %c0_i32, %c0_i32_0 : i32, i32
  }
  func.func @transform_5(%arg0: i32) -> (i32, i32) {
    %c0_i32 = arith.constant 0 : i32
    %c0_i32_0 = arith.constant 0 : i32
    %c0_i32_1 = arith.constant 0 : i32
    return %c0_i32, %c0_i32_0 : i32, i32
  }
  func.func @transform_6(%arg0: i32) -> (i32, i32) {
    %c0_i32 = arith.constant 0 : i32
    %c0_i32_0 = arith.constant 0 : i32
    %c0_i32_1 = arith.constant 0 : i32
    return %c0_i32, %c0_i32_0 : i32, i32
  }
}

</mosaic_0001>

<sc_bundles>
// kernel: kernel.11.cloned.1.call-start
scs
__scs_entry_jumppad:
0x0: {  	(pc) =	sbr.rel $0x88, $3  }
0x1: {  	(tag) =	ssettag $0x0;
	lr =	simm.s32 $0x1  }
0x2: {  	[smem:$0x3F97] =	sst lr;
	_ =	strace $0xD0000000  }
0x3: {  	_ = 	snop  }
0x4: {  	_ = 	snop  }
0x5: {  	_ = 	snop  }
0x6: {  	_ = 	snop  }
0x7: {  	_ = 	snop  }
__scs_overlays_trampoline_lowered:
0x8: {  	[smem:$0x3FA6] =	sst s0  }
0x9: {  	[smem:$0x3FA7] =	sst s1  }
0xa: {  	[smem:$0x3FA8] =	sst s2  }
0xb: {  	[smem:$0x3FA9] =	sst s3  }
0xc: {  	[smem:$0x3FAA] =	sst s4  }
0xd: {  	[smem:$0x3FAB] =	sst s5  }
0xe: {  	[smem:$0x3FAC] =	sst s6  }
0xf: {  	[smem:$0x3FAD] =	sst s7  }
0x10: {  	[smem:$0x3FAE] =	sst s8  }
0x11: {  	[smem:$0x3FAF] =	sst s9;
	s0 =	simm.s32 @!p0 $0x0  }
0x12: {  	s1 =	sld [smem:$0x3F95];
	s0 =	simm.s32 @p0 $0x1  }
0x13: {  	[smem:$0x3FB0] =	sst s0;
	s0 =	simm.s32 @!p1 $0x0  }
0x14: {  	s2 =	sld [smem:$0x3F94];
	s0 =	simm.s32 @p1 $0x1  }
0x15: {  	[smem:$0x3FB1] =	sst s0;
	s0 =	simm.s32 @!p2 $0x0  }
0x16: {  	s3 =	sld [smem:$0x3FDB];
	s0 =	simm.s32 @p2 $0x1  }
0x17: {  	s4 =	simm.s32 $0x1BF5;
	[smem:$0x3FB3] =	sst s0  }
0x18: {  	s0 =	sld [smem:$0x3F96];
	_ =	swait.ge [sflag:s4], $0x0  }
0x19: {  	s7 =	sld [smem:$0x3F97]  }
0x1a: {  	s8 =	sadd.s32 $0xFFFFE003, lr  }
0x1b: {  	s9 =	sadd.s32 $0xFFFFFEF7, lr;
	s5 =	simm.s32 $0xFFFFFFFF;
	p2 =	slt.u32 s8, $0xFFFFF086  }
0x1c: {  	p1 =	slt.u32 s9, $0xF7A;
	s5 =	simm.s32 @!p2 $0x0  }
0x1d: {  	s5 =	simm.s32 @p1 $0x1;
	p0 =	seq.s32 s7, s2  }
0x1e: {  	s7 =	smul.u32 @!p0 $0xF7A, s2;
	p2 =	seq.s32 @!p0 s5, $0x0  }
0x1f: {  	s9 =	smul.u32 $0xF7A, s1;
	s8 =	simm.s32 @!p0 $0x1BF5;
	p2 =	por !p2, p0  }
0x20: {  	[sflag:s8] =	ssyncset.s32 @!p0 $0xFFFFF086;
	s6 =	sadd.s32 @!p0 s3, s7;
	s7 =	simm.s32 @!p0 $0x108  }
0x21: {  	s3 =	sadd.s32 s3, s9;
	s6 =	sadd.s32 @!p0 $0x88, s6;
	s7 =	simm.s32 @p2 $0x1082  }
0x22: {  	[simem:s7], [sflag:s8] =	dma.local @!p0 [hbm:s6], $0xF7A  }
0x23: {  	s9 =	sor.u32 $0xD0000000, s2;
	s6 =	simm.s32 $0x108;
	_ =	swait.ge @!p0 [sflag:s8], $0x0  }
0x24: {  	s3 =	sadd.s32 $0x88, s3;
	s6 =	simm.s32 @!p1 $0x1082;
	[sflag:s4] =	ssyncset.s32 $0xFFFFF086  }
0x25: {  	[simem:s6], [sflag:s4] =	dma.local [hbm:s3], $0xF7A  }
0x26: {  	[smem:$0x3F97] =	sst s1;
	(tag) =	ssettag s2;
	_ =	strace s9  }
0x27: {  	s1 =	sld [smem:$0x3FA7]  }
0x28: {  	s2 =	sld [smem:$0x3FA8]  }
0x29: {  	s4 =	sld [smem:$0x3FAA]  }
0x2a: {  	p0 =	seq.s32 s5, $0x0;
	s5 =	sld [smem:$0x3FAB]  }
0x2b: {  	s6 =	sld [smem:$0x3FAC]  }
0x2c: {  	s7 =	sld [smem:$0x3FAD]  }
0x2d: {  	s3 =	simm.s32 $0x108;
	s8 =	sld [smem:$0x3FAE]  }
0x2e: {  	s3 =	simm.s32 @!p0 $0x1082;
	s9 =	sld [smem:$0x3FAF]  }
0x2f: {  	lr =	sadd.s32 s0, s3;
	s0 =	sld [smem:$0x3FA6]  }
0x30: {  	s3 =	sld [smem:$0x3FA9]  }
0x31: {  	[smem:$0x3FB2] =	sst s10  }
0x32: {  	s10 =	sld [smem:$0x3FB0];
	_ =	sdelay $0x3  }
0x33: {  	p0 =	seq.s32 s10, $0x1;
	s10 =	sld [smem:$0x3FB2];
	_ =	sdelay $0x3  }
0x34: {  	[smem:$0x3FB2] =	sst s10  }
0x35: {  	s10 =	sld [smem:$0x3FB1];
	_ =	sdelay $0x3  }
0x36: {  	p1 =	seq.s32 s10, $0x1;
	s10 =	sld [smem:$0x3FB2];
	_ =	sdelay $0x3  }
0x37: {  	[smem:$0x3FB2] =	sst s10  }
0x38: {  	s10 =	sld [smem:$0x3FB3]  }
0x39: {  	_ = 	snop;
	(pc) =	sbr.ind lr, $3  }
0x3a: {  	_ = 	snop  }
0x3b: {  	_ = 	snop  }
0x3c: {  	p2 =	seq.s32 s10, $0x1;
	s10 =	sld [smem:$0x3FB2]  }
0x3d: {  	_ =	shalt  }
0x3e: {  	_ =	shalt  }
0x3f: {  	_ =	shalt  }
0x40: {  	_ =	shalt  }
0x41: {  	_ =	shalt  }
0x42: {  	_ =	shalt  }
0x43: {  	_ =	shalt  }
0x44: {  	_ =	shalt  }
0x45: {  	_ =	shalt  }
0x46: {  	_ =	shalt  }
0x47: {  	_ =	shalt  }
0x48: {  	_ =	shalt  }
0x49: {  	_ =	shalt  }
0x4a: {  	_ =	shalt  }
0x4b: {  	_ =	shalt  }
0x4c: {  	_ =	shalt  }
0x4d: {  	_ =	shalt  }
0x4e: {  	_ =	shalt  }
0x4f: {  	_ =	shalt  }
0x50: {  	_ =	shalt  }
0x51: {  	_ =	shalt  }
0x52: {  	_ =	shalt  }
0x53: {  	_ =	shalt  }
0x54: {  	_ =	shalt  }
0x55: {  	_ =	shalt  }
0x56: {  	_ =	shalt  }
0x57: {  	_ =	shalt  }
0x58: {  	_ =	shalt  }
0x59: {  	_ =	shalt  }
0x5a: {  	_ =	shalt  }
0x5b: {  	_ =	shalt  }
0x5c: {  	_ =	shalt  }
0x5d: {  	_ =	shalt  }
0x5e: {  	_ =	shalt  }
0x5f: {  	_ =	shalt  }
0x60: {  	_ =	shalt  }
0x61: {  	_ =	shalt  }
0x62: {  	_ =	shalt  }
0x63: {  	_ =	shalt  }
0x64: {  	_ =	shalt  }
0x65: {  	_ =	shalt  }
0x66: {  	_ =	shalt  }
0x67: {  	_ =	shalt  }
0x68: {  	_ =	shalt  }
0x69: {  	_ =	shalt  }
0x6a: {  	_ =	shalt  }
0x6b: {  	_ =	shalt  }
0x6c: {  	_ =	shalt  }
0x6d: {  	_ =	shalt  }
0x6e: {  	_ =	shalt  }
0x6f: {  	_ =	shalt  }
0x70: {  	_ =	shalt  }
0x71: {  	_ =	shalt  }
0x72: {  	_ =	shalt  }
0x73: {  	_ =	shalt  }
0x74: {  	_ =	shalt  }
0x75: {  	_ =	shalt  }
0x76: {  	_ =	shalt  }
0x77: {  	_ =	shalt  }
0x78: {  	_ =	shalt  }
0x79: {  	_ =	shalt  }
0x7a: {  	_ =	shalt  }
0x7b: {  	_ =	shalt  }
0x7c: {  	_ =	shalt  }
0x7d: {  	_ =	shalt  }
0x7e: {  	_ =	shalt  }
0x7f: {  	_ =	shalt  }
0x80: {  	_ =	shalt  }
0x81: {  	_ =	shalt  }
0x82: {  	_ =	shalt  }
0x83: {  	_ =	shalt  }
0x84: {  	_ =	shalt  }
0x85: {  	_ =	shalt  }
0x86: {  	_ =	shalt  }
0x87: {  	_ =	shalt  }
.Lfunc_end0:
.L_simem_size_0:
called_computation.1_lowered:
.L_overlay_start_0:
0x88: {  	s2 =	sld [smem:$0x3FD9]  }
0x89: {  	s3 =	sld [smem:$0x3FFE];
	_ =	sdelay $0x1  }
0x8a: {  	s1 =	srdreg.scid  }
0x8b: {  	s0 =	sand.u32 $0x1, s1  }
0x8c: {  	s16 =	sshll.u32 s0, $0xA;
	s2 =	sadd.s32 s3, s2  }
0x8d: {  	s2 =	sadd.s32 s2, s16  }
0x8e: {  	[smem:$0x3FBE] =	sst s2  }
0x8f: {  	_ = 	snop  }
0x90: {  	(tm) =	ssettm $0x1  }
0x91: {  	s17 =	sld [smem:$0x3FFB];
	_ =	sdelay $0x3  }
0x92: {  	_ =	strace s17  }
0x93: {  	s2 =	sld [smem:$0x3FFC];
	_ =	sdelay $0x3  }
0x94: {  	_ =	strace s2  }
0x95: {  	s2 =	sld [smem:$0x3FFD];
	_ =	sdelay $0x3  }
0x96: {  	_ =	strace s2  }
0x97: {  	_ =	strace $0x8FFFFFFF  }
0x98: {  	s18 =	sld [smem:$0x3FDB];
	_ =	sdelay $0x1  }
0x99: {  	s19 =	simm.s32 $_scs_section_size  }
0x9a: {  	s4 =	simm.s32 $_size__tile_overlayer_lowered;
	s5 =	simm.s32 $_tile_overlayer_lowered  }
0x9b: {  	s22 =	simm.s32 $0x1BFF;
	s21 =	sshll.u32 s5, $0x1;
	s2 =	sadd.s32 s19, s18  }
0x9c: {  	s6 =	simm.s32 $0x0;
	s20 =	sshll.u32 s4, $0x1;
	s4 =	sadd.s32 s21, s2  }
0x9d: {  	[timem:s6], [sflag:s22] =	dma.local [hbm:s4], s20  }
0x9e: {  	_ =	swait.ge [sflag:s22], s20  }
0x9f: {  	s3 =	ssub.s32 $0x0, s20;
	[sflag:s22] =	ssyncset.done $0x0  }
0xa0: {  	[sflag:s22] =	ssyncadd.s32 s3;
	_ =	sdelay $0x1  }
0xa1: {  	s23 =	simm.s32 $0x1B8B  }
0xa2: {  	_ =	swait.ge [sflag:s23], $0x1  }
0xa3: {  	[sflag:s23] =	ssyncset.done $0x0  }
0xa4: {  	s25 =	simm.s32 $0x1B8E;
	s24 =	sld [smem:$0x3FFE];
	[sflag:s23] =	ssyncadd.s32 $0xFFFFFFFF  }
0xa5: {  	s26 =	simm.s32 $execute0_lowered;
	[smem:$0x3FD2] =	sst s25  }
0xa6: {  	s4 =	sshll.u32 s26, $0x1;
	_ =	strace $0x80000049;
	[dreg:$0x1] =	wrdreg $0xFFFFFFFF  }
0xa7: {  	s28 =	simm.s32 $_size_execute0_lowered;
	s2 =	sadd.s32 s2, s4;
	[dreg:$0x0] =	wrdreg $0x0  }
0xa8: {  	s4 =	sshll.u32 s28, $0x1;
	[dreg:$0x2] =	wrdreg s2  }
0xa9: {  	[dreg:$0x3] =	wrdreg s4  }
0xaa: {  	[dreg:$0x4] =	wrdreg $0xC0  }
0xab: {  	_ =	task [dreg:s6], $0x5FFFF  }
0xac: {  	[dreg:$0x1] =	wrdreg $0xFFFFFFFF  }
0xad: {  	[dreg:$0x0] =	wrdreg $0x60  }
0xae: {  	[dreg:$0x2] =	wrdreg s24  }
0xaf: {  	[dreg:$0x3] =	wrdreg $0xBEA00  }
0xb0: {  	[dreg:$0x4] =	wrdreg $0x9  }
0xb1: {  	_ =	task.clear_ibuf [dreg:s6], $0x5FFFF;
	_ =	strace $0x90000049  }
0xb2: {  	s29 =	simm.s32 $0x9;
	_ =	strace $0x8000004B  }
0xb3: {  	_ =	swait.ge [sflag:s29], $0x1  }
0xb4: {  	[sflag:s29] =	ssyncadd.s32 $0xFFFFFFFF  }
0xb5: {  	_ =	strace $0x9000004B  }
0xb6: {  	_ =	sfence  }
0xb7: {  	s30 =	sld [smem:$0x0];
	_ =	sdelay $0x2  }
0xb8: {  	s31 =	sshll.u32 s1, $0xD;
	s1 =	sshrl.u32 s1, $0x2  }
0xb9: {  	s3 =	sand.u32 $0x4000, s31;
	s1 =	sadd.s32 s1, s30  }
0xba: {  	s0 =	sor.u32 s3, s0;
	s1 =	sshll.u32 s1, $0x11  }
0xbb: {  	s0 =	sor.u32 s1, s0  }
0xbc: {  	s0 =	sadd.s32 $0x8F2B, s0  }
0xbd: {  	[sflag:s0] =	ssyncadd.remote.s32 $0x1  }
0xbe: {  	_ =	sfence.sel $0xFFFF  }
0xbf: {  	[dreg:$0x0] =	wrdreg $0xFFFFFFFF;
	(pc) =	sbr.abs _section_cstart, $3  }
0xc0: {  	[dreg:$0x1] =	wrdreg $0xFFFFFFFF  }
0xc1: {  	_ =	task.clear_ibuf [dreg:s6], $0x2FFFF;
	_ =	strace $0x9FFFFFFF  }
0xc2: {  	(tm) =	ssettm $0x7FFFFFFF  }
0xc3: {  	_ =	shalt  }
tec
execute0_lowered:
.L_overlay_start_1:
0x0: {  	(tag) =	ssettag $0x1  }
0x1: {  	s0 =	srdreg.scid;
	s1 =	rddreg [dreg:$0x0]  }
0x2: {  	s9 =	stileid.u32;
	s2 =	rddreg [dreg:$0x1];
	s3 =	simm.s32 $0x0  }
0x3: {  	s10 =	simm.s32 $0x6;
	s12 =	simm.s32 $0xB220;
	s13 =	simm.s32 $0x28  }
0x4: {  	s14 =	simm.s32 $0x4E20;
	s15 =	simm.s32 $0x6220;
	s17 =	simm.s32 $0x7620  }
0x5: {  	s19 =	simm.s32 $0x8A20;
	s20 =	simm.s32 $0xA0;
	s6 =	smul.u32 $0x2710, s9  }
0x6: {  	s28 =	simm.s32 $0x5;
	s29 =	simm.s32 $0x4D58;
	s8 =	smul.u32 $0x13880, s9  }
0x7: {  	s30 =	simm.s32 $0x4D80;
	s0 =	sand.u32 $0x1, s0;
	s9 =	smul.u32 $0x4E200, s9  }
0x8: {  	s31 =	simm.s32 $0x4DA8;
	s11 =	simm.s32 $0x4DF8;
	s5 =	smul.u32 $0x27100, s0  }
0x9: {  	[smem:$0x7FF] =	sst s3;
	s7 =	smul.u32 $0x138800, s0;
	s0 =	ssub.s32 $0x2, s0  }
0xa: {  	s4 =	sadd.s32 $0x16400, s1;
	_ =	strace $0x8000004A;
	s24 =	sshrl.u32 s0, $0x1  }
0xb: {  	s25 =	sadd.s32 s8, s2;
	s26 =	sshrl.u32 s9, $0x2;
	s5 =	sadd.s32 s6, s5  }
0xc: {  	s21 =	sadd.s32 s8, s7;
	s0 =	ssub.s32 s0, s24;
	s9 =	sadd.s32 s26, s2  }
0xd: {  	s24 =	simm.s32 $0x3;
	s25 =	sshrl.u32 s25, $0x3;
	s26 =	simm.s32 $0x4  }
0xe: {  	s5 =	sshrl.u32 s5, $0x3;
	s23 =	sshrl.u32 s21, $0x3;
	s8 =	smax.u32 s0, $0x1  }
0xf: {  	s21 =	simm.s32 $0x9E20;
	s22 =	sadd.s32 s5, s1;
	s1 =	sadd.s32 s23, s1  }
0x10: {  	s23 =	simm.s32 $0x2;
	s5 =	sadd.s32 $0x2A00, s22;
	s6 =	sadd.s32 $0xC640, s22  }
0x11: {  	v0 =	vimm.f32 $0.0e+00;
	s7 =	sadd.s32 $0x3D600, s1;
	s22 =	simm.s32 $0x1;
	s1 =	simm.s32 $0x4DD0  }
.LBB2_1:
0x12: {  	s0 =	simm.s32 $0x0;
	s16 =	simm.s32 $0x200  }
.LBB2_2:
0x13: {  	p0 =	sne.s32 s16, $0x3000;
	[tilespmem:s0+$0xB290] =	vst v0  }
0x14: {  	[tilespmem:s0+$0xB220] =	vst v0  }
0x15: {  	[tilespmem:s0+$0xB230] =	vst v0  }
.Ltmp0:
0x16: {  	[tilespmem:s0+$0xB240] =	vst v0;
	(pc) =	sbr.rel @p0 .LBB2_2-.Ltmp0, $4  }
0x17: {  	[tilespmem:s0+$0xB250] =	vst v0  }
0x18: {  	[tilespmem:s0+$0xB260] =	vst v0  }
0x19: {  	[tilespmem:s0+$0xB270] =	vst v0  }
0x1a: {  	[tilespmem:s0+$0xB280] =	vst v0;
	s0 =	sshra.s32 s16, $0x2;
	s16 =	sadd.s32 $0x200, s16  }
0x1b: {  	[tilespmem:s0+$0xB290] =	vst v0  }
0x1c: {  	[tilespmem:s0+$0xB220] =	vst v0  }
0x1d: {  	[tilespmem:s0+$0xB230] =	vst v0  }
0x1e: {  	[tilespmem:s0+$0xB240] =	vst v0  }
0x1f: {  	[tilespmem:s0+$0xB250] =	vst v0  }
0x20: {  	[tilespmem:s0+$0xB260] =	vst v0  }
0x21: {  	[tilespmem:s0+$0xB270] =	vst v0  }
0x22: {  	[tilespmem:s0+$0xB280] =	vst v0;
	s18 =	simm.s32 $0x0  }
0x23: {  	[tilespmem:s18], [sflag:$0x6] =	stream.linear.gather [hbm4b:s5+s18], $0x2710, $0x38;
	[tilespmem:$0x1F720] =	vst v63  }
0x24: {  	_ =	swait.ge [sflag:s10], $0x2710  }
0x25: {  	[sflag:s10] =	ssyncset.done $0x0  }
0x26: {  	s16 =	simm.s32 $0x2710;
	[sflag:s10] =	ssyncadd.s32 $0xFFFFD8F0  }
0x27: {  	[tilespmem:s16], [sflag:$0x6] =	stream.linear.gather [hbm4b:s6+s18], $0x2710, $0x38;
	[tilespmem:$0x1F720] =	vst v63  }
0x28: {  	_ =	swait.ge [sflag:s10], $0x2710  }
0x29: {  	[sflag:s10] =	ssyncset.done $0x0  }
0x2a: {  	s18 =	sadd.s32 $0x0, s9;
	[sflag:s10] =	ssyncadd.s32 $0xFFFFD8F0  }
0x2b: {  	[spmem:s18] =	stream.linear.scatter [tilespmem:s12], [sflag:$0x6], $0xC80, $0x38;
	[tilespmem:$0x1F720] =	vst v63  }
0x2c: {  	s0 =	simm.s32 $0x3200;
	_ =	swait.ge [sflag:s10], $0xC80  }
.LBB2_4:
0x2d: {  	s16 =	sshra.s32 s0, $0x2;
	[sflag:s10] =	ssyncset.done $0x0;
	p0 =	sne.s32 s0, $0x4B000  }
.Ltmp1:
0x2e: {  	s16 =	sadd.s32 s16, s9;
	[sflag:s10] =	ssyncadd.s32 $0xFFFFF380;
	(pc) =	sbr.rel @p0 .LBB2_4-.Ltmp1, $3  }
0x2f: {  	[spmem:s16] =	stream.linear.scatter [tilespmem:s12], [sflag:$0x6], $0xC80, $0x38;
	[tilespmem:$0x1F720] =	vst v63  }
0x30: {  	s0 =	sadd.s32 $0x3200, s0;
	_ =	sdelay $0x1  }
0x31: {  	_ =	swait.ge [sflag:s10], $0xC80  }
0x32: {  	[sflag:s10] =	ssyncset.done $0x0  }
0x33: {  	s0 =	simm.s32 $0x0;
	[sflag:s10] =	ssyncadd.s32 $0xFFFFF380  }
0x34: {  	[tilespmem:s14], [sflag:$0x1] =	stream.indirect.gather [hbm4b:s4+s13], $0x80, s0, s13, $0xb8;
	[tilespmem:$0x1F720] =	vst v63  }
0x35: {  	_ = 	snop  }
0x36: {  	[tilespmem:s15], [sflag:$0x2] =	stream.indirect.gather [hbm4b:s4+s13], $0x80, s13, s13, $0xb8;
	[tilespmem:$0x1F720] =	vst v63  }
0x37: {  	s18 =	simm.s32 $0x50  }
0x38: {  	[tilespmem:s17], [sflag:$0x3] =	stream.indirect.gather [hbm4b:s4+s13], $0x80, s18, s13, $0xb8;
	[tilespmem:$0x1F720] =	vst v63  }
0x39: {  	s16 =	simm.s32 $0x78  }
0x3a: {  	[tilespmem:s19], [sflag:$0x4] =	stream.indirect.gather [hbm4b:s4+s13], $0x80, s16, s13, $0xb8;
	[tilespmem:$0x1F720] =	vst v63  }
0x3b: {  	_ = 	snop  }
0x3c: {  	[tilespmem:s21], [sflag:$0x5] =	stream.indirect.gather [hbm4b:s4+s13], $0x80, s20, s13, $0xb8;
	[tilespmem:$0x1F720] =	vst v63  }
0x3d: {  	[bflag:$0x0] =	sbarrier.arrive $0xFFFF  }
0x3e: {  	_ =	swait.ge [sflag:s22], $0x1400  }
0x3f: {  	[sflag:s22] =	ssyncset.done $0x0  }
0x40: {  	s18 =	simm.s32 $0x2710;
	[sflag:s22] =	ssyncadd.s32 $0xFFFFEC00  }
0x41: {  	[spmem:s2] =	stream.indirect.scatter.add.f32 [tilespmem:s14], [sflag:$0x6], $0x80, s18, s13, $0xb8;
	[tilespmem:$0x1F720] =	vst v63  }
0x42: {  	_ =	swait.ge [sflag:s10], $0x1400  }
0x43: {  	[sflag:s10] =	ssyncset.done $0x0  }
0x44: {  	s16 =	simm.s32 $0xC8;
	[sflag:s10] =	ssyncadd.s32 $0xFFFFEC00  }
0x45: {  	[tilespmem:s14], [sflag:$0x1] =	stream.indirect.gather [hbm4b:s4+s13], $0x80, s16, s13, $0xb8;
	[tilespmem:$0x1F720] =	vst v63  }
0x46: {  	_ =	swait.ge [sflag:s23], $0x1400  }
0x47: {  	[sflag:s23] =	ssyncset.done $0x0  }
0x48: {  	s18 =	simm.s32 $0x2738;
	[sflag:s23] =	ssyncadd.s32 $0xFFFFEC00  }
0x49: {  	[spmem:s2] =	stream.indirect.scatter.add.f32 [tilespmem:s15], [sflag:$0x6], $0x80, s18, s13, $0xb8;
	[tilespmem:$0x1F720] =	vst v63  }
0x4a: {  	_ =	swait.ge [sflag:s10], $0x1400  }
0x4b: {  	[sflag:s10] =	ssyncset.done $0x0  }
0x4c: {  	s16 =	simm.s32 $0xF0;
	[sflag:s10] =	ssyncadd.s32 $0xFFFFEC00  }
0x4d: {  	[tilespmem:s15], [sflag:$0x2] =	stream.indirect.gather [hbm4b:s4+s13], $0x80, s16, s13, $0xb8;
	[tilespmem:$0x1F720] =	vst v63  }
0x4e: {  	_ =	swait.ge [sflag:s24], $0x1400  }
0x4f: {  	[sflag:s24] =	ssyncset.done $0x0  }
0x50: {  	s18 =	simm.s32 $0x2760;
	[sflag:s24] =	ssyncadd.s32 $0xFFFFEC00  }
0x51: {  	[spmem:s2] =	stream.indirect.scatter.add.f32 [tilespmem:s17], [sflag:$0x6], $0x80, s18, s13, $0xb8;
	[tilespmem:$0x1F720] =	vst v63  }
0x52: {  	_ =	swait.ge [sflag:s10], $0x1400  }
0x53: {  	[sflag:s10] =	ssyncset.done $0x0  }
0x54: {  	s16 =	simm.s32 $0x118;
	[sflag:s10] =	ssyncadd.s32 $0xFFFFEC00  }
0x55: {  	[tilespmem:s17], [sflag:$0x3] =	stream.indirect.gather [hbm4b:s4+s13], $0x80, s16, s13, $0xb8;
	[tilespmem:$0x1F720] =	vst v63  }
0x56: {  	_ =	swait.ge [sflag:s26], $0x1400  }
0x57: {  	[sflag:s26] =	ssyncset.done $0x0  }
0x58: {  	s18 =	simm.s32 $0x2788;
	[sflag:s26] =	ssyncadd.s32 $0xFFFFEC00  }
0x59: {  	[spmem:s2] =	stream.indirect.scatter.add.f32 [tilespmem:s19], [sflag:$0x6], $0x80, s18, s13, $0xb8;
	[tilespmem:$0x1F720] =	vst v63  }
0x5a: {  	_ =	swait.ge [sflag:s10], $0x1400  }
0x5b: {  	[sflag:s10] =	ssyncset.done $0x0  }
0x5c: {  	s16 =	simm.s32 $0x140;
	[sflag:s10] =	ssyncadd.s32 $0xFFFFEC00  }
0x5d: {  	[tilespmem:s19], [sflag:$0x4] =	stream.indirect.gather [hbm4b:s4+s13], $0x80, s16, s13, $0xb8;
	[tilespmem:$0x1F720] =	vst v63  }
0x5e: {  	_ =	swait.ge [sflag:s28], $0x1400  }
0x5f: {  	[sflag:s28] =	ssyncset.done $0x0  }
0x60: {  	s18 =	simm.s32 $0x27B0;
	[sflag:s28] =	ssyncadd.s32 $0xFFFFEC00  }
0x61: {  	[spmem:s2] =	stream.indirect.scatter.add.f32 [tilespmem:s21], [sflag:$0x6], $0x80, s18, s13, $0xb8;
	[tilespmem:$0x1F720] =	vst v63  }
0x62: {  	_ =	swait.ge [sflag:s10], $0x1400  }
0x63: {  	[sflag:s10] =	ssyncset.done $0x0  }
0x64: {  	s0 =	simm.s32 $0x320;
	s16 =	simm.s32 $0x168;
	[sflag:s10] =	ssyncadd.s32 $0xFFFFEC00  }
.LBB2_6:
0x65: {  	[tilespmem:s21], [sflag:$0x5] =	stream.indirect.gather [hbm4b:s4+s13], $0x80, s16, s13, $0xb8;
	[tilespmem:$0x1F720] =	vst v63  }
0x66: {  	s16 =	smov.u32 s0  }
0x67: {  	p0 =	sne.s32 s0, $0x9600;
	s0 =	sadd.s32 $0x320, s0;
	_ =	swait.ge [sflag:s22], $0x1400  }
0x68: {  	s16 =	sshra.s32 s16, $0x2;
	[sflag:s22] =	ssyncset.done $0x0  }
0x69: {  	s18 =	sadd.s32 $0x2710, s16;
	[sflag:s22] =	ssyncadd.s32 $0xFFFFEC00  }
0x6a: {  	[spmem:s2] =	stream.indirect.scatter.add.f32 [tilespmem:s14], [sflag:$0x6], $0x80, s18, s13, $0xb8;
	[tilespmem:$0x1F720] =	vst v63  }
0x6b: {  	_ =	swait.ge [sflag:s10], $0x1400  }
0x6c: {  	[sflag:s10] =	ssyncset.done $0x0  }
0x6d: {  	s18 =	sadd.s32 $0xC8, s16;
	[sflag:s10] =	ssyncadd.s32 $0xFFFFEC00  }
0x6e: {  	[tilespmem:s14], [sflag:$0x1] =	stream.indirect.gather [hbm4b:s4+s13], $0x80, s18, s13, $0xb8;
	[tilespmem:$0x1F720] =	vst v63  }
0x6f: {  	_ =	swait.ge [sflag:s23], $0x1400  }
0x70: {  	[sflag:s23] =	ssyncset.done $0x0  }
0x71: {  	s18 =	sadd.s32 $0x2738, s16;
	[sflag:s23] =	ssyncadd.s32 $0xFFFFEC00  }
0x72: {  	[spmem:s2] =	stream.indirect.scatter.add.f32 [tilespmem:s15], [sflag:$0x6], $0x80, s18, s13, $0xb8;
	[tilespmem:$0x1F720] =	vst v63  }
0x73: {  	_ =	swait.ge [sflag:s10], $0x1400  }
0x74: {  	[sflag:s10] =	ssyncset.done $0x0  }
0x75: {  	s18 =	sadd.s32 $0xF0, s16;
	[sflag:s10] =	ssyncadd.s32 $0xFFFFEC00  }
0x76: {  	[tilespmem:s15], [sflag:$0x2] =	stream.indirect.gather [hbm4b:s4+s13], $0x80, s18, s13, $0xb8;
	[tilespmem:$0x1F720] =	vst v63  }
0x77: {  	_ =	swait.ge [sflag:s24], $0x1400  }
0x78: {  	[sflag:s24] =	ssyncset.done $0x0  }
0x79: {  	s18 =	sadd.s32 $0x2760, s16;
	[sflag:s24] =	ssyncadd.s32 $0xFFFFEC00  }
0x7a: {  	[spmem:s2] =	stream.indirect.scatter.add.f32 [tilespmem:s17], [sflag:$0x6], $0x80, s18, s13, $0xb8;
	[tilespmem:$0x1F720] =	vst v63  }
0x7b: {  	_ =	swait.ge [sflag:s10], $0x1400  }
0x7c: {  	[sflag:s10] =	ssyncset.done $0x0  }
0x7d: {  	s18 =	sadd.s32 $0x118, s16;
	[sflag:s10] =	ssyncadd.s32 $0xFFFFEC00  }
0x7e: {  	[tilespmem:s17], [sflag:$0x3] =	stream.indirect.gather [hbm4b:s4+s13], $0x80, s18, s13, $0xb8;
	[tilespmem:$0x1F720] =	vst v63  }
0x7f: {  	_ =	swait.ge [sflag:s26], $0x1400  }
0x80: {  	[sflag:s26] =	ssyncset.done $0x0  }
0x81: {  	s18 =	sadd.s32 $0x2788, s16;
	[sflag:s26] =	ssyncadd.s32 $0xFFFFEC00  }
0x82: {  	[spmem:s2] =	stream.indirect.scatter.add.f32 [tilespmem:s19], [sflag:$0x6], $0x80, s18, s13, $0xb8;
	[tilespmem:$0x1F720] =	vst v63  }
0x83: {  	_ =	swait.ge [sflag:s10], $0x1400  }
0x84: {  	[sflag:s10] =	ssyncset.done $0x0  }
0x85: {  	s18 =	sadd.s32 $0x140, s16;
	[sflag:s10] =	ssyncadd.s32 $0xFFFFEC00  }
0x86: {  	[tilespmem:s19], [sflag:$0x4] =	stream.indirect.gather [hbm4b:s4+s13], $0x80, s18, s13, $0xb8;
	[tilespmem:$0x1F720] =	vst v63  }
0x87: {  	_ =	swait.ge [sflag:s28], $0x1400  }
0x88: {  	[sflag:s28] =	ssyncset.done $0x0  }
.Ltmp2:
0x89: {  	s18 =	sadd.s32 $0x27B0, s16;
	[sflag:s28] =	ssyncadd.s32 $0xFFFFEC00;
	(pc) =	sbr.rel @p0 .LBB2_6-.Ltmp2, $4  }
0x8a: {  	[spmem:s2] =	stream.indirect.scatter.add.f32 [tilespmem:s21], [sflag:$0x6], $0x80, s18, s13, $0xb8;
	[tilespmem:$0x1F720] =	vst v63  }
0x8b: {  	_ =	swait.ge [sflag:s10], $0x1400  }
0x8c: {  	[sflag:s10] =	ssyncset.done $0x0  }
0x8d: {  	s16 =	sadd.s32 $0x168, s16;
	[sflag:s10] =	ssyncadd.s32 $0xFFFFEC00  }
0x8e: {  	[tilespmem:s21], [sflag:$0x5] =	stream.indirect.gather [hbm4b:s4+s13], $0x80, s16, s13, $0xb8;
	[tilespmem:$0x1F720] =	vst v63  }
0x8f: {  	_ =	swait.ge [sflag:s22], $0x1400  }
0x90: {  	[sflag:s22] =	ssyncset.done $0x0  }
0x91: {  	[sflag:s22] =	ssyncadd.s32 $0xFFFFEC00  }
0x92: {  	[spmem:s2] =	stream.indirect.scatter.add.f32 [tilespmem:s14], [sflag:$0x6], $0x80, s29, s13, $0xb8;
	[tilespmem:$0x1F720] =	vst v63  }
0x93: {  	_ =	swait.ge [sflag:s10], $0x1400  }
0x94: {  	[sflag:s10] =	ssyncset.done $0x0  }
0x95: {  	[sflag:s10] =	ssyncadd.s32 $0xFFFFEC00  }
0x96: {  	_ =	swait.ge [sflag:s23], $0x1400  }
0x97: {  	[sflag:s23] =	ssyncset.done $0x0  }
0x98: {  	[sflag:s23] =	ssyncadd.s32 $0xFFFFEC00  }
0x99: {  	[spmem:s2] =	stream.indirect.scatter.add.f32 [tilespmem:s15], [sflag:$0x6], $0x80, s30, s13, $0xb8;
	[tilespmem:$0x1F720] =	vst v63  }
0x9a: {  	_ =	swait.ge [sflag:s10], $0x1400  }
0x9b: {  	[sflag:s10] =	ssyncset.done $0x0  }
0x9c: {  	[sflag:s10] =	ssyncadd.s32 $0xFFFFEC00  }
0x9d: {  	_ =	swait.ge [sflag:s24], $0x1400  }
0x9e: {  	[sflag:s24] =	ssyncset.done $0x0  }
0x9f: {  	[sflag:s24] =	ssyncadd.s32 $0xFFFFEC00  }
0xa0: {  	[spmem:s2] =	stream.indirect.scatter.add.f32 [tilespmem:s17], [sflag:$0x6], $0x80, s31, s13, $0xb8;
	[tilespmem:$0x1F720] =	vst v63  }
0xa1: {  	_ =	swait.ge [sflag:s10], $0x1400  }
0xa2: {  	[sflag:s10] =	ssyncset.done $0x0  }
0xa3: {  	[sflag:s10] =	ssyncadd.s32 $0xFFFFEC00  }
0xa4: {  	_ =	swait.ge [sflag:s26], $0x1400  }
0xa5: {  	[sflag:s26] =	ssyncset.done $0x0  }
0xa6: {  	[sflag:s26] =	ssyncadd.s32 $0xFFFFEC00  }
0xa7: {  	[spmem:s2] =	stream.indirect.scatter.add.f32 [tilespmem:s19], [sflag:$0x6], $0x80, s1, s13, $0xb8;
	[tilespmem:$0x1F720] =	vst v63  }
0xa8: {  	_ =	swait.ge [sflag:s10], $0x1400  }
0xa9: {  	[sflag:s10] =	ssyncset.done $0x0  }
0xaa: {  	[sflag:s10] =	ssyncadd.s32 $0xFFFFEC00  }
0xab: {  	_ =	swait.ge [sflag:s28], $0x1400  }
0xac: {  	[sflag:s28] =	ssyncset.done $0x0  }
0xad: {  	[sflag:s28] =	ssyncadd.s32 $0xFFFFEC00  }
0xae: {  	[spmem:s2] =	stream.indirect.scatter.add.f32 [tilespmem:s21], [sflag:$0x6], $0x80, s11, s13, $0xb8;
	[tilespmem:$0x1F720] =	vst v63  }
0xaf: {  	_ =	swait.ge [sflag:s10], $0x1400  }
0xb0: {  	s0 =	stileid.u32;
	s3 =	sadd.s32 $0x1, s3;
	[sflag:s10] =	ssyncset.done $0x0  }
0xb1: {  	s0 =	sshll.u32 s0, $0x6;
	p0 =	sne.s32 s3, s8;
	[sflag:s10] =	ssyncadd.s32 $0xFFFFEC00  }
.Ltmp3:
0xb2: {  	s0 =	sor.u32 $0x1C06, s0;
	[bflag:$0x0] =	sbarrier.arrive $0xFFFF;
	(pc) =	sbr.rel @p0 .LBB2_1-.Ltmp3, $4  }
0xb3: {  	[hbm:s7], [sflag:s0] =	dma.local [spmem:s25], $0x2710  }
0xb4: {  	_ =	swait.ge [sflag:s10], $0x2710  }
0xb5: {  	[sflag:s10] =	ssyncset.done $0x0  }
0xb6: {  	[sflag:s10] =	ssyncadd.s32 $0xFFFFD8F0  }
0xb7: {  	_ =	sfence.sel $0x180000  }
0xb8: {  	[bflag:$0x0] =	sbarrier.arrive $0xFFFF  }
0xb9: {  	_ =	strace $0x9000004A  }
0xba: {  	s0 =	stileid.u32;
	[bflag:$0x2] =	sbarrier.arrive $0xFFFF  }
0xbb: {  	p0 =	sne.s32 s0, $0x0;
	s0 =	rddreg [dreg:$0x2]  }
0xbc: {  	s0 =	sadd.s32 @!p0 $0x100000, s0  }
0xbd: {  	[sflag:s0] =	ssyncadd.tile.s32 @!p0 $0x1;
	_ =	shalt  }
.Lfunc_end2:
_tile_overlayer_lowered:
.L_overlay_start_2:
0xbe: {  	(tag) =	ssettag $0x2  }
0xbf: {  	s0 =	rddreg [dreg:$0x0];
	s2 =	stileid.u32  }
0xc0: {  	s1 =	rddreg [dreg:$0x1];
	p0 =	sne.s32 s2, $0x0  }
0xc1: {  	s3 =	rddreg [dreg:$0x2];
	[bflag:$0x3] =	sbarrier.arrive $0xFFFF;
	s2 =	simm.s32 @!p0 $0x1C06  }
0xc2: {  	[timem:s3], [sflag:s2] =	dma.local @!p0 [hbm:s0], s1  }
0xc3: {  	s0 =	simm.s32 @!p0 $0x6  }
0xc4: {  	_ =	swait.ge @!p0 [sflag:s0], s1  }
0xc5: {  	s1 =	ssub.s32 @!p0 $0x0, s1;
	[sflag:s0] =	ssyncset.done @!p0 $0x0  }
0xc6: {  	[sflag:s0] =	ssyncadd.s32 @!p0 s1  }
0xc7: {  	[bflag:$0x3] =	sbarrier.arrive $0xFFFF  }
0xc8: {  	_ =	shalt  }

// kernel: kernel.14.cloned.1.call-start
scs
__scs_entry_jumppad:
0x0: {  	(pc) =	sbr.rel $0x88, $3  }
0x1: {  	(tag) =	ssettag $0x0;
	lr =	simm.s32 $0x1  }
0x2: {  	[smem:$0x3F97] =	sst lr;
	_ =	strace $0xD0000000  }
0x3: {  	_ = 	snop  }
0x4: {  	_ = 	snop  }
0x5: {  	_ = 	snop  }
0x6: {  	_ = 	snop  }
0x7: {  	_ = 	snop  }
__scs_overlays_trampoline_lowered:
0x8: {  	[smem:$0x3FA6] =	sst s0  }
0x9: {  	[smem:$0x3FA7] =	sst s1  }
0xa: {  	[smem:$0x3FA8] =	sst s2  }
0xb: {  	[smem:$0x3FA9] =	sst s3  }
0xc: {  	[smem:$0x3FAA] =	sst s4  }
0xd: {  	[smem:$0x3FAB] =	sst s5  }
0xe: {  	[smem:$0x3FAC] =	sst s6  }
0xf: {  	[smem:$0x3FAD] =	sst s7  }
0x10: {  	[smem:$0x3FAE] =	sst s8  }
0x11: {  	[smem:$0x3FAF] =	sst s9;
	s0 =	simm.s32 @!p0 $0x0  }
0x12: {  	s1 =	sld [smem:$0x3F95];
	s0 =	simm.s32 @p0 $0x1  }
0x13: {  	[smem:$0x3FB0] =	sst s0;
	s0 =	simm.s32 @!p1 $0x0  }
0x14: {  	s2 =	sld [smem:$0x3F94];
	s0 =	simm.s32 @p1 $0x1  }
0x15: {  	[smem:$0x3FB1] =	sst s0;
	s0 =	simm.s32 @!p2 $0x0  }
0x16: {  	s3 =	sld [smem:$0x3FDB];
	s0 =	simm.s32 @p2 $0x1  }
0x17: {  	s4 =	simm.s32 $0x1BF5;
	[smem:$0x3FB3] =	sst s0  }
0x18: {  	s0 =	sld [smem:$0x3F96];
	_ =	swait.ge [sflag:s4], $0x0  }
0x19: {  	s7 =	sld [smem:$0x3F97]  }
0x1a: {  	s8 =	sadd.s32 $0xFFFFE003, lr  }
0x1b: {  	s9 =	sadd.s32 $0xFFFFFEF7, lr;
	s5 =	simm.s32 $0xFFFFFFFF;
	p2 =	slt.u32 s8, $0xFFFFF086  }
0x1c: {  	p1 =	slt.u32 s9, $0xF7A;
	s5 =	simm.s32 @!p2 $0x0  }
0x1d: {  	s5 =	simm.s32 @p1 $0x1;
	p0 =	seq.s32 s7, s2  }
0x1e: {  	s7 =	smul.u32 @!p0 $0xF7A, s2;
	p2 =	seq.s32 @!p0 s5, $0x0  }
0x1f: {  	s9 =	smul.u32 $0xF7A, s1;
	s8 =	simm.s32 @!p0 $0x1BF5;
	p2 =	por !p2, p0  }
0x20: {  	[sflag:s8] =	ssyncset.s32 @!p0 $0xFFFFF086;
	s6 =	sadd.s32 @!p0 s3, s7;
	s7 =	simm.s32 @!p0 $0x108  }
0x21: {  	s3 =	sadd.s32 s3, s9;
	s6 =	sadd.s32 @!p0 $0x88, s6;
	s7 =	simm.s32 @p2 $0x1082  }
0x22: {  	[simem:s7], [sflag:s8] =	dma.local @!p0 [hbm:s6], $0xF7A  }
0x23: {  	s9 =	sor.u32 $0xD0000000, s2;
	s6 =	simm.s32 $0x108;
	_ =	swait.ge @!p0 [sflag:s8], $0x0  }
0x24: {  	s3 =	sadd.s32 $0x88, s3;
	s6 =	simm.s32 @!p1 $0x1082;
	[sflag:s4] =	ssyncset.s32 $0xFFFFF086  }
0x25: {  	[simem:s6], [sflag:s4] =	dma.local [hbm:s3], $0xF7A  }
0x26: {  	[smem:$0x3F97] =	sst s1;
	(tag) =	ssettag s2;
	_ =	strace s9  }
0x27: {  	s1 =	sld [smem:$0x3FA7]  }
0x28: {  	s2 =	sld [smem:$0x3FA8]  }
0x29: {  	s4 =	sld [smem:$0x3FAA]  }
0x2a: {  	p0 =	seq.s32 s5, $0x0;
	s5 =	sld [smem:$0x3FAB]  }
0x2b: {  	s6 =	sld [smem:$0x3FAC]  }
0x2c: {  	s7 =	sld [smem:$0x3FAD]  }
0x2d: {  	s3 =	simm.s32 $0x108;
	s8 =	sld [smem:$0x3FAE]  }
0x2e: {  	s3 =	simm.s32 @!p0 $0x1082;
	s9 =	sld [smem:$0x3FAF]  }
0x2f: {  	lr =	sadd.s32 s0, s3;
	s0 =	sld [smem:$0x3FA6]  }
0x30: {  	s3 =	sld [smem:$0x3FA9]  }
0x31: {  	[smem:$0x3FB2] =	sst s10  }
0x32: {  	s10 =	sld [smem:$0x3FB0];
	_ =	sdelay $0x3  }
0x33: {  	p0 =	seq.s32 s10, $0x1;
	s10 =	sld [smem:$0x3FB2];
	_ =	sdelay $0x3  }
0x34: {  	[smem:$0x3FB2] =	sst s10  }
0x35: {  	s10 =	sld [smem:$0x3FB1];
	_ =	sdelay $0x3  }
0x36: {  	p1 =	seq.s32 s10, $0x1;
	s10 =	sld [smem:$0x3FB2];
	_ =	sdelay $0x3  }
0x37: {  	[smem:$0x3FB2] =	sst s10  }
0x38: {  	s10 =	sld [smem:$0x3FB3]  }
0x39: {  	_ = 	snop;
	(pc) =	sbr.ind lr, $3  }
0x3a: {  	_ = 	snop  }
0x3b: {  	_ = 	snop  }
0x3c: {  	p2 =	seq.s32 s10, $0x1;
	s10 =	sld [smem:$0x3FB2]  }
0x3d: {  	_ =	shalt  }
0x3e: {  	_ =	shalt  }
0x3f: {  	_ =	shalt  }
0x40: {  	_ =	shalt  }
0x41: {  	_ =	shalt  }
0x42: {  	_ =	shalt  }
0x43: {  	_ =	shalt  }
0x44: {  	_ =	shalt  }
0x45: {  	_ =	shalt  }
0x46: {  	_ =	shalt  }
0x47: {  	_ =	shalt  }
0x48: {  	_ =	shalt  }
0x49: {  	_ =	shalt  }
0x4a: {  	_ =	shalt  }
0x4b: {  	_ =	shalt  }
0x4c: {  	_ =	shalt  }
0x4d: {  	_ =	shalt  }
0x4e: {  	_ =	shalt  }
0x4f: {  	_ =	shalt  }
0x50: {  	_ =	shalt  }
0x51: {  	_ =	shalt  }
0x52: {  	_ =	shalt  }
0x53: {  	_ =	shalt  }
0x54: {  	_ =	shalt  }
0x55: {  	_ =	shalt  }
0x56: {  	_ =	shalt  }
0x57: {  	_ =	shalt  }
0x58: {  	_ =	shalt  }
0x59: {  	_ =	shalt  }
0x5a: {  	_ =	shalt  }
0x5b: {  	_ =	shalt  }
0x5c: {  	_ =	shalt  }
0x5d: {  	_ =	shalt  }
0x5e: {  	_ =	shalt  }
0x5f: {  	_ =	shalt  }
0x60: {  	_ =	shalt  }
0x61: {  	_ =	shalt  }
0x62: {  	_ =	shalt  }
0x63: {  	_ =	shalt  }
0x64: {  	_ =	shalt  }
0x65: {  	_ =	shalt  }
0x66: {  	_ =	shalt  }
0x67: {  	_ =	shalt  }
0x68: {  	_ =	shalt  }
0x69: {  	_ =	shalt  }
0x6a: {  	_ =	shalt  }
0x6b: {  	_ =	shalt  }
0x6c: {  	_ =	shalt  }
0x6d: {  	_ =	shalt  }
0x6e: {  	_ =	shalt  }
0x6f: {  	_ =	shalt  }
0x70: {  	_ =	shalt  }
0x71: {  	_ =	shalt  }
0x72: {  	_ =	shalt  }
0x73: {  	_ =	shalt  }
0x74: {  	_ =	shalt  }
0x75: {  	_ =	shalt  }
0x76: {  	_ =	shalt  }
0x77: {  	_ =	shalt  }
0x78: {  	_ =	shalt  }
0x79: {  	_ =	shalt  }
0x7a: {  	_ =	shalt  }
0x7b: {  	_ =	shalt  }
0x7c: {  	_ =	shalt  }
0x7d: {  	_ =	shalt  }
0x7e: {  	_ =	shalt  }
0x7f: {  	_ =	shalt  }
0x80: {  	_ =	shalt  }
0x81: {  	_ =	shalt  }
0x82: {  	_ =	shalt  }
0x83: {  	_ =	shalt  }
0x84: {  	_ =	shalt  }
0x85: {  	_ =	shalt  }
0x86: {  	_ =	shalt  }
0x87: {  	_ =	shalt  }
.Lfunc_end0:
.L_simem_size_0:
called_computation.2_lowered:
.L_overlay_start_0:
0x88: {  	s2 =	sld [smem:$0x3FD9]  }
0x89: {  	s3 =	sld [smem:$0x3FFE];
	_ =	sdelay $0x1  }
0x8a: {  	s1 =	srdreg.scid  }
0x8b: {  	s0 =	sand.u32 $0x1, s1  }
0x8c: {  	s16 =	sshll.u32 s0, $0xA;
	s2 =	sadd.s32 s3, s2  }
0x8d: {  	s2 =	sadd.s32 s2, s16  }
0x8e: {  	[smem:$0x3FBE] =	sst s2  }
0x8f: {  	_ = 	snop  }
0x90: {  	(tm) =	ssettm $0x1  }
0x91: {  	s17 =	sld [smem:$0x3FFB];
	_ =	sdelay $0x3  }
0x92: {  	_ =	strace s17  }
0x93: {  	s2 =	sld [smem:$0x3FFC];
	_ =	sdelay $0x3  }
0x94: {  	_ =	strace s2  }
0x95: {  	s2 =	sld [smem:$0x3FFD];
	_ =	sdelay $0x3  }
0x96: {  	_ =	strace s2  }
0x97: {  	_ =	strace $0x8FFFFFFF  }
0x98: {  	s18 =	sld [smem:$0x3FDB];
	_ =	sdelay $0x1  }
0x99: {  	s19 =	simm.s32 $_scs_section_size  }
0x9a: {  	s4 =	simm.s32 $_size__tile_overlayer_lowered;
	s5 =	simm.s32 $_tile_overlayer_lowered  }
0x9b: {  	s22 =	simm.s32 $0x1BFF;
	s21 =	sshll.u32 s5, $0x1;
	s2 =	sadd.s32 s19, s18  }
0x9c: {  	s6 =	simm.s32 $0x0;
	s20 =	sshll.u32 s4, $0x1;
	s4 =	sadd.s32 s21, s2  }
0x9d: {  	[timem:s6], [sflag:s22] =	dma.local [hbm:s4], s20  }
0x9e: {  	_ =	swait.ge [sflag:s22], s20  }
0x9f: {  	s3 =	ssub.s32 $0x0, s20;
	[sflag:s22] =	ssyncset.done $0x0  }
0xa0: {  	[sflag:s22] =	ssyncadd.s32 s3;
	_ =	sdelay $0x1  }
0xa1: {  	s23 =	simm.s32 $0x1B8B  }
0xa2: {  	_ =	swait.ge [sflag:s23], $0x1  }
0xa3: {  	[sflag:s23] =	ssyncset.done $0x0  }
0xa4: {  	s25 =	simm.s32 $0x1B8E;
	s24 =	sld [smem:$0x3FFE];
	[sflag:s23] =	ssyncadd.s32 $0xFFFFFFFF  }
0xa5: {  	s26 =	simm.s32 $execute0_lowered;
	[smem:$0x3FD2] =	sst s25  }
0xa6: {  	s4 =	sshll.u32 s26, $0x1;
	_ =	strace $0x8000004C;
	[dreg:$0x1] =	wrdreg $0xFFFFFFFF  }
0xa7: {  	s28 =	simm.s32 $_size_execute0_lowered;
	s2 =	sadd.s32 s2, s4;
	[dreg:$0x0] =	wrdreg $0x0  }
0xa8: {  	s4 =	sshll.u32 s28, $0x1;
	[dreg:$0x2] =	wrdreg s2  }
0xa9: {  	[dreg:$0x3] =	wrdreg s4  }
0xaa: {  	[dreg:$0x4] =	wrdreg $0xC0  }
0xab: {  	_ =	task [dreg:s6], $0x5FFFF  }
0xac: {  	[dreg:$0x1] =	wrdreg $0xFFFFFFFF  }
0xad: {  	[dreg:$0x0] =	wrdreg $0x60  }
0xae: {  	[dreg:$0x2] =	wrdreg s24  }
0xaf: {  	[dreg:$0x3] =	wrdreg $0xBEA00  }
0xb0: {  	[dreg:$0x4] =	wrdreg $0x9  }
0xb1: {  	_ =	task.clear_ibuf [dreg:s6], $0x5FFFF;
	_ =	strace $0x9000004C  }
0xb2: {  	s29 =	simm.s32 $0x9;
	_ =	strace $0x8000004E  }
0xb3: {  	_ =	swait.ge [sflag:s29], $0x1  }
0xb4: {  	[sflag:s29] =	ssyncadd.s32 $0xFFFFFFFF  }
0xb5: {  	_ =	strace $0x9000004E  }
0xb6: {  	_ =	sfence  }
0xb7: {  	s30 =	sld [smem:$0x0];
	_ =	sdelay $0x2  }
0xb8: {  	s31 =	sshll.u32 s1, $0xD;
	s1 =	sshrl.u32 s1, $0x2  }
0xb9: {  	s3 =	sand.u32 $0x4000, s31;
	s1 =	sadd.s32 s1, s30  }
0xba: {  	s0 =	sor.u32 s3, s0;
	s1 =	sshll.u32 s1, $0x11  }
0xbb: {  	s0 =	sor.u32 s1, s0  }
0xbc: {  	s0 =	sadd.s32 $0x8F2B, s0  }
0xbd: {  	[sflag:s0] =	ssyncadd.remote.s32 $0x1  }
0xbe: {  	_ =	sfence.sel $0xFFFF  }
0xbf: {  	[dreg:$0x0] =	wrdreg $0xFFFFFFFF;
	(pc) =	sbr.abs _section_cstart, $3  }
0xc0: {  	[dreg:$0x1] =	wrdreg $0xFFFFFFFF  }
0xc1: {  	_ =	task.clear_ibuf [dreg:s6], $0x2FFFF;
	_ =	strace $0x9FFFFFFF  }
0xc2: {  	(tm) =	ssettm $0x7FFFFFFF  }
0xc3: {  	_ =	shalt  }
tec
execute0_lowered:
.L_overlay_start_1:
0x0: {  	(tag) =	ssettag $0x1  }
0x1: {  	s0 =	srdreg.scid;
	s1 =	rddreg [dreg:$0x0]  }
0x2: {  	s9 =	stileid.u32;
	s2 =	rddreg [dreg:$0x1];
	s3 =	simm.s32 $0x0  }
0x3: {  	s10 =	simm.s32 $0x6;
	s12 =	simm.s32 $0xB220;
	s13 =	simm.s32 $0x28  }
0x4: {  	s14 =	simm.s32 $0x4E20;
	s15 =	simm.s32 $0x6220;
	s17 =	simm.s32 $0x7620  }
0x5: {  	s19 =	simm.s32 $0x8A20;
	s20 =	simm.s32 $0xA0;
	s6 =	smul.u32 $0x2710, s9  }
0x6: {  	s28 =	simm.s32 $0x5;
	s29 =	simm.s32 $0x4D58;
	s8 =	smul.u32 $0x13880, s9  }
0x7: {  	s30 =	simm.s32 $0x4D80;
	s0 =	sand.u32 $0x1, s0;
	s9 =	smul.u32 $0x4E200, s9  }
0x8: {  	s31 =	simm.s32 $0x4DA8;
	s11 =	simm.s32 $0x4DF8;
	s5 =	smul.u32 $0x27100, s0  }
0x9: {  	[smem:$0x7FF] =	sst s3;
	s7 =	smul.u32 $0x138800, s0;
	s0 =	ssub.s32 $0x2, s0  }
0xa: {  	s4 =	sadd.s32 $0x16400, s1;
	_ =	strace $0x8000004D;
	s24 =	sshrl.u32 s0, $0x1  }
0xb: {  	s25 =	sadd.s32 s8, s2;
	s26 =	sshrl.u32 s9, $0x2;
	s5 =	sadd.s32 s6, s5  }
0xc: {  	s21 =	sadd.s32 s8, s7;
	s0 =	ssub.s32 s0, s24;
	s9 =	sadd.s32 s26, s2  }
0xd: {  	s24 =	simm.s32 $0x3;
	s25 =	sshrl.u32 s25, $0x3;
	s26 =	simm.s32 $0x4  }
0xe: {  	s5 =	sshrl.u32 s5, $0x3;
	s23 =	sshrl.u32 s21, $0x3;
	s8 =	smax.u32 s0, $0x1  }
0xf: {  	s21 =	simm.s32 $0x9E20;
	s22 =	sadd.s32 s5, s1;
	s1 =	sadd.s32 s23, s1  }
0x10: {  	s23 =	simm.s32 $0x2;
	s5 =	sadd.s32 $0x2A00, s22;
	s6 =	sadd.s32 $0xC640, s22  }
0x11: {  	v0 =	vimm.f32 $0.0e+00;
	s7 =	sadd.s32 $0x3D600, s1;
	s22 =	simm.s32 $0x1;
	s1 =	simm.s32 $0x4DD0  }
.LBB2_1:
0x12: {  	s0 =	simm.s32 $0x0;
	s16 =	simm.s32 $0x200  }
.LBB2_2:
0x13: {  	p0 =	sne.s32 s16, $0x3000;
	[tilespmem:s0+$0xB290] =	vst v0  }
0x14: {  	[tilespmem:s0+$0xB220] =	vst v0  }
0x15: {  	[tilespmem:s0+$0xB230] =	vst v0  }
.Ltmp0:
0x16: {  	[tilespmem:s0+$0xB240] =	vst v0;
	(pc) =	sbr.rel @p0 .LBB2_2-.Ltmp0, $4  }
0x17: {  	[tilespmem:s0+$0xB250] =	vst v0  }
0x18: {  	[tilespmem:s0+$0xB260] =	vst v0  }
0x19: {  	[tilespmem:s0+$0xB270] =	vst v0  }
0x1a: {  	[tilespmem:s0+$0xB280] =	vst v0;
	s0 =	sshra.s32 s16, $0x2;
	s16 =	sadd.s32 $0x200, s16  }
0x1b: {  	[tilespmem:s0+$0xB290] =	vst v0  }
0x1c: {  	[tilespmem:s0+$0xB220] =	vst v0  }
0x1d: {  	[tilespmem:s0+$0xB230] =	vst v0  }
0x1e: {  	[tilespmem:s0+$0xB240] =	vst v0  }
0x1f: {  	[tilespmem:s0+$0xB250] =	vst v0  }
0x20: {  	[tilespmem:s0+$0xB260] =	vst v0  }
0x21: {  	[tilespmem:s0+$0xB270] =	vst v0  }
0x22: {  	[tilespmem:s0+$0xB280] =	vst v0;
	s18 =	simm.s32 $0x0  }
0x23: {  	[tilespmem:s18], [sflag:$0x6] =	stream.linear.gather [hbm4b:s5+s18], $0x2710, $0x38;
	[tilespmem:$0x1F720] =	vst v63  }
0x24: {  	_ =	swait.ge [sflag:s10], $0x2710  }
0x25: {  	[sflag:s10] =	ssyncset.done $0x0  }
0x26: {  	s16 =	simm.s32 $0x2710;
	[sflag:s10] =	ssyncadd.s32 $0xFFFFD8F0  }
0x27: {  	[tilespmem:s16], [sflag:$0x6] =	stream.linear.gather [hbm4b:s6+s18], $0x2710, $0x38;
	[tilespmem:$0x1F720] =	vst v63  }
0x28: {  	_ =	swait.ge [sflag:s10], $0x2710  }
0x29: {  	[sflag:s10] =	ssyncset.done $0x0  }
0x2a: {  	s18 =	sadd.s32 $0x0, s9;
	[sflag:s10] =	ssyncadd.s32 $0xFFFFD8F0  }
0x2b: {  	[spmem:s18] =	stream.linear.scatter [tilespmem:s12], [sflag:$0x6], $0xC80, $0x38;
	[tilespmem:$0x1F720] =	vst v63  }
0x2c: {  	s0 =	simm.s32 $0x3200;
	_ =	swait.ge [sflag:s10], $0xC80  }
.LBB2_4:
0x2d: {  	s16 =	sshra.s32 s0, $0x2;
	[sflag:s10] =	ssyncset.done $0x0;
	p0 =	sne.s32 s0, $0x4B000  }
.Ltmp1:
0x2e: {  	s16 =	sadd.s32 s16, s9;
	[sflag:s10] =	ssyncadd.s32 $0xFFFFF380;
	(pc) =	sbr.rel @p0 .LBB2_4-.Ltmp1, $3  }
0x2f: {  	[spmem:s16] =	stream.linear.scatter [tilespmem:s12], [sflag:$0x6], $0xC80, $0x38;
	[tilespmem:$0x1F720] =	vst v63  }
0x30: {  	s0 =	sadd.s32 $0x3200, s0;
	_ =	sdelay $0x1  }
0x31: {  	_ =	swait.ge [sflag:s10], $0xC80  }
0x32: {  	[sflag:s10] =	ssyncset.done $0x0  }
0x33: {  	s0 =	simm.s32 $0x0;
	[sflag:s10] =	ssyncadd.s32 $0xFFFFF380  }
0x34: {  	[tilespmem:s14], [sflag:$0x1] =	stream.indirect.gather [hbm4b:s4+s13], $0x80, s0, s13, $0xb8;
	[tilespmem:$0x1F720] =	vst v63  }
0x35: {  	_ = 	snop  }
0x36: {  	[tilespmem:s15], [sflag:$0x2] =	stream.indirect.gather [hbm4b:s4+s13], $0x80, s13, s13, $0xb8;
	[tilespmem:$0x1F720] =	vst v63  }
0x37: {  	s18 =	simm.s32 $0x50  }
0x38: {  	[tilespmem:s17], [sflag:$0x3] =	stream.indirect.gather [hbm4b:s4+s13], $0x80, s18, s13, $0xb8;
	[tilespmem:$0x1F720] =	vst v63  }
0x39: {  	s16 =	simm.s32 $0x78  }
0x3a: {  	[tilespmem:s19], [sflag:$0x4] =	stream.indirect.gather [hbm4b:s4+s13], $0x80, s16, s13, $0xb8;
	[tilespmem:$0x1F720] =	vst v63  }
0x3b: {  	_ = 	snop  }
0x3c: {  	[tilespmem:s21], [sflag:$0x5] =	stream.indirect.gather [hbm4b:s4+s13], $0x80, s20, s13, $0xb8;
	[tilespmem:$0x1F720] =	vst v63  }
0x3d: {  	[bflag:$0x0] =	sbarrier.arrive $0xFFFF  }
0x3e: {  	_ =	swait.ge [sflag:s22], $0x1400  }
0x3f: {  	[sflag:s22] =	ssyncset.done $0x0  }
0x40: {  	s18 =	simm.s32 $0x2710;
	[sflag:s22] =	ssyncadd.s32 $0xFFFFEC00  }
0x41: {  	[spmem:s2] =	stream.indirect.scatter.add.f32 [tilespmem:s14], [sflag:$0x6], $0x80, s18, s13, $0xb8;
	[tilespmem:$0x1F720] =	vst v63  }
0x42: {  	_ =	swait.ge [sflag:s10], $0x1400  }
0x43: {  	[sflag:s10] =	ssyncset.done $0x0  }
0x44: {  	s16 =	simm.s32 $0xC8;
	[sflag:s10] =	ssyncadd.s32 $0xFFFFEC00  }
0x45: {  	[tilespmem:s14], [sflag:$0x1] =	stream.indirect.gather [hbm4b:s4+s13], $0x80, s16, s13, $0xb8;
	[tilespmem:$0x1F720] =	vst v63  }
0x46: {  	_ =	swait.ge [sflag:s23], $0x1400  }
0x47: {  	[sflag:s23] =	ssyncset.done $0x0  }
0x48: {  	s18 =	simm.s32 $0x2738;
	[sflag:s23] =	ssyncadd.s32 $0xFFFFEC00  }
0x49: {  	[spmem:s2] =	stream.indirect.scatter.add.f32 [tilespmem:s15], [sflag:$0x6], $0x80, s18, s13, $0xb8;
	[tilespmem:$0x1F720] =	vst v63  }
0x4a: {  	_ =	swait.ge [sflag:s10], $0x1400  }
0x4b: {  	[sflag:s10] =	ssyncset.done $0x0  }
0x4c: {  	s16 =	simm.s32 $0xF0;
	[sflag:s10] =	ssyncadd.s32 $0xFFFFEC00  }
0x4d: {  	[tilespmem:s15], [sflag:$0x2] =	stream.indirect.gather [hbm4b:s4+s13], $0x80, s16, s13, $0xb8;
	[tilespmem:$0x1F720] =	vst v63  }
0x4e: {  	_ =	swait.ge [sflag:s24], $0x1400  }
0x4f: {  	[sflag:s24] =	ssyncset.done $0x0  }
0x50: {  	s18 =	simm.s32 $0x2760;
	[sflag:s24] =	ssyncadd.s32 $0xFFFFEC00  }
0x51: {  	[spmem:s2] =	stream.indirect.scatter.add.f32 [tilespmem:s17], [sflag:$0x6], $0x80, s18, s13, $0xb8;
	[tilespmem:$0x1F720] =	vst v63  }
0x52: {  	_ =	swait.ge [sflag:s10], $0x1400  }
0x53: {  	[sflag:s10] =	ssyncset.done $0x0  }
0x54: {  	s16 =	simm.s32 $0x118;
	[sflag:s10] =	ssyncadd.s32 $0xFFFFEC00  }
0x55: {  	[tilespmem:s17], [sflag:$0x3] =	stream.indirect.gather [hbm4b:s4+s13], $0x80, s16, s13, $0xb8;
	[tilespmem:$0x1F720] =	vst v63  }
0x56: {  	_ =	swait.ge [sflag:s26], $0x1400  }
0x57: {  	[sflag:s26] =	ssyncset.done $0x0  }
0x58: {  	s18 =	simm.s32 $0x2788;
	[sflag:s26] =	ssyncadd.s32 $0xFFFFEC00  }
0x59: {  	[spmem:s2] =	stream.indirect.scatter.add.f32 [tilespmem:s19], [sflag:$0x6], $0x80, s18, s13, $0xb8;
	[tilespmem:$0x1F720] =	vst v63  }
0x5a: {  	_ =	swait.ge [sflag:s10], $0x1400  }
0x5b: {  	[sflag:s10] =	ssyncset.done $0x0  }
0x5c: {  	s16 =	simm.s32 $0x140;
	[sflag:s10] =	ssyncadd.s32 $0xFFFFEC00  }
0x5d: {  	[tilespmem:s19], [sflag:$0x4] =	stream.indirect.gather [hbm4b:s4+s13], $0x80, s16, s13, $0xb8;
	[tilespmem:$0x1F720] =	vst v63  }
0x5e: {  	_ =	swait.ge [sflag:s28], $0x1400  }
0x5f: {  	[sflag:s28] =	ssyncset.done $0x0  }
0x60: {  	s18 =	simm.s32 $0x27B0;
	[sflag:s28] =	ssyncadd.s32 $0xFFFFEC00  }
0x61: {  	[spmem:s2] =	stream.indirect.scatter.add.f32 [tilespmem:s21], [sflag:$0x6], $0x80, s18, s13, $0xb8;
	[tilespmem:$0x1F720] =	vst v63  }
0x62: {  	_ =	swait.ge [sflag:s10], $0x1400  }
0x63: {  	[sflag:s10] =	ssyncset.done $0x0  }
0x64: {  	s0 =	simm.s32 $0x320;
	s16 =	simm.s32 $0x168;
	[sflag:s10] =	ssyncadd.s32 $0xFFFFEC00  }
.LBB2_6:
0x65: {  	[tilespmem:s21], [sflag:$0x5] =	stream.indirect.gather [hbm4b:s4+s13], $0x80, s16, s13, $0xb8;
	[tilespmem:$0x1F720] =	vst v63  }
0x66: {  	s16 =	smov.u32 s0  }
0x67: {  	p0 =	sne.s32 s0, $0x9600;
	s0 =	sadd.s32 $0x320, s0;
	_ =	swait.ge [sflag:s22], $0x1400  }
0x68: {  	s16 =	sshra.s32 s16, $0x2;
	[sflag:s22] =	ssyncset.done $0x0  }
0x69: {  	s18 =	sadd.s32 $0x2710, s16;
	[sflag:s22] =	ssyncadd.s32 $0xFFFFEC00  }
0x6a: {  	[spmem:s2] =	stream.indirect.scatter.add.f32 [tilespmem:s14], [sflag:$0x6], $0x80, s18, s13, $0xb8;
	[tilespmem:$0x1F720] =	vst v63  }
0x6b: {  	_ =	swait.ge [sflag:s10], $0x1400  }
0x6c: {  	[sflag:s10] =	ssyncset.done $0x0  }
0x6d: {  	s18 =	sadd.s32 $0xC8, s16;
	[sflag:s10] =	ssyncadd.s32 $0xFFFFEC00  }
0x6e: {  	[tilespmem:s14], [sflag:$0x1] =	stream.indirect.gather [hbm4b:s4+s13], $0x80, s18, s13, $0xb8;
	[tilespmem:$0x1F720] =	vst v63  }
0x6f: {  	_ =	swait.ge [sflag:s23], $0x1400  }
0x70: {  	[sflag:s23] =	ssyncset.done $0x0  }
0x71: {  	s18 =	sadd.s32 $0x2738, s16;
	[sflag:s23] =	ssyncadd.s32 $0xFFFFEC00  }
0x72: {  	[spmem:s2] =	stream.indirect.scatter.add.f32 [tilespmem:s15], [sflag:$0x6], $0x80, s18, s13, $0xb8;
	[tilespmem:$0x1F720] =	vst v63  }
0x73: {  	_ =	swait.ge [sflag:s10], $0x1400  }
0x74: {  	[sflag:s10] =	ssyncset.done $0x0  }
0x75: {  	s18 =	sadd.s32 $0xF0, s16;
	[sflag:s10] =	ssyncadd.s32 $0xFFFFEC00  }
0x76: {  	[tilespmem:s15], [sflag:$0x2] =	stream.indirect.gather [hbm4b:s4+s13], $0x80, s18, s13, $0xb8;
	[tilespmem:$0x1F720] =	vst v63  }
0x77: {  	_ =	swait.ge [sflag:s24], $0x1400  }
0x78: {  	[sflag:s24] =	ssyncset.done $0x0  }
0x79: {  	s18 =	sadd.s32 $0x2760, s16;
	[sflag:s24] =	ssyncadd.s32 $0xFFFFEC00  }
0x7a: {  	[spmem:s2] =	stream.indirect.scatter.add.f32 [tilespmem:s17], [sflag:$0x6], $0x80, s18, s13, $0xb8;
	[tilespmem:$0x1F720] =	vst v63  }
0x7b: {  	_ =	swait.ge [sflag:s10], $0x1400  }
0x7c: {  	[sflag:s10] =	ssyncset.done $0x0  }
0x7d: {  	s18 =	sadd.s32 $0x118, s16;
	[sflag:s10] =	ssyncadd.s32 $0xFFFFEC00  }
0x7e: {  	[tilespmem:s17], [sflag:$0x3] =	stream.indirect.gather [hbm4b:s4+s13], $0x80, s18, s13, $0xb8;
	[tilespmem:$0x1F720] =	vst v63  }
0x7f: {  	_ =	swait.ge [sflag:s26], $0x1400  }
0x80: {  	[sflag:s26] =	ssyncset.done $0x0  }
0x81: {  	s18 =	sadd.s32 $0x2788, s16;
	[sflag:s26] =	ssyncadd.s32 $0xFFFFEC00  }
0x82: {  	[spmem:s2] =	stream.indirect.scatter.add.f32 [tilespmem:s19], [sflag:$0x6], $0x80, s18, s13, $0xb8;
	[tilespmem:$0x1F720] =	vst v63  }
0x83: {  	_ =	swait.ge [sflag:s10], $0x1400  }
0x84: {  	[sflag:s10] =	ssyncset.done $0x0  }
0x85: {  	s18 =	sadd.s32 $0x140, s16;
	[sflag:s10] =	ssyncadd.s32 $0xFFFFEC00  }
0x86: {  	[tilespmem:s19], [sflag:$0x4] =	stream.indirect.gather [hbm4b:s4+s13], $0x80, s18, s13, $0xb8;
	[tilespmem:$0x1F720] =	vst v63  }
0x87: {  	_ =	swait.ge [sflag:s28], $0x1400  }
0x88: {  	[sflag:s28] =	ssyncset.done $0x0  }
.Ltmp2:
0x89: {  	s18 =	sadd.s32 $0x27B0, s16;
	[sflag:s28] =	ssyncadd.s32 $0xFFFFEC00;
	(pc) =	sbr.rel @p0 .LBB2_6-.Ltmp2, $4  }
0x8a: {  	[spmem:s2] =	stream.indirect.scatter.add.f32 [tilespmem:s21], [sflag:$0x6], $0x80, s18, s13, $0xb8;
	[tilespmem:$0x1F720] =	vst v63  }
0x8b: {  	_ =	swait.ge [sflag:s10], $0x1400  }
0x8c: {  	[sflag:s10] =	ssyncset.done $0x0  }
0x8d: {  	s16 =	sadd.s32 $0x168, s16;
	[sflag:s10] =	ssyncadd.s32 $0xFFFFEC00  }
0x8e: {  	[tilespmem:s21], [sflag:$0x5] =	stream.indirect.gather [hbm4b:s4+s13], $0x80, s16, s13, $0xb8;
	[tilespmem:$0x1F720] =	vst v63  }
0x8f: {  	_ =	swait.ge [sflag:s22], $0x1400  }
0x90: {  	[sflag:s22] =	ssyncset.done $0x0  }
0x91: {  	[sflag:s22] =	ssyncadd.s32 $0xFFFFEC00  }
0x92: {  	[spmem:s2] =	stream.indirect.scatter.add.f32 [tilespmem:s14], [sflag:$0x6], $0x80, s29, s13, $0xb8;
	[tilespmem:$0x1F720] =	vst v63  }
0x93: {  	_ =	swait.ge [sflag:s10], $0x1400  }
0x94: {  	[sflag:s10] =	ssyncset.done $0x0  }
0x95: {  	[sflag:s10] =	ssyncadd.s32 $0xFFFFEC00  }
0x96: {  	_ =	swait.ge [sflag:s23], $0x1400  }
0x97: {  	[sflag:s23] =	ssyncset.done $0x0  }
0x98: {  	[sflag:s23] =	ssyncadd.s32 $0xFFFFEC00  }
0x99: {  	[spmem:s2] =	stream.indirect.scatter.add.f32 [tilespmem:s15], [sflag:$0x6], $0x80, s30, s13, $0xb8;
	[tilespmem:$0x1F720] =	vst v63  }
0x9a: {  	_ =	swait.ge [sflag:s10], $0x1400  }
0x9b: {  	[sflag:s10] =	ssyncset.done $0x0  }
0x9c: {  	[sflag:s10] =	ssyncadd.s32 $0xFFFFEC00  }
0x9d: {  	_ =	swait.ge [sflag:s24], $0x1400  }
0x9e: {  	[sflag:s24] =	ssyncset.done $0x0  }
0x9f: {  	[sflag:s24] =	ssyncadd.s32 $0xFFFFEC00  }
0xa0: {  	[spmem:s2] =	stream.indirect.scatter.add.f32 [tilespmem:s17], [sflag:$0x6], $0x80, s31, s13, $0xb8;
	[tilespmem:$0x1F720] =	vst v63  }
0xa1: {  	_ =	swait.ge [sflag:s10], $0x1400  }
0xa2: {  	[sflag:s10] =	ssyncset.done $0x0  }
0xa3: {  	[sflag:s10] =	ssyncadd.s32 $0xFFFFEC00  }
0xa4: {  	_ =	swait.ge [sflag:s26], $0x1400  }
0xa5: {  	[sflag:s26] =	ssyncset.done $0x0  }
0xa6: {  	[sflag:s26] =	ssyncadd.s32 $0xFFFFEC00  }
0xa7: {  	[spmem:s2] =	stream.indirect.scatter.add.f32 [tilespmem:s19], [sflag:$0x6], $0x80, s1, s13, $0xb8;
	[tilespmem:$0x1F720] =	vst v63  }
0xa8: {  	_ =	swait.ge [sflag:s10], $0x1400  }
0xa9: {  	[sflag:s10] =	ssyncset.done $0x0  }
0xaa: {  	[sflag:s10] =	ssyncadd.s32 $0xFFFFEC00  }
0xab: {  	_ =	swait.ge [sflag:s28], $0x1400  }
0xac: {  	[sflag:s28] =	ssyncset.done $0x0  }
0xad: {  	[sflag:s28] =	ssyncadd.s32 $0xFFFFEC00  }
0xae: {  	[spmem:s2] =	stream.indirect.scatter.add.f32 [tilespmem:s21], [sflag:$0x6], $0x80, s11, s13, $0xb8;
	[tilespmem:$0x1F720] =	vst v63  }
0xaf: {  	_ =	swait.ge [sflag:s10], $0x1400  }
0xb0: {  	s0 =	stileid.u32;
	s3 =	sadd.s32 $0x1, s3;
	[sflag:s10] =	ssyncset.done $0x0  }
0xb1: {  	s0 =	sshll.u32 s0, $0x6;
	p0 =	sne.s32 s3, s8;
	[sflag:s10] =	ssyncadd.s32 $0xFFFFEC00  }
.Ltmp3:
0xb2: {  	s0 =	sor.u32 $0x1C06, s0;
	[bflag:$0x0] =	sbarrier.arrive $0xFFFF;
	(pc) =	sbr.rel @p0 .LBB2_1-.Ltmp3, $4  }
0xb3: {  	[hbm:s7], [sflag:s0] =	dma.local [spmem:s25], $0x2710  }
0xb4: {  	_ =	swait.ge [sflag:s10], $0x2710  }
0xb5: {  	[sflag:s10] =	ssyncset.done $0x0  }
0xb6: {  	[sflag:s10] =	ssyncadd.s32 $0xFFFFD8F0  }
0xb7: {  	_ =	sfence.sel $0x180000  }
0xb8: {  	[bflag:$0x0] =	sbarrier.arrive $0xFFFF  }
0xb9: {  	_ =	strace $0x9000004D  }
0xba: {  	s0 =	stileid.u32;
	[bflag:$0x2] =	sbarrier.arrive $0xFFFF  }
0xbb: {  	p0 =	sne.s32 s0, $0x0;
	s0 =	rddreg [dreg:$0x2]  }
0xbc: {  	s0 =	sadd.s32 @!p0 $0x100000, s0  }
0xbd: {  	[sflag:s0] =	ssyncadd.tile.s32 @!p0 $0x1;
	_ =	shalt  }
.Lfunc_end2:
_tile_overlayer_lowered:
.L_overlay_start_2:
0xbe: {  	(tag) =	ssettag $0x2  }
0xbf: {  	s0 =	rddreg [dreg:$0x0];
	s2 =	stileid.u32  }
0xc0: {  	s1 =	rddreg [dreg:$0x1];
	p0 =	sne.s32 s2, $0x0  }
0xc1: {  	s3 =	rddreg [dreg:$0x2];
	[bflag:$0x3] =	sbarrier.arrive $0xFFFF;
	s2 =	simm.s32 @!p0 $0x1C06  }
0xc2: {  	[timem:s3], [sflag:s2] =	dma.local @!p0 [hbm:s0], s1  }
0xc3: {  	s0 =	simm.s32 @!p0 $0x6  }
0xc4: {  	_ =	swait.ge @!p0 [sflag:s0], s1  }
0xc5: {  	s1 =	ssub.s32 @!p0 $0x0, s1;
	[sflag:s0] =	ssyncset.done @!p0 $0x0  }
0xc6: {  	[sflag:s0] =	ssyncadd.s32 @!p0 s1  }
0xc7: {  	[bflag:$0x3] =	sbarrier.arrive $0xFFFF  }
0xc8: {  	_ =	shalt  }

// kernel: kernel.8.cloned.1.call-start
scs
__scs_entry_jumppad:
0x0: {  	(pc) =	sbr.rel $0x88, $3  }
0x1: {  	(tag) =	ssettag $0x0;
	lr =	simm.s32 $0x1  }
0x2: {  	[smem:$0x3F97] =	sst lr;
	_ =	strace $0xD0000000  }
0x3: {  	_ = 	snop  }
0x4: {  	_ = 	snop  }
0x5: {  	_ = 	snop  }
0x6: {  	_ = 	snop  }
0x7: {  	_ = 	snop  }
__scs_overlays_trampoline_lowered:
0x8: {  	[smem:$0x3FA6] =	sst s0  }
0x9: {  	[smem:$0x3FA7] =	sst s1  }
0xa: {  	[smem:$0x3FA8] =	sst s2  }
0xb: {  	[smem:$0x3FA9] =	sst s3  }
0xc: {  	[smem:$0x3FAA] =	sst s4  }
0xd: {  	[smem:$0x3FAB] =	sst s5  }
0xe: {  	[smem:$0x3FAC] =	sst s6  }
0xf: {  	[smem:$0x3FAD] =	sst s7  }
0x10: {  	[smem:$0x3FAE] =	sst s8  }
0x11: {  	[smem:$0x3FAF] =	sst s9;
	s0 =	simm.s32 @!p0 $0x0  }
0x12: {  	s1 =	sld [smem:$0x3F95];
	s0 =	simm.s32 @p0 $0x1  }
0x13: {  	[smem:$0x3FB0] =	sst s0;
	s0 =	simm.s32 @!p1 $0x0  }
0x14: {  	s2 =	sld [smem:$0x3F94];
	s0 =	simm.s32 @p1 $0x1  }
0x15: {  	[smem:$0x3FB1] =	sst s0;
	s0 =	simm.s32 @!p2 $0x0  }
0x16: {  	s3 =	sld [smem:$0x3FDB];
	s0 =	simm.s32 @p2 $0x1  }
0x17: {  	s4 =	simm.s32 $0x1BF5;
	[smem:$0x3FB3] =	sst s0  }
0x18: {  	s0 =	sld [smem:$0x3F96];
	_ =	swait.ge [sflag:s4], $0x0  }
0x19: {  	s7 =	sld [smem:$0x3F97]  }
0x1a: {  	s8 =	sadd.s32 $0xFFFFE003, lr  }
0x1b: {  	s9 =	sadd.s32 $0xFFFFFEF7, lr;
	s5 =	simm.s32 $0xFFFFFFFF;
	p2 =	slt.u32 s8, $0xFFFFF086  }
0x1c: {  	p1 =	slt.u32 s9, $0xF7A;
	s5 =	simm.s32 @!p2 $0x0  }
0x1d: {  	s5 =	simm.s32 @p1 $0x1;
	p0 =	seq.s32 s7, s2  }
0x1e: {  	s7 =	smul.u32 @!p0 $0xF7A, s2;
	p2 =	seq.s32 @!p0 s5, $0x0  }
0x1f: {  	s9 =	smul.u32 $0xF7A, s1;
	s8 =	simm.s32 @!p0 $0x1BF5;
	p2 =	por !p2, p0  }
0x20: {  	[sflag:s8] =	ssyncset.s32 @!p0 $0xFFFFF086;
	s6 =	sadd.s32 @!p0 s3, s7;
	s7 =	simm.s32 @!p0 $0x108  }
0x21: {  	s3 =	sadd.s32 s3, s9;
	s6 =	sadd.s32 @!p0 $0x88, s6;
	s7 =	simm.s32 @p2 $0x1082  }
0x22: {  	[simem:s7], [sflag:s8] =	dma.local @!p0 [hbm:s6], $0xF7A  }
0x23: {  	s9 =	sor.u32 $0xD0000000, s2;
	s6 =	simm.s32 $0x108;
	_ =	swait.ge @!p0 [sflag:s8], $0x0  }
0x24: {  	s3 =	sadd.s32 $0x88, s3;
	s6 =	simm.s32 @!p1 $0x1082;
	[sflag:s4] =	ssyncset.s32 $0xFFFFF086  }
0x25: {  	[simem:s6], [sflag:s4] =	dma.local [hbm:s3], $0xF7A  }
0x26: {  	[smem:$0x3F97] =	sst s1;
	(tag) =	ssettag s2;
	_ =	strace s9  }
0x27: {  	s1 =	sld [smem:$0x3FA7]  }
0x28: {  	s2 =	sld [smem:$0x3FA8]  }
0x29: {  	s4 =	sld [smem:$0x3FAA]  }
0x2a: {  	p0 =	seq.s32 s5, $0x0;
	s5 =	sld [smem:$0x3FAB]  }
0x2b: {  	s6 =	sld [smem:$0x3FAC]  }
0x2c: {  	s7 =	sld [smem:$0x3FAD]  }
0x2d: {  	s3 =	simm.s32 $0x108;
	s8 =	sld [smem:$0x3FAE]  }
0x2e: {  	s3 =	simm.s32 @!p0 $0x1082;
	s9 =	sld [smem:$0x3FAF]  }
0x2f: {  	lr =	sadd.s32 s0, s3;
	s0 =	sld [smem:$0x3FA6]  }
0x30: {  	s3 =	sld [smem:$0x3FA9]  }
0x31: {  	[smem:$0x3FB2] =	sst s10  }
0x32: {  	s10 =	sld [smem:$0x3FB0];
	_ =	sdelay $0x3  }
0x33: {  	p0 =	seq.s32 s10, $0x1;
	s10 =	sld [smem:$0x3FB2];
	_ =	sdelay $0x3  }
0x34: {  	[smem:$0x3FB2] =	sst s10  }
0x35: {  	s10 =	sld [smem:$0x3FB1];
	_ =	sdelay $0x3  }
0x36: {  	p1 =	seq.s32 s10, $0x1;
	s10 =	sld [smem:$0x3FB2];
	_ =	sdelay $0x3  }
0x37: {  	[smem:$0x3FB2] =	sst s10  }
0x38: {  	s10 =	sld [smem:$0x3FB3]  }
0x39: {  	_ = 	snop;
	(pc) =	sbr.ind lr, $3  }
0x3a: {  	_ = 	snop  }
0x3b: {  	_ = 	snop  }
0x3c: {  	p2 =	seq.s32 s10, $0x1;
	s10 =	sld [smem:$0x3FB2]  }
0x3d: {  	_ =	shalt  }
0x3e: {  	_ =	shalt  }
0x3f: {  	_ =	shalt  }
0x40: {  	_ =	shalt  }
0x41: {  	_ =	shalt  }
0x42: {  	_ =	shalt  }
0x43: {  	_ =	shalt  }
0x44: {  	_ =	shalt  }
0x45: {  	_ =	shalt  }
0x46: {  	_ =	shalt  }
0x47: {  	_ =	shalt  }
0x48: {  	_ =	shalt  }
0x49: {  	_ =	shalt  }
0x4a: {  	_ =	shalt  }
0x4b: {  	_ =	shalt  }
0x4c: {  	_ =	shalt  }
0x4d: {  	_ =	shalt  }
0x4e: {  	_ =	shalt  }
0x4f: {  	_ =	shalt  }
0x50: {  	_ =	shalt  }
0x51: {  	_ =	shalt  }
0x52: {  	_ =	shalt  }
0x53: {  	_ =	shalt  }
0x54: {  	_ =	shalt  }
0x55: {  	_ =	shalt  }
0x56: {  	_ =	shalt  }
0x57: {  	_ =	shalt  }
0x58: {  	_ =	shalt  }
0x59: {  	_ =	shalt  }
0x5a: {  	_ =	shalt  }
0x5b: {  	_ =	shalt  }
0x5c: {  	_ =	shalt  }
0x5d: {  	_ =	shalt  }
0x5e: {  	_ =	shalt  }
0x5f: {  	_ =	shalt  }
0x60: {  	_ =	shalt  }
0x61: {  	_ =	shalt  }
0x62: {  	_ =	shalt  }
0x63: {  	_ =	shalt  }
0x64: {  	_ =	shalt  }
0x65: {  	_ =	shalt  }
0x66: {  	_ =	shalt  }
0x67: {  	_ =	shalt  }
0x68: {  	_ =	shalt  }
0x69: {  	_ =	shalt  }
0x6a: {  	_ =	shalt  }
0x6b: {  	_ =	shalt  }
0x6c: {  	_ =	shalt  }
0x6d: {  	_ =	shalt  }
0x6e: {  	_ =	shalt  }
0x6f: {  	_ =	shalt  }
0x70: {  	_ =	shalt  }
0x71: {  	_ =	shalt  }
0x72: {  	_ =	shalt  }
0x73: {  	_ =	shalt  }
0x74: {  	_ =	shalt  }
0x75: {  	_ =	shalt  }
0x76: {  	_ =	shalt  }
0x77: {  	_ =	shalt  }
0x78: {  	_ =	shalt  }
0x79: {  	_ =	shalt  }
0x7a: {  	_ =	shalt  }
0x7b: {  	_ =	shalt  }
0x7c: {  	_ =	shalt  }
0x7d: {  	_ =	shalt  }
0x7e: {  	_ =	shalt  }
0x7f: {  	_ =	shalt  }
0x80: {  	_ =	shalt  }
0x81: {  	_ =	shalt  }
0x82: {  	_ =	shalt  }
0x83: {  	_ =	shalt  }
0x84: {  	_ =	shalt  }
0x85: {  	_ =	shalt  }
0x86: {  	_ =	shalt  }
0x87: {  	_ =	shalt  }
.Lfunc_end0:
.L_simem_size_0:
called_computation_lowered:
.L_overlay_start_0:
0x88: {  	s2 =	sld [smem:$0x3FD9]  }
0x89: {  	s3 =	sld [smem:$0x3FFE];
	_ =	sdelay $0x1  }
0x8a: {  	s1 =	srdreg.scid  }
0x8b: {  	s0 =	sand.u32 $0x1, s1  }
0x8c: {  	s17 =	sshll.u32 s0, $0xA;
	s2 =	sadd.s32 s3, s2  }
0x8d: {  	s2 =	sadd.s32 s2, s17  }
0x8e: {  	[smem:$0x3FBE] =	sst s2  }
0x8f: {  	_ = 	snop  }
0x90: {  	s2 =	sld [smem:$0x3FC7];
	(tm) =	ssettm $0x1  }
0x91: {  	s18 =	sld [smem:$0x3FFB];
	_ =	sdelay $0x3  }
0x92: {  	_ =	strace s18  }
0x93: {  	s3 =	sld [smem:$0x3FFC];
	_ =	sdelay $0x3  }
0x94: {  	_ =	strace s3  }
0x95: {  	s3 =	sld [smem:$0x3FFD];
	_ =	sdelay $0x3  }
0x96: {  	_ =	strace s3  }
0x97: {  	_ =	strace $0x8FFFFFFF  }
0x98: {  	s19 =	sld [smem:$0x3FDB];
	_ =	sdelay $0x1  }
0x99: {  	s4 =	simm.s32 $_scs_section_size  }
0x9a: {  	s5 =	simm.s32 $_size__tile_overlayer_lowered;
	s6 =	simm.s32 $_tile_overlayer_lowered  }
0x9b: {  	s22 =	simm.s32 $0x1BFF;
	s21 =	sshll.u32 s6, $0x1;
	s3 =	sadd.s32 s4, s19  }
0x9c: {  	s7 =	simm.s32 $0x0;
	s20 =	sshll.u32 s5, $0x1;
	s5 =	sadd.s32 s21, s3  }
0x9d: {  	[timem:s7], [sflag:s22] =	dma.local [hbm:s5], s20  }
0x9e: {  	_ =	swait.ge [sflag:s22], s20  }
0x9f: {  	s4 =	ssub.s32 $0x0, s20;
	[sflag:s22] =	ssyncset.done $0x0  }
0xa0: {  	[sflag:s22] =	ssyncadd.s32 s4;
	_ =	sdelay $0x1  }
0xa1: {  	s23 =	simm.s32 $0x1B8B  }
0xa2: {  	_ =	swait.ge [sflag:s23], $0x1  }
0xa3: {  	[sflag:s23] =	ssyncset.done $0x0  }
0xa4: {  	s25 =	simm.s32 $0x1B8E;
	s24 =	sld [smem:$0x3FFE];
	[sflag:s23] =	ssyncadd.s32 $0xFFFFFFFF  }
0xa5: {  	s26 =	simm.s32 $execute0_lowered;
	[smem:$0x3FD2] =	sst s25  }
0xa6: {  	s5 =	sshll.u32 s26, $0x1;
	_ =	strace $0x80000046;
	[dreg:$0x1] =	wrdreg $0xFFFFFFFF  }
0xa7: {  	s28 =	simm.s32 $_size_execute0_lowered;
	s3 =	sadd.s32 s3, s5;
	[dreg:$0x0] =	wrdreg $0x0  }
0xa8: {  	s5 =	sshll.u32 s28, $0x1;
	[dreg:$0x2] =	wrdreg s3  }
0xa9: {  	[dreg:$0x3] =	wrdreg s5  }
0xaa: {  	[dreg:$0x4] =	wrdreg $0xC0  }
0xab: {  	_ =	task [dreg:s7], $0x5FFFF  }
0xac: {  	[dreg:$0x1] =	wrdreg $0xFFFFFFFF  }
0xad: {  	[dreg:$0x0] =	wrdreg $0x60  }
0xae: {  	[dreg:$0x2] =	wrdreg s24  }
0xaf: {  	[dreg:$0x3] =	wrdreg s2  }
0xb0: {  	[dreg:$0x4] =	wrdreg $0x9  }
0xb1: {  	_ =	task.clear_ibuf [dreg:s7], $0x5FFFF;
	_ =	strace $0x90000046  }
0xb2: {  	s29 =	simm.s32 $0x9;
	_ =	strace $0x80000048  }
0xb3: {  	_ =	swait.ge [sflag:s29], $0x1  }
0xb4: {  	[sflag:s29] =	ssyncadd.s32 $0xFFFFFFFF  }
0xb5: {  	_ =	strace $0x90000048  }
0xb6: {  	_ =	sfence  }
0xb7: {  	s30 =	sld [smem:$0x0];
	_ =	sdelay $0x2  }
0xb8: {  	s31 =	sshll.u32 s1, $0xD;
	s1 =	sshrl.u32 s1, $0x2  }
0xb9: {  	s3 =	sand.u32 $0x4000, s31;
	s1 =	sadd.s32 s1, s30  }
0xba: {  	s0 =	sor.u32 s3, s0;
	s1 =	sshll.u32 s1, $0x11  }
0xbb: {  	s0 =	sor.u32 s1, s0  }
0xbc: {  	s0 =	sadd.s32 $0x8F2B, s0  }
0xbd: {  	[sflag:s0] =	ssyncadd.remote.s32 $0x1  }
0xbe: {  	_ =	sfence.sel $0xFFFF  }
0xbf: {  	[dreg:$0x0] =	wrdreg $0xFFFFFFFF;
	(pc) =	sbr.abs _section_cstart, $3  }
0xc0: {  	[dreg:$0x1] =	wrdreg $0xFFFFFFFF  }
0xc1: {  	_ =	task.clear_ibuf [dreg:s7], $0x2FFFF;
	_ =	strace $0x9FFFFFFF  }
0xc2: {  	(tm) =	ssettm $0x7FFFFFFF  }
0xc3: {  	_ =	shalt  }
tec
execute0_lowered:
.L_overlay_start_1:
0x0: {  	(tag) =	ssettag $0x1  }
0x1: {  	s4 =	rddreg [dreg:$0x0]  }
0x2: {  	s0 =	srdreg.scid;
	s5 =	rddreg [dreg:$0x1]  }
0x3: {  	s2 =	simm.s32 $0x0;
	s17 =	simm.s32 $0x4E20;
	s18 =	simm.s32 $0x1  }
0x4: {  	s19 =	simm.s32 $0x2710;
	s20 =	simm.s32 $0x5208;
	s21 =	simm.s32 $0x55F0  }
0x5: {  	s22 =	simm.s32 $0x59D8;
	s23 =	simm.s32 $0x5DC0;
	s3 =	sand.u32 $0x1, s0  }
0x6: {  	s24 =	simm.s32 $0x61A8;
	s0 =	stileid.u32;
	s1 =	sshll.u32 s3, $0x4  }
0x7: {  	s25 =	simm.s32 $0x6590;
	s26 =	simm.s32 $0x6978;
	s6 =	sor.u32 s0, s1  }
0x8: {  	s28 =	simm.s32 $0x6D60;
	s29 =	simm.s32 $0x7148;
	s7 =	smul.u32 $0x4E2, s6  }
0x9: {  	[smem:$0x7FF] =	sst s2;
	s9 =	ssub.s32 $0x2, s3;
	s6 =	smul.u32 $0x3E8, s6  }
0xa: {  	s30 =	simm.s32 $0x0;
	_ =	strace $0x80000047;
	s31 =	sshrl.u32 s9, $0x1  }
0xb: {  	s3 =	sadd.s32 $0x16400, s4;
	s16 =	ssub.s32 s9, s31;
	s6 =	sshrl.u32 s6, $0x3  }
0xc: {  	s16 =	smax.u32 s16, $0x1;
	s8 =	sadd.s32 s7, s4;
	s15 =	sadd.s32 s6, s4  }
0xd: {  	s5 =	sadd.s32 s5, s7;
	s4 =	sadd.s32 $0x2A00, s8;
	s6 =	sadd.s32 $0x16A00, s15  }
0xe: {  	s7 =	sadd.s32 $0x179A0, s15;
	s8 =	sadd.s32 $0x18940, s15;
	s9 =	sadd.s32 $0x198E0, s15  }
0xf: {  	s10 =	sadd.s32 $0x1A880, s15;
	s11 =	sadd.s32 $0x1B820, s15;
	s12 =	sadd.s32 $0x1C7C0, s15  }
0x10: {  	s13 =	sadd.s32 $0x1D760, s15;
	s14 =	sadd.s32 $0x1E700, s15;
	s15 =	sadd.s32 $0x1F6A0, s15  }
.LBB2_1:
0x11: {  	[tilespmem:s17], [sflag:$0x1] =	stream.linear.gather [hbm4b:s3+s2], $0x2710, $0x38;
	[tilespmem:$0x7530] =	vst v63  }
0x12: {  	_ =	swait.ge [sflag:s18], $0x2710  }
0x13: {  	[sflag:s18] =	ssyncset.done $0x0  }
0x14: {  	[sflag:s18] =	ssyncadd.s32 $0xFFFFD8F0  }
0x15: {  	[tilespmem:s2], [sflag:$0x1] =	stream.linear.gather [hbm4b:s4+s2], $0x2710, $0x38;
	[tilespmem:$0x7530] =	vst v63  }
0x16: {  	_ =	swait.ge [sflag:s18], $0x2710  }
0x17: {  	[sflag:s18] =	ssyncset.done $0x0  }
0x18: {  	[sflag:s18] =	ssyncadd.s32 $0xFFFFD8F0  }
0x19: {  	[tilespmem:s19], [sflag:$0x1] =	stream.linear.gather [hbm4b:s5+s2], $0x2710, $0x38;
	[tilespmem:$0x7530] =	vst v63  }
0x1a: {  	_ =	swait.ge [sflag:s18], $0x2710  }
0x1b: {  	[sflag:s18] =	ssyncset.done $0x0  }
0x1c: {  	s31 =	simm.s32 $0x0;
	[sflag:s18] =	ssyncadd.s32 $0xFFFFD8F0  }
.LBB2_2:
0x1d: {  	s1 =	sshra.s32 s31, $0x2  }
0x1e: {  	v0 =	vld [tilespmem:s1+$0x0];
	_ =	sdelay $0x4  }
0x1f: {  	v1 =	vmul.u32 $0x20C5, v0;
	_ =	sdelay $0x1  }
0x20: {  	v1 =	vshrl.u32 v1, $0x17  }
0x21: {  	v1 =	vmul.u32 $0x3E8, v1;
	_ =	sdelay $0x1  }
0x22: {  	v2 =	vsub.s32 v0, v1  }
0x23: {  	v2 =	vand.u32 $0xFFFFFFF8, v2  }
0x24: {  	v3 =	vld [tilespmem:s1+$0x2710];
	v0 =	vand.u32 $0x7, v0;
	v1 =	vadd.s32 v1, v2  }
0x25: {  	v0 =	vor.u32 v0, v1;
	_ =	sdelay $0x3  }
0x26: {  	v47 =	vand.u32 $0x7FFFFFFF, v3  }
0x27: {  	[tilespmem:v0+s17+$0x0] =	vst.idx.add.f32.msk $0xffff, v47  }
0x28: {  	v0 =	vld [tilespmem:s1+$0x10];
	_ =	sdelay $0x4  }
0x29: {  	v48 =	vmul.u32 $0x20C5, v0;
	_ =	sdelay $0x1  }
0x2a: {  	v1 =	vshrl.u32 v48, $0x17  }
0x2b: {  	v1 =	vmul.u32 $0x3E8, v1;
	_ =	sdelay $0x1  }
0x2c: {  	v49 =	vsub.s32 v0, v1  }
0x2d: {  	v2 =	vand.u32 $0xFFFFFFF8, v49  }
0x2e: {  	v50 =	vld [tilespmem:s1+$0x2720];
	v0 =	vand.u32 $0x7, v0;
	v1 =	vadd.s32 v1, v2  }
0x2f: {  	v0 =	vor.u32 v0, v1;
	_ =	sdelay $0x3  }
0x30: {  	v51 =	vand.u32 $0x7FFFFFFF, v50  }
0x31: {  	[tilespmem:v0+s17+$0x0] =	vst.idx.add.f32.msk $0xffff, v51  }
0x32: {  	v0 =	vld [tilespmem:s1+$0x20];
	_ =	sdelay $0x4  }
0x33: {  	v52 =	vmul.u32 $0x20C5, v0;
	_ =	sdelay $0x1  }
0x34: {  	v1 =	vshrl.u32 v52, $0x17  }
0x35: {  	v1 =	vmul.u32 $0x3E8, v1;
	_ =	sdelay $0x1  }
0x36: {  	v53 =	vsub.s32 v0, v1  }
0x37: {  	v2 =	vand.u32 $0xFFFFFFF8, v53  }
0x38: {  	v54 =	vld [tilespmem:s1+$0x2730];
	v0 =	vand.u32 $0x7, v0;
	v1 =	vadd.s32 v1, v2  }
0x39: {  	v0 =	vor.u32 v0, v1;
	_ =	sdelay $0x3  }
0x3a: {  	v55 =	vand.u32 $0x7FFFFFFF, v54  }
0x3b: {  	[tilespmem:v0+s17+$0x0] =	vst.idx.add.f32.msk $0xffff, v55  }
0x3c: {  	v0 =	vld [tilespmem:s1+$0x30];
	_ =	sdelay $0x4  }
0x3d: {  	v56 =	vmul.u32 $0x20C5, v0;
	_ =	sdelay $0x1  }
0x3e: {  	v1 =	vshrl.u32 v56, $0x17  }
0x3f: {  	v1 =	vmul.u32 $0x3E8, v1;
	_ =	sdelay $0x1  }
0x40: {  	v57 =	vsub.s32 v0, v1  }
0x41: {  	v2 =	vand.u32 $0xFFFFFFF8, v57  }
0x42: {  	v58 =	vld [tilespmem:s1+$0x2740];
	v0 =	vand.u32 $0x7, v0;
	v1 =	vadd.s32 v1, v2  }
0x43: {  	v0 =	vor.u32 v0, v1;
	_ =	sdelay $0x3  }
0x44: {  	v59 =	vand.u32 $0x7FFFFFFF, v58  }
0x45: {  	[tilespmem:v0+s17+$0x0] =	vst.idx.add.f32.msk $0xffff, v59  }
0x46: {  	v0 =	vld [tilespmem:s1+$0x40];
	_ =	sdelay $0x4  }
0x47: {  	v60 =	vmul.u32 $0x20C5, v0;
	_ =	sdelay $0x1  }
0x48: {  	v1 =	vshrl.u32 v60, $0x17  }
0x49: {  	v1 =	vmul.u32 $0x3E8, v1;
	_ =	sdelay $0x1  }
0x4a: {  	v61 =	vsub.s32 v0, v1  }
0x4b: {  	v2 =	vand.u32 $0xFFFFFFF8, v61  }
0x4c: {  	v62 =	vld [tilespmem:s1+$0x2750];
	v0 =	vand.u32 $0x7, v0;
	v1 =	vadd.s32 v1, v2  }
0x4d: {  	p0 =	sne.s32 s31, $0x9B00;
	v0 =	vor.u32 v0, v1  }
.Ltmp0:
0x4e: {  	_ = 	snop;
	(pc) =	sbr.rel @p0 .LBB2_2-.Ltmp0, $3  }
0x4f: {  	_ =	sdelay $0x1  }
0x50: {  	v63 =	vand.u32 $0x7FFFFFFF, v62  }
0x51: {  	s31 =	sadd.s32 $0x140, s31;
	[tilespmem:v0+s17+$0x0] =	vst.idx.add.f32.msk $0xffff, v63  }
0x52: {  	[hbm4b:s6+s2] =	stream.linear.scatter [tilespmem:s17], [sflag:$0x1], $0x3E8, $0x38;
	[tilespmem:$0x7530] =	vst v63  }
0x53: {  	_ =	swait.ge [sflag:s18], $0x3E8  }
0x54: {  	[sflag:s18] =	ssyncset.done $0x0  }
0x55: {  	[sflag:s18] =	ssyncadd.s32 $0xFFFFFC18  }
0x56: {  	[hbm4b:s7+s2] =	stream.linear.scatter [tilespmem:s20], [sflag:$0x1], $0x3E8, $0x38;
	[tilespmem:$0x7530] =	vst v63  }
0x57: {  	_ =	swait.ge [sflag:s18], $0x3E8  }
0x58: {  	[sflag:s18] =	ssyncset.done $0x0  }
0x59: {  	[sflag:s18] =	ssyncadd.s32 $0xFFFFFC18  }
0x5a: {  	[hbm4b:s8+s2] =	stream.linear.scatter [tilespmem:s21], [sflag:$0x1], $0x3E8, $0x38;
	[tilespmem:$0x7530] =	vst v63  }
0x5b: {  	_ =	swait.ge [sflag:s18], $0x3E8  }
0x5c: {  	[sflag:s18] =	ssyncset.done $0x0  }
0x5d: {  	[sflag:s18] =	ssyncadd.s32 $0xFFFFFC18  }
0x5e: {  	[hbm4b:s9+s2] =	stream.linear.scatter [tilespmem:s22], [sflag:$0x1], $0x3E8, $0x38;
	[tilespmem:$0x7530] =	vst v63  }
0x5f: {  	_ =	swait.ge [sflag:s18], $0x3E8  }
0x60: {  	[sflag:s18] =	ssyncset.done $0x0  }
0x61: {  	[sflag:s18] =	ssyncadd.s32 $0xFFFFFC18  }
0x62: {  	[hbm4b:s10+s2] =	stream.linear.scatter [tilespmem:s23], [sflag:$0x1], $0x3E8, $0x38;
	[tilespmem:$0x7530] =	vst v63  }
0x63: {  	_ =	swait.ge [sflag:s18], $0x3E8  }
0x64: {  	[sflag:s18] =	ssyncset.done $0x0  }
0x65: {  	[sflag:s18] =	ssyncadd.s32 $0xFFFFFC18  }
0x66: {  	[hbm4b:s11+s2] =	stream.linear.scatter [tilespmem:s24], [sflag:$0x1], $0x3E8, $0x38;
	[tilespmem:$0x7530] =	vst v63  }
0x67: {  	_ =	swait.ge [sflag:s18], $0x3E8  }
0x68: {  	[sflag:s18] =	ssyncset.done $0x0  }
0x69: {  	[sflag:s18] =	ssyncadd.s32 $0xFFFFFC18  }
0x6a: {  	[hbm4b:s12+s2] =	stream.linear.scatter [tilespmem:s25], [sflag:$0x1], $0x3E8, $0x38;
	[tilespmem:$0x7530] =	vst v63  }
0x6b: {  	_ =	swait.ge [sflag:s18], $0x3E8  }
0x6c: {  	[sflag:s18] =	ssyncset.done $0x0  }
0x6d: {  	[sflag:s18] =	ssyncadd.s32 $0xFFFFFC18  }
0x6e: {  	[hbm4b:s13+s2] =	stream.linear.scatter [tilespmem:s26], [sflag:$0x1], $0x3E8, $0x38;
	[tilespmem:$0x7530] =	vst v63  }
0x6f: {  	_ =	swait.ge [sflag:s18], $0x3E8  }
0x70: {  	[sflag:s18] =	ssyncset.done $0x0  }
0x71: {  	[sflag:s18] =	ssyncadd.s32 $0xFFFFFC18  }
0x72: {  	[hbm4b:s14+s2] =	stream.linear.scatter [tilespmem:s28], [sflag:$0x1], $0x3E8, $0x38;
	[tilespmem:$0x7530] =	vst v63  }
0x73: {  	s30 =	sadd.s32 $0x1, s30;
	_ =	swait.ge [sflag:s18], $0x3E8  }
0x74: {  	p0 =	sne.s32 s30, s16;
	[sflag:s18] =	ssyncset.done $0x0  }
.Ltmp1:
0x75: {  	[sflag:s18] =	ssyncadd.s32 $0xFFFFFC18;
	(pc) =	sbr.rel @p0 .LBB2_1-.Ltmp1, $4  }
0x76: {  	[hbm4b:s15+s2] =	stream.linear.scatter [tilespmem:s29], [sflag:$0x1], $0x3E8, $0x38;
	[tilespmem:$0x7530] =	vst v63  }
0x77: {  	_ =	swait.ge [sflag:s18], $0x3E8  }
0x78: {  	[sflag:s18] =	ssyncset.done $0x0  }
0x79: {  	[sflag:s18] =	ssyncadd.s32 $0xFFFFFC18  }
0x7a: {  	_ =	sfence.sel $0x180000  }
0x7b: {  	[bflag:$0x0] =	sbarrier.arrive $0xFFFF  }
0x7c: {  	_ =	strace $0x90000047  }
0x7d: {  	[bflag:$0x2] =	sbarrier.arrive $0xFFFF  }
0x7e: {  	p0 =	sne.s32 s0, $0x0;
	s0 =	rddreg [dreg:$0x2]  }
0x7f: {  	s0 =	sadd.s32 @!p0 $0x100000, s0  }
0x80: {  	[sflag:s0] =	ssyncadd.tile.s32 @!p0 $0x1;
	_ =	shalt  }
.Lfunc_end2:
_tile_overlayer_lowered:
.L_overlay_start_2:
0x81: {  	(tag) =	ssettag $0x2  }
0x82: {  	s0 =	rddreg [dreg:$0x0];
	s2 =	stileid.u32  }
0x83: {  	s1 =	rddreg [dreg:$0x1];
	p0 =	sne.s32 s2, $0x0  }
0x84: {  	s3 =	rddreg [dreg:$0x2];
	[bflag:$0x3] =	sbarrier.arrive $0xFFFF;
	s2 =	simm.s32 @!p0 $0x1C01  }
0x85: {  	[timem:s3], [sflag:s2] =	dma.local @!p0 [hbm:s0], s1  }
0x86: {  	s0 =	simm.s32 @!p0 $0x1  }
0x87: {  	_ =	swait.ge @!p0 [sflag:s0], s1  }
0x88: {  	s1 =	ssub.s32 @!p0 $0x0, s1;
	[sflag:s0] =	ssyncset.done @!p0 $0x0  }
0x89: {  	[sflag:s0] =	ssyncadd.s32 @!p0 s1  }
0x8a: {  	[bflag:$0x3] =	sbarrier.arrive $0xFFFF  }
0x8b: {  	_ =	shalt  }

</sc_bundles>
